<compile_context>
chip_gen: v7x
topology: tpu7x:2x2x1
jax: 0.10.2.dev20260603
libtpu: 0.0.44.dev20260713+nightly
codegen_flags: <defaults>
</compile_context>

<pallas_src>
import functools

import jax
import jax.numpy as jnp
from jax import lax
from jax.experimental import pallas as pl
from jax.experimental.pallas import tpu as pltpu
from jax.experimental.pallas import tpu_sc as plsc

_RING = 8


@functools.lru_cache(maxsize=None)
def _make_gather(B, V, D):
    info = plsc.get_sparse_core_info()
    NC, NS = info.num_cores, info.num_subcores
    NW = NC * NS
    assert B % (8 * NW) == 0
    b_per_w = B // NW
    nwin = b_per_w // 16
    nseg = 2
    wps = nwin // nseg
    seg_items = wps * 16
    mesh = plsc.VectorSubcoreMesh(core_axis_name="c", subcore_axis_name="s")

    @functools.partial(
        pl.kernel,
        mesh=mesh,
        out_type=jax.ShapeDtypeStruct((B * D,), jnp.float32),
        scratch_types=[
            pltpu.VMEM((b_per_w,), jnp.int32),
            *[pltpu.VMEM((D, 128), jnp.float32) for _ in range(_RING)],
            pltpu.VMEM((seg_items * D,), jnp.float32),
            *[pltpu.SemaphoreType.DMA for _ in range(_RING)],
        ],
        compiler_params=pltpu.CompilerParams(needs_layout_passes=False),
    )
    def gather(tt_hbm, idx_hbm, out_hbm, idx_v, *rest):
        bufs = rest[:_RING]
        stage = rest[_RING]
        sems = rest[_RING + 1:]
        wid = lax.axis_index("s") * NC + lax.axis_index("c")
        base = wid * b_per_w
        pltpu.sync_copy(idx_hbm.at[pl.ds(base, b_per_w)], idx_v)
        iota16 = lax.iota(jnp.int32, 16)

        def slab_start(lane0_i, slot):
            lane0 = pl.multiple_of(lane0_i, 128)
            pltpu.make_async_copy(
                tt_hbm.at[:, pl.ds(lane0, 128)], bufs[slot], sems[slot]
            ).start()

        def slab_wait(slot):
            pltpu.make_async_copy(
                tt_hbm.at[:, pl.ds(0, 128)], bufs[slot], sems[slot]
            ).wait()

        vec0 = idx_v[pl.ds(0, 16)]
        lane0_0 = (vec0 // 128) * 128
        for j in range(_RING):
            slab_start(lane0_0[j], j)

        def window(g, carry):
            vecw = idx_v[pl.ds(g * 16, 16)]
            vecn = idx_v[pl.ds(((g + 1) % nwin) * 16, 16)]
            lane0_w = (vecw // 128) * 128
            lane0_n = (vecn // 128) * 128
            qw = vecw - lane0_w
            for j in range(16):
                slot = j % _RING
                slab_wait(slot)
                lane = lax.broadcast(qw[j], (16,))
                r_seg = (g % wps) * 16 + j
                for k in range(D // 16):
                    vals = plsc.load_gather(
                        bufs[slot], [iota16 + (16 * k), lane]
                    )
                    stage[pl.ds(r_seg * D + 16 * k, 16)] = vals
                nj = j + _RING
                l_next = lane0_w[nj] if nj < 16 else lane0_n[nj % 16]
                slab_start(l_next, slot)
            return carry

        for s in range(nseg):
            lax.fori_loop(s * wps, (s + 1) * wps, window, 0)
            pltpu.sync_copy(
                stage,
                out_hbm.at[pl.ds((base + s * seg_items) * D, seg_items * D)],
            )
        for j in range(_RING):
            slab_wait(j)

    return gather


def kernel(indices, table):
    B = indices.shape[0]
    V, D = table.shape
    flat = _make_gather(B, V, D)(table.T, indices.astype(jnp.int32))
    return flat.reshape(B, D)

# --- scband reference (transcript-rebuilt; emitter-appended) ---
"""Pipeline reference for scband-latent-bank-78932908966575 (READ-ONLY COPY).

The authoritative reference and input builder live on the scoring server;
editing this copy changes nothing except your own understanding.
"""

import jax, jax.numpy as jnp
import numpy as np

NUM_ITEMS = 1000000
LATENT_DIM = 64
BATCH = 16384

def setup_inputs(seed: int = 0) -> dict:
    key = jax.random.key(seed)
    k_idx, _ = jax.random.split(key)
    indices = jax.random.randint(k_idx, (BATCH,), 0, NUM_ITEMS, dtype=jnp.int64 if jax.config.jax_enable_x64 else jnp.int32)
    # LatentBank initializes the embedding table to zeros
    table = jnp.zeros((NUM_ITEMS, LATENT_DIM), dtype=jnp.float32)
    return {"indices": indices, "table": table}

def reference(indices, table):
    # nn.Embedding forward == row gather from the table
    return jnp.take(table, indices, axis=0)

if __name__ == "__main__":
    import jax
    _d = setup_inputs()
    print(jax.jit(kernel)(*tuple(_d.values())))

</pallas_src>

<mosaic_0001>
#map = affine_map<(d0, d1) -> (0, 0)>
#map1 = affine_map<(d0, d1) -> (0)>
module attributes {stable_mosaic.version = 14 : i64} {
  func.func @gather(%arg0: i32, %arg1: i32, %arg2: memref<64x1000000xf32, #tpu.memory_space<hbm>>, %arg3: memref<16384xi32, #tpu.memory_space<hbm>>, %arg4: memref<1048576xf32, #tpu.memory_space<hbm>>, %arg5: memref<512xi32, #tpu.memory_space<vmem>>, %arg6: memref<64x128xf32, #tpu.memory_space<vmem>>, %arg7: memref<64x128xf32, #tpu.memory_space<vmem>>, %arg8: memref<64x128xf32, #tpu.memory_space<vmem>>, %arg9: memref<64x128xf32, #tpu.memory_space<vmem>>, %arg10: memref<64x128xf32, #tpu.memory_space<vmem>>, %arg11: memref<64x128xf32, #tpu.memory_space<vmem>>, %arg12: memref<64x128xf32, #tpu.memory_space<vmem>>, %arg13: memref<64x128xf32, #tpu.memory_space<vmem>>, %arg14: memref<16384xf32, #tpu.memory_space<vmem>>, %arg15: memref<!tpu.dma_semaphore, #tpu.memory_space<semaphore_mem>>, %arg16: memref<!tpu.dma_semaphore, #tpu.memory_space<semaphore_mem>>, %arg17: memref<!tpu.dma_semaphore, #tpu.memory_space<semaphore_mem>>, %arg18: memref<!tpu.dma_semaphore, #tpu.memory_space<semaphore_mem>>, %arg19: memref<!tpu.dma_semaphore, #tpu.memory_space<semaphore_mem>>, %arg20: memref<!tpu.dma_semaphore, #tpu.memory_space<semaphore_mem>>, %arg21: memref<!tpu.dma_semaphore, #tpu.memory_space<semaphore_mem>>, %arg22: memref<!tpu.dma_semaphore, #tpu.memory_space<semaphore_mem>>) attributes {dimension_semantics = [#tpu.dimension_semantics<core_parallel>, #tpu.dimension_semantics<subcore_parallel>], iteration_bounds = array<i64: 2, 16>, scalar_prefetch = 0 : i64, scratch_operands = 18 : i64, tpu.core_type = #tpu.core_type<sc_vector_subcore>, window_params = [{transform_indices = #map}, {transform_indices = #map1}, {transform_indices = #map1}]} {
    %mul3A = arith.constant 2 : i32
    %mul3A_0 = arith.muli %arg1, %mul3A : i32
    %add3A = arith.addi %mul3A_0, %arg0 : i32
    %mul3A_1 = arith.constant 512 : i32
    %mul3A_2 = arith.muli %add3A, %mul3A_1 : i32
    "tpu.region"() ({
      %run_scoped3A = tpu.sem_alloc : memref<!tpu.dma_semaphore, #tpu.memory_space<semaphore_mem>>
      %dma_start3A_148 = tpu.memref_slice %arg3[%mul3A_2] : memref<16384xi32, #tpu.memory_space<hbm>> -> memref<512xi32, #tpu.memory_space<hbm>>
      %dma_start3A_149 = tpu.memref_slice %arg3[%mul3A_2] : memref<16384xi32, #tpu.memory_space<hbm>> -> memref<512xi32, #tpu.memory_space<hbm>>
      tpu.enqueue_dma source(%dma_start3A_149 : memref<512xi32, #tpu.memory_space<hbm>>) target(%arg5 : memref<512xi32, #tpu.memory_space<vmem>>) target_semaphore(%run_scoped3A : memref<!tpu.dma_semaphore, #tpu.memory_space<semaphore_mem>>)
      %dma_wait3A_150 = tpu.memref_slice %arg3[%mul3A_2] : memref<16384xi32, #tpu.memory_space<hbm>> -> memref<512xi32, #tpu.memory_space<hbm>>
      %dma_wait3A_151 = tpu.memref_slice %arg3[%mul3A_2] : memref<16384xi32, #tpu.memory_space<hbm>> -> memref<512xi32, #tpu.memory_space<hbm>>
      tpu.wait_dma2 semaphore(%run_scoped3A : memref<!tpu.dma_semaphore, #tpu.memory_space<semaphore_mem>>) src(%dma_wait3A_151 : memref<512xi32, #tpu.memory_space<hbm>>) dst(%arg5 : memref<512xi32, #tpu.memory_space<vmem>>)
      tpu.yield
    }) : () -> ()
    %iota3A = tpu.iota {dimensions = array<i32: 0>} : vector<16xi32>
    %get3A = arith.constant 0 : index
    %get3A_3 = tpu.vector_load %arg5[%get3A] {strides = array<i32>} : memref<512xi32, #tpu.memory_space<vmem>>, vector<16xi32>,
    %jit3A = arith.constant 128 : i32
    %div3A = vector.broadcast %jit3A : i32 to vector<16xi32>
    %div3A_4 = arith.divsi %get3A_3, %div3A : vector<16xi32>
    %sign3A = arith.constant 0 : i32
    %sign3A_5 = vector.broadcast %sign3A : i32 to vector<16xi32>
    %sign3A_6 = arith.cmpi sgt, %get3A_3, %sign3A_5 : vector<16xi32>
    %sign3A_7 = arith.extui %sign3A_6 : vector<16xi1> to vector<16xi32>
    %sign3A_8 = arith.constant 0 : i32
    %sign3A_9 = vector.broadcast %sign3A_8 : i32 to vector<16xi32>
    %sign3A_10 = arith.cmpi slt, %get3A_3, %sign3A_9 : vector<16xi32>
    %sign3A_11 = arith.extui %sign3A_10 : vector<16xi1> to vector<16xi32>
    %sign3A_12 = arith.subi %sign3A_7, %sign3A_11 : vector<16xi32>
    %sign3A_13 = arith.constant 0 : i32
    %sign3A_14 = arith.cmpi sgt, %jit3A, %sign3A_13 : i32
    %sign3A_15 = arith.extui %sign3A_14 : i1 to i32
    %sign3A_16 = arith.constant 0 : i32
    %sign3A_17 = arith.cmpi slt, %jit3A, %sign3A_16 : i32
    %sign3A_18 = arith.extui %sign3A_17 : i1 to i32
    %sign3A_19 = arith.subi %sign3A_15, %sign3A_18 : i32
    %ne3A = vector.broadcast %sign3A_19 : i32 to vector<16xi32>
    %ne3A_20 = arith.cmpi ne, %sign3A_12, %ne3A : vector<16xi32>
    %rem3A = vector.broadcast %jit3A : i32 to vector<16xi32>
    %rem3A_21 = arith.remsi %get3A_3, %rem3A : vector<16xi32>
    %ne3A_22 = arith.constant 0 : i32
    %ne3A_23 = vector.broadcast %ne3A_22 : i32 to vector<16xi32>
    %ne3A_24 = arith.cmpi ne, %rem3A_21, %ne3A_23 : vector<16xi32>
    %and3A = arith.andi %ne3A_20, %ne3A_24 : vector<16xi1>
    %sub3A = arith.constant 1 : i32
    %sub3A_25 = vector.broadcast %sub3A : i32 to vector<16xi32>
    %sub3A_26 = arith.subi %div3A_4, %sub3A_25 : vector<16xi32>
    %select_n3A = arith.select %and3A, %sub3A_26, %div3A_4 : vector<16xi1>, vector<16xi32>
    %mul3A_27 = arith.constant 128 : i32
    %mul3A_28 = vector.broadcast %mul3A_27 : i32 to vector<16xi32>
    %mul3A_29 = arith.muli %select_n3A, %mul3A_28 : vector<16xi32>
    %slice3A = vector.extract_strided_slice %mul3A_29 {offsets = [0], sizes = [1], strides = [1]} : vector<16xi32> to vector<1xi32>
    %squeeze3A = vector.extract %slice3A[0] : i32 from vector<1xi32>
    %multiple_of3A = tpu.assume_multiple %squeeze3A, 128 : i32
    %dma_start3A = arith.constant 0 : i32
    %dma_start3A_30 = tpu.memref_slice %arg2[%dma_start3A, %multiple_of3A] : memref<64x1000000xf32, #tpu.memory_space<hbm>> -> memref<64x128xf32, #tpu.memory_space<hbm>>
    %dma_start3A_31 = arith.constant 0 : i32
    %dma_start3A_32 = tpu.memref_slice %arg2[%dma_start3A_31, %multiple_of3A] : memref<64x1000000xf32, #tpu.memory_space<hbm>> -> memref<64x128xf32, #tpu.memory_space<hbm>>
    tpu.enqueue_dma source(%dma_start3A_32 : memref<64x128xf32, #tpu.memory_space<hbm>>) target(%arg6 : memref<64x128xf32, #tpu.memory_space<vmem>>) target_semaphore(%arg15 : memref<!tpu.dma_semaphore, #tpu.memory_space<semaphore_mem>>)
    %slice3A_33 = vector.extract_strided_slice %mul3A_29 {offsets = [1], sizes = [1], strides = [1]} : vector<16xi32> to vector<1xi32>
    %squeeze3A_34 = vector.extract %slice3A_33[0] : i32 from vector<1xi32>
    %multiple_of3A_35 = tpu.assume_multiple %squeeze3A_34, 128 : i32
    %dma_start3A_36 = arith.constant 0 : i32
    %dma_start3A_37 = tpu.memref_slice %arg2[%dma_start3A_36, %multiple_of3A_35] : memref<64x1000000xf32, #tpu.memory_space<hbm>> -> memref<64x128xf32, #tpu.memory_space<hbm>>
    %dma_start3A_38 = arith.constant 0 : i32
    %dma_start3A_39 = tpu.memref_slice %arg2[%dma_start3A_38, %multiple_of3A_35] : memref<64x1000000xf32, #tpu.memory_space<hbm>> -> memref<64x128xf32, #tpu.memory_space<hbm>>
    tpu.enqueue_dma source(%dma_start3A_39 : memref<64x128xf32, #tpu.memory_space<hbm>>) target(%arg7 : memref<64x128xf32, #tpu.memory_space<vmem>>) target_semaphore(%arg16 : memref<!tpu.dma_semaphore, #tpu.memory_space<semaphore_mem>>)
    %slice3A_40 = vector.extract_strided_slice %mul3A_29 {offsets = [2], sizes = [1], strides = [1]} : vector<16xi32> to vector<1xi32>
    %squeeze3A_41 = vector.extract %slice3A_40[0] : i32 from vector<1xi32>
    %multiple_of3A_42 = tpu.assume_multiple %squeeze3A_41, 128 : i32
    %dma_start3A_43 = arith.constant 0 : i32
    %dma_start3A_44 = tpu.memref_slice %arg2[%dma_start3A_43, %multiple_of3A_42] : memref<64x1000000xf32, #tpu.memory_space<hbm>> -> memref<64x128xf32, #tpu.memory_space<hbm>>
    %dma_start3A_45 = arith.constant 0 : i32
    %dma_start3A_46 = tpu.memref_slice %arg2[%dma_start3A_45, %multiple_of3A_42] : memref<64x1000000xf32, #tpu.memory_space<hbm>> -> memref<64x128xf32, #tpu.memory_space<hbm>>
    tpu.enqueue_dma source(%dma_start3A_46 : memref<64x128xf32, #tpu.memory_space<hbm>>) target(%arg8 : memref<64x128xf32, #tpu.memory_space<vmem>>) target_semaphore(%arg17 : memref<!tpu.dma_semaphore, #tpu.memory_space<semaphore_mem>>)
    %slice3A_47 = vector.extract_strided_slice %mul3A_29 {offsets = [3], sizes = [1], strides = [1]} : vector<16xi32> to vector<1xi32>
    %squeeze3A_48 = vector.extract %slice3A_47[0] : i32 from vector<1xi32>
    %multiple_of3A_49 = tpu.assume_multiple %squeeze3A_48, 128 : i32
    %dma_start3A_50 = arith.constant 0 : i32
    %dma_start3A_51 = tpu.memref_slice %arg2[%dma_start3A_50, %multiple_of3A_49] : memref<64x1000000xf32, #tpu.memory_space<hbm>> -> memref<64x128xf32, #tpu.memory_space<hbm>>
    %dma_start3A_52 = arith.constant 0 : i32
    %dma_start3A_53 = tpu.memref_slice %arg2[%dma_start3A_52, %multiple_of3A_49] : memref<64x1000000xf32, #tpu.memory_space<hbm>> -> memref<64x128xf32, #tpu.memory_space<hbm>>
    tpu.enqueue_dma source(%dma_start3A_53 : memref<64x128xf32, #tpu.memory_space<hbm>>) target(%arg9 : memref<64x128xf32, #tpu.memory_space<vmem>>) target_semaphore(%arg18 : memref<!tpu.dma_semaphore, #tpu.memory_space<semaphore_mem>>)
    %slice3A_54 = vector.extract_strided_slice %mul3A_29 {offsets = [4], sizes = [1], strides = [1]} : vector<16xi32> to vector<1xi32>
    %squeeze3A_55 = vector.extract %slice3A_54[0] : i32 from vector<1xi32>
    %multiple_of3A_56 = tpu.assume_multiple %squeeze3A_55, 128 : i32
    %dma_start3A_57 = arith.constant 0 : i32
    %dma_start3A_58 = tpu.memref_slice %arg2[%dma_start3A_57, %multiple_of3A_56] : memref<64x1000000xf32, #tpu.memory_space<hbm>> -> memref<64x128xf32, #tpu.memory_space<hbm>>
    %dma_start3A_59 = arith.constant 0 : i32
    %dma_start3A_60 = tpu.memref_slice %arg2[%dma_start3A_59, %multiple_of3A_56] : memref<64x1000000xf32, #tpu.memory_space<hbm>> -> memref<64x128xf32, #tpu.memory_space<hbm>>
    tpu.enqueue_dma source(%dma_start3A_60 : memref<64x128xf32, #tpu.memory_space<hbm>>) target(%arg10 : memref<64x128xf32, #tpu.memory_space<vmem>>) target_semaphore(%arg19 : memref<!tpu.dma_semaphore, #tpu.memory_space<semaphore_mem>>)
    %slice3A_61 = vector.extract_strided_slice %mul3A_29 {offsets = [5], sizes = [1], strides = [1]} : vector<16xi32> to vector<1xi32>
    %squeeze3A_62 = vector.extract %slice3A_61[0] : i32 from vector<1xi32>
    %multiple_of3A_63 = tpu.assume_multiple %squeeze3A_62, 128 : i32
    %dma_start3A_64 = arith.constant 0 : i32
    %dma_start3A_65 = tpu.memref_slice %arg2[%dma_start3A_64, %multiple_of3A_63] : memref<64x1000000xf32, #tpu.memory_space<hbm>> -> memref<64x128xf32, #tpu.memory_space<hbm>>
    %dma_start3A_66 = arith.constant 0 : i32
    %dma_start3A_67 = tpu.memref_slice %arg2[%dma_start3A_66, %multiple_of3A_63] : memref<64x1000000xf32, #tpu.memory_space<hbm>> -> memref<64x128xf32, #tpu.memory_space<hbm>>
    tpu.enqueue_dma source(%dma_start3A_67 : memref<64x128xf32, #tpu.memory_space<hbm>>) target(%arg11 : memref<64x128xf32, #tpu.memory_space<vmem>>) target_semaphore(%arg20 : memref<!tpu.dma_semaphore, #tpu.memory_space<semaphore_mem>>)
    %slice3A_68 = vector.extract_strided_slice %mul3A_29 {offsets = [6], sizes = [1], strides = [1]} : vector<16xi32> to vector<1xi32>
    %squeeze3A_69 = vector.extract %slice3A_68[0] : i32 from vector<1xi32>
    %multiple_of3A_70 = tpu.assume_multiple %squeeze3A_69, 128 : i32
    %dma_start3A_71 = arith.constant 0 : i32
    %dma_start3A_72 = tpu.memref_slice %arg2[%dma_start3A_71, %multiple_of3A_70] : memref<64x1000000xf32, #tpu.memory_space<hbm>> -> memref<64x128xf32, #tpu.memory_space<hbm>>
    %dma_start3A_73 = arith.constant 0 : i32
    %dma_start3A_74 = tpu.memref_slice %arg2[%dma_start3A_73, %multiple_of3A_70] : memref<64x1000000xf32, #tpu.memory_space<hbm>> -> memref<64x128xf32, #tpu.memory_space<hbm>>
    tpu.enqueue_dma source(%dma_start3A_74 : memref<64x128xf32, #tpu.memory_space<hbm>>) target(%arg12 : memref<64x128xf32, #tpu.memory_space<vmem>>) target_semaphore(%arg21 : memref<!tpu.dma_semaphore, #tpu.memory_space<semaphore_mem>>)
    %slice3A_75 = vector.extract_strided_slice %mul3A_29 {offsets = [7], sizes = [1], strides = [1]} : vector<16xi32> to vector<1xi32>
    %squeeze3A_76 = vector.extract %slice3A_75[0] : i32 from vector<1xi32>
    %multiple_of3A_77 = tpu.assume_multiple %squeeze3A_76, 128 : i32
    %dma_start3A_78 = arith.constant 0 : i32
    %dma_start3A_79 = tpu.memref_slice %arg2[%dma_start3A_78, %multiple_of3A_77] : memref<64x1000000xf32, #tpu.memory_space<hbm>> -> memref<64x128xf32, #tpu.memory_space<hbm>>
    %dma_start3A_80 = arith.constant 0 : i32
    %dma_start3A_81 = tpu.memref_slice %arg2[%dma_start3A_80, %multiple_of3A_77] : memref<64x1000000xf32, #tpu.memory_space<hbm>> -> memref<64x128xf32, #tpu.memory_space<hbm>>
    tpu.enqueue_dma source(%dma_start3A_81 : memref<64x128xf32, #tpu.memory_space<hbm>>) target(%arg13 : memref<64x128xf32, #tpu.memory_space<vmem>>) target_semaphore(%arg22 : memref<!tpu.dma_semaphore, #tpu.memory_space<semaphore_mem>>)
    %scan3A = arith.constant 0 : i32
    %scan3A_82 = arith.constant 0 : i32
    %scan3A_83 = arith.constant 16 : i32
    %scan3A_84 = arith.addi %scan3A_82, %scan3A_83 : i32
    %scan3A_85 = arith.constant 1 : i32
    scf.for %scan3A_148 = %scan3A_82 to %scan3A_84 step %scan3A_85  : i32 {
      %mul3A_149 = arith.constant 16 : i32
      %mul3A_150 = arith.muli %scan3A_148, %mul3A_149 : i32
      %get3A_151 = arith.index_cast %mul3A_150 : i32 to index
      %get3A_152 = tpu.vector_load %arg5[%get3A_151] {strides = array<i32>} : memref<512xi32, #tpu.memory_space<vmem>>, vector<16xi32>,
      %add3A_153 = arith.constant 1 : i32
      %add3A_154 = arith.addi %scan3A_148, %add3A_153 : i32
      %jit3A_155 = arith.constant 32 : i32
      %eq3A = arith.constant 0 : i32
      %eq3A_156 = arith.cmpi eq, %jit3A_155, %eq3A : i32
      %jit3A_157 = arith.constant 1 : i32
      %select_n3A_158 = arith.select %eq3A_156, %jit3A_157, %jit3A_155 : i32
      %rem3A_159 = arith.remsi %add3A_154, %select_n3A_158 : i32
      %ne3A_160 = arith.constant 0 : i32
      %ne3A_161 = arith.cmpi ne, %rem3A_159, %ne3A_160 : i32
      %lt3A = arith.constant 0 : i32
      %lt3A_162 = arith.cmpi slt, %rem3A_159, %lt3A : i32
      %lt3A_163 = arith.constant 0 : i32
      %lt3A_164 = arith.cmpi slt, %select_n3A_158, %lt3A_163 : i32
      %ne3A_165 = arith.xori %lt3A_162, %lt3A_164 : i1
      %and3A_166 = arith.andi %ne3A_165, %ne3A_161 : i1
      %add3A_167 = arith.addi %rem3A_159, %select_n3A_158 : i32
      %select_n3A_168 = arith.select %and3A_166, %add3A_167, %rem3A_159 : i32
      %mul3A_169 = arith.constant 16 : i32
      %mul3A_170 = arith.muli %select_n3A_168, %mul3A_169 : i32
      %get3A_171 = arith.index_cast %mul3A_170 : i32 to index
      %get3A_172 = tpu.vector_load %arg5[%get3A_171] {strides = array<i32>} : memref<512xi32, #tpu.memory_space<vmem>>, vector<16xi32>,
      %jit3A_173 = arith.constant 128 : i32
      %div3A_174 = vector.broadcast %jit3A_173 : i32 to vector<16xi32>
      %div3A_175 = arith.divsi %get3A_152, %div3A_174 : vector<16xi32>
      %sign3A_176 = arith.constant 0 : i32
      %sign3A_177 = vector.broadcast %sign3A_176 : i32 to vector<16xi32>
      %sign3A_178 = arith.cmpi sgt, %get3A_152, %sign3A_177 : vector<16xi32>
      %sign3A_179 = arith.extui %sign3A_178 : vector<16xi1> to vector<16xi32>
      %sign3A_180 = arith.constant 0 : i32
      %sign3A_181 = vector.broadcast %sign3A_180 : i32 to vector<16xi32>
      %sign3A_182 = arith.cmpi slt, %get3A_152, %sign3A_181 : vector<16xi32>
      %sign3A_183 = arith.extui %sign3A_182 : vector<16xi1> to vector<16xi32>
      %sign3A_184 = arith.subi %sign3A_179, %sign3A_183 : vector<16xi32>
      %sign3A_185 = arith.constant 0 : i32
      %sign3A_186 = arith.cmpi sgt, %jit3A_173, %sign3A_185 : i32
      %sign3A_187 = arith.extui %sign3A_186 : i1 to i32
      %sign3A_188 = arith.constant 0 : i32
      %sign3A_189 = arith.cmpi slt, %jit3A_173, %sign3A_188 : i32
      %sign3A_190 = arith.extui %sign3A_189 : i1 to i32
      %sign3A_191 = arith.subi %sign3A_187, %sign3A_190 : i32
      %ne3A_192 = vector.broadcast %sign3A_191 : i32 to vector<16xi32>
      %ne3A_193 = arith.cmpi ne, %sign3A_184, %ne3A_192 : vector<16xi32>
      %rem3A_194 = vector.broadcast %jit3A_173 : i32 to vector<16xi32>
      %rem3A_195 = arith.remsi %get3A_152, %rem3A_194 : vector<16xi32>
      %ne3A_196 = arith.constant 0 : i32
      %ne3A_197 = vector.broadcast %ne3A_196 : i32 to vector<16xi32>
      %ne3A_198 = arith.cmpi ne, %rem3A_195, %ne3A_197 : vector<16xi32>
      %and3A_199 = arith.andi %ne3A_193, %ne3A_198 : vector<16xi1>
      %sub3A_200 = arith.constant 1 : i32
      %sub3A_201 = vector.broadcast %sub3A_200 : i32 to vector<16xi32>
      %sub3A_202 = arith.subi %div3A_175, %sub3A_201 : vector<16xi32>
      %select_n3A_203 = arith.select %and3A_199, %sub3A_202, %div3A_175 : vector<16xi1>, vector<16xi32>
      %mul3A_204 = arith.constant 128 : i32
      %mul3A_205 = vector.broadcast %mul3A_204 : i32 to vector<16xi32>
      %mul3A_206 = arith.muli %select_n3A_203, %mul3A_205 : vector<16xi32>
      %jit3A_207 = arith.constant 128 : i32
      %div3A_208 = vector.broadcast %jit3A_207 : i32 to vector<16xi32>
      %div3A_209 = arith.divsi %get3A_172, %div3A_208 : vector<16xi32>
      %sign3A_210 = arith.constant 0 : i32
      %sign3A_211 = vector.broadcast %sign3A_210 : i32 to vector<16xi32>
      %sign3A_212 = arith.cmpi sgt, %get3A_172, %sign3A_211 : vector<16xi32>
      %sign3A_213 = arith.extui %sign3A_212 : vector<16xi1> to vector<16xi32>
      %sign3A_214 = arith.constant 0 : i32
      %sign3A_215 = vector.broadcast %sign3A_214 : i32 to vector<16xi32>
      %sign3A_216 = arith.cmpi slt, %get3A_172, %sign3A_215 : vector<16xi32>
      %sign3A_217 = arith.extui %sign3A_216 : vector<16xi1> to vector<16xi32>
      %sign3A_218 = arith.subi %sign3A_213, %sign3A_217 : vector<16xi32>
      %sign3A_219 = arith.constant 0 : i32
      %sign3A_220 = arith.cmpi sgt, %jit3A_207, %sign3A_219 : i32
      %sign3A_221 = arith.extui %sign3A_220 : i1 to i32
      %sign3A_222 = arith.constant 0 : i32
      %sign3A_223 = arith.cmpi slt, %jit3A_207, %sign3A_222 : i32
      %sign3A_224 = arith.extui %sign3A_223 : i1 to i32
      %sign3A_225 = arith.subi %sign3A_221, %sign3A_224 : i32
      %ne3A_226 = vector.broadcast %sign3A_225 : i32 to vector<16xi32>
      %ne3A_227 = arith.cmpi ne, %sign3A_218, %ne3A_226 : vector<16xi32>
      %rem3A_228 = vector.broadcast %jit3A_207 : i32 to vector<16xi32>
      %rem3A_229 = arith.remsi %get3A_172, %rem3A_228 : vector<16xi32>
      %ne3A_230 = arith.constant 0 : i32
      %ne3A_231 = vector.broadcast %ne3A_230 : i32 to vector<16xi32>
      %ne3A_232 = arith.cmpi ne, %rem3A_229, %ne3A_231 : vector<16xi32>
      %and3A_233 = arith.andi %ne3A_227, %ne3A_232 : vector<16xi1>
      %sub3A_234 = arith.constant 1 : i32
      %sub3A_235 = vector.broadcast %sub3A_234 : i32 to vector<16xi32>
      %sub3A_236 = arith.subi %div3A_209, %sub3A_235 : vector<16xi32>
      %select_n3A_237 = arith.select %and3A_233, %sub3A_236, %div3A_209 : vector<16xi1>, vector<16xi32>
      %mul3A_238 = arith.constant 128 : i32
      %mul3A_239 = vector.broadcast %mul3A_238 : i32 to vector<16xi32>
      %mul3A_240 = arith.muli %select_n3A_237, %mul3A_239 : vector<16xi32>
      %sub3A_241 = arith.subi %get3A_152, %mul3A_206 : vector<16xi32>
      %dma_wait3A_242 = arith.constant 0 : i32
      %dma_wait3A_243 = arith.constant 0 : i32
      %dma_wait3A_244 = tpu.memref_slice %arg2[%dma_wait3A_242, %dma_wait3A_243] : memref<64x1000000xf32, #tpu.memory_space<hbm>> -> memref<64x128xf32, #tpu.memory_space<hbm>>
      %dma_wait3A_245 = arith.constant 0 : i32
      %dma_wait3A_246 = arith.constant 0 : i32
      %dma_wait3A_247 = tpu.memref_slice %arg2[%dma_wait3A_245, %dma_wait3A_246] : memref<64x1000000xf32, #tpu.memory_space<hbm>> -> memref<64x128xf32, #tpu.memory_space<hbm>>
      tpu.wait_dma2 semaphore(%arg15 : memref<!tpu.dma_semaphore, #tpu.memory_space<semaphore_mem>>) src(%dma_wait3A_247 : memref<64x128xf32, #tpu.memory_space<hbm>>) dst(%arg6 : memref<64x128xf32, #tpu.memory_space<vmem>>)
      %slice3A_248 = vector.extract_strided_slice %sub3A_241 {offsets = [0], sizes = [1], strides = [1]} : vector<16xi32> to vector<1xi32>
      %squeeze3A_249 = vector.extract %slice3A_248[0] : i32 from vector<1xi32>
      %broadcast_in_dim3A = vector.broadcast %squeeze3A_249 : i32 to vector<16xi32>
      %jit3A_250 = arith.constant 16 : i32
      %eq3A_251 = arith.constant 0 : i32
      %eq3A_252 = arith.cmpi eq, %jit3A_250, %eq3A_251 : i32
      %jit3A_253 = arith.constant 1 : i32
      %select_n3A_254 = arith.select %eq3A_252, %jit3A_253, %jit3A_250 : i32
      %rem3A_255 = arith.remsi %scan3A_148, %select_n3A_254 : i32
      %ne3A_256 = arith.constant 0 : i32
      %ne3A_257 = arith.cmpi ne, %rem3A_255, %ne3A_256 : i32
      %lt3A_258 = arith.constant 0 : i32
      %lt3A_259 = arith.cmpi slt, %rem3A_255, %lt3A_258 : i32
      %lt3A_260 = arith.constant 0 : i32
      %lt3A_261 = arith.cmpi slt, %select_n3A_254, %lt3A_260 : i32
      %ne3A_262 = arith.xori %lt3A_259, %lt3A_261 : i1
      %and3A_263 = arith.andi %ne3A_262, %ne3A_257 : i1
      %add3A_264 = arith.addi %rem3A_255, %select_n3A_254 : i32
      %select_n3A_265 = arith.select %and3A_263, %add3A_264, %rem3A_255 : i32
      %mul3A_266 = arith.constant 16 : i32
      %mul3A_267 = arith.muli %select_n3A_265, %mul3A_266 : i32
      %add3A_268 = arith.constant 0 : i32
      %add3A_269 = arith.addi %mul3A_267, %add3A_268 : i32
      %add3A_270 = arith.constant 0 : i32
      %add3A_271 = vector.broadcast %add3A_270 : i32 to vector<16xi32>
      %add3A_272 = arith.addi %iota3A, %add3A_271 : vector<16xi32>
      %gather3A = tpu.vector_load_idx %arg6[%add3A_272, %broadcast_in_dim3A] : memref<64x128xf32, #tpu.memory_space<vmem>>[vector<16xi32>, vector<16xi32>], vector<16xf32>,
      %mul3A_273 = arith.constant 64 : i32
      %mul3A_274 = arith.muli %add3A_269, %mul3A_273 : i32
      %add3A_275 = arith.constant 0 : i32
      %add3A_276 = arith.addi %mul3A_274, %add3A_275 : i32
      %swap3A = arith.index_cast %add3A_276 : i32 to index
      %swap3A_277 = tpu.vector_load %arg14[%swap3A] {strides = array<i32>} : memref<16384xf32, #tpu.memory_space<vmem>>, vector<16xf32>,
      tpu.vector_store %arg14[%swap3A], %gather3A {strides = array<i32>} : memref<16384xf32, #tpu.memory_space<vmem>>, vector<16xf32>,
      %add3A_278 = arith.constant 16 : i32
      %add3A_279 = vector.broadcast %add3A_278 : i32 to vector<16xi32>
      %add3A_280 = arith.addi %iota3A, %add3A_279 : vector<16xi32>
      %gather3A_281 = tpu.vector_load_idx %arg6[%add3A_280, %broadcast_in_dim3A] : memref<64x128xf32, #tpu.memory_space<vmem>>[vector<16xi32>, vector<16xi32>], vector<16xf32>,
      %mul3A_282 = arith.constant 64 : i32
      %mul3A_283 = arith.muli %add3A_269, %mul3A_282 : i32
      %add3A_284 = arith.constant 16 : i32
      %add3A_285 = arith.addi %mul3A_283, %add3A_284 : i32
      %swap3A_286 = arith.index_cast %add3A_285 : i32 to index
      %swap3A_287 = tpu.vector_load %arg14[%swap3A_286] {strides = array<i32>} : memref<16384xf32, #tpu.memory_space<vmem>>, vector<16xf32>,
      tpu.vector_store %arg14[%swap3A_286], %gather3A_281 {strides = array<i32>} : memref<16384xf32, #tpu.memory_space<vmem>>, vector<16xf32>,
      %add3A_288 = arith.constant 32 : i32
      %add3A_289 = vector.broadcast %add3A_288 : i32 to vector<16xi32>
      %add3A_290 = arith.addi %iota3A, %add3A_289 : vector<16xi32>
      %gather3A_291 = tpu.vector_load_idx %arg6[%add3A_290, %broadcast_in_dim3A] : memref<64x128xf32, #tpu.memory_space<vmem>>[vector<16xi32>, vector<16xi32>], vector<16xf32>,
      %mul3A_292 = arith.constant 64 : i32
      %mul3A_293 = arith.muli %add3A_269, %mul3A_292 : i32
      %add3A_294 = arith.constant 32 : i32
      %add3A_295 = arith.addi %mul3A_293, %add3A_294 : i32
      %swap3A_296 = arith.index_cast %add3A_295 : i32 to index
      %swap3A_297 = tpu.vector_load %arg14[%swap3A_296] {strides = array<i32>} : memref<16384xf32, #tpu.memory_space<vmem>>, vector<16xf32>,
      tpu.vector_store %arg14[%swap3A_296], %gather3A_291 {strides = array<i32>} : memref<16384xf32, #tpu.memory_space<vmem>>, vector<16xf32>,
      %add3A_298 = arith.constant 48 : i32
      %add3A_299 = vector.broadcast %add3A_298 : i32 to vector<16xi32>
      %add3A_300 = arith.addi %iota3A, %add3A_299 : vector<16xi32>
      %gather3A_301 = tpu.vector_load_idx %arg6[%add3A_300, %broadcast_in_dim3A] : memref<64x128xf32, #tpu.memory_space<vmem>>[vector<16xi32>, vector<16xi32>], vector<16xf32>,
      %mul3A_302 = arith.constant 64 : i32
      %mul3A_303 = arith.muli %add3A_269, %mul3A_302 : i32
      %add3A_304 = arith.constant 48 : i32
      %add3A_305 = arith.addi %mul3A_303, %add3A_304 : i32
      %swap3A_306 = arith.index_cast %add3A_305 : i32 to index
      %swap3A_307 = tpu.vector_load %arg14[%swap3A_306] {strides = array<i32>} : memref<16384xf32, #tpu.memory_space<vmem>>, vector<16xf32>,
      tpu.vector_store %arg14[%swap3A_306], %gather3A_301 {strides = array<i32>} : memref<16384xf32, #tpu.memory_space<vmem>>, vector<16xf32>,
      %slice3A_308 = vector.extract_strided_slice %mul3A_206 {offsets = [8], sizes = [1], strides = [1]} : vector<16xi32> to vector<1xi32>
      %squeeze3A_309 = vector.extract %slice3A_308[0] : i32 from vector<1xi32>
      %multiple_of3A_310 = tpu.assume_multiple %squeeze3A_309, 128 : i32
      %dma_start3A_311 = arith.constant 0 : i32
      %dma_start3A_312 = tpu.memref_slice %arg2[%dma_start3A_311, %multiple_of3A_310] : memref<64x1000000xf32, #tpu.memory_space<hbm>> -> memref<64x128xf32, #tpu.memory_space<hbm>>
      %dma_start3A_313 = arith.constant 0 : i32
      %dma_start3A_314 = tpu.memref_slice %arg2[%dma_start3A_313, %multiple_of3A_310] : memref<64x1000000xf32, #tpu.memory_space<hbm>> -> memref<64x128xf32, #tpu.memory_space<hbm>>
      tpu.enqueue_dma source(%dma_start3A_314 : memref<64x128xf32, #tpu.memory_space<hbm>>) target(%arg6 : memref<64x128xf32, #tpu.memory_space<vmem>>) target_semaphore(%arg15 : memref<!tpu.dma_semaphore, #tpu.memory_space<semaphore_mem>>)
      %dma_wait3A_315 = arith.constant 0 : i32
      %dma_wait3A_316 = arith.constant 0 : i32
      %dma_wait3A_317 = tpu.memref_slice %arg2[%dma_wait3A_315, %dma_wait3A_316] : memref<64x1000000xf32, #tpu.memory_space<hbm>> -> memref<64x128xf32, #tpu.memory_space<hbm>>
      %dma_wait3A_318 = arith.constant 0 : i32
      %dma_wait3A_319 = arith.constant 0 : i32
      %dma_wait3A_320 = tpu.memref_slice %arg2[%dma_wait3A_318, %dma_wait3A_319] : memref<64x1000000xf32, #tpu.memory_space<hbm>> -> memref<64x128xf32, #tpu.memory_space<hbm>>
      tpu.wait_dma2 semaphore(%arg16 : memref<!tpu.dma_semaphore, #tpu.memory_space<semaphore_mem>>) src(%dma_wait3A_320 : memref<64x128xf32, #tpu.memory_space<hbm>>) dst(%arg7 : memref<64x128xf32, #tpu.memory_space<vmem>>)
      %slice3A_321 = vector.extract_strided_slice %sub3A_241 {offsets = [1], sizes = [1], strides = [1]} : vector<16xi32> to vector<1xi32>
      %squeeze3A_322 = vector.extract %slice3A_321[0] : i32 from vector<1xi32>
      %broadcast_in_dim3A_323 = vector.broadcast %squeeze3A_322 : i32 to vector<16xi32>
      %jit3A_324 = arith.constant 16 : i32
      %eq3A_325 = arith.constant 0 : i32
      %eq3A_326 = arith.cmpi eq, %jit3A_324, %eq3A_325 : i32
      %jit3A_327 = arith.constant 1 : i32
      %select_n3A_328 = arith.select %eq3A_326, %jit3A_327, %jit3A_324 : i32
      %rem3A_329 = arith.remsi %scan3A_148, %select_n3A_328 : i32
      %ne3A_330 = arith.constant 0 : i32
      %ne3A_331 = arith.cmpi ne, %rem3A_329, %ne3A_330 : i32
      %lt3A_332 = arith.constant 0 : i32
      %lt3A_333 = arith.cmpi slt, %rem3A_329, %lt3A_332 : i32
      %lt3A_334 = arith.constant 0 : i32
      %lt3A_335 = arith.cmpi slt, %select_n3A_328, %lt3A_334 : i32
      %ne3A_336 = arith.xori %lt3A_333, %lt3A_335 : i1
      %and3A_337 = arith.andi %ne3A_336, %ne3A_331 : i1
      %add3A_338 = arith.addi %rem3A_329, %select_n3A_328 : i32
      %select_n3A_339 = arith.select %and3A_337, %add3A_338, %rem3A_329 : i32
      %mul3A_340 = arith.constant 16 : i32
      %mul3A_341 = arith.muli %select_n3A_339, %mul3A_340 : i32
      %add3A_342 = arith.constant 1 : i32
      %add3A_343 = arith.addi %mul3A_341, %add3A_342 : i32
      %add3A_344 = arith.constant 0 : i32
      %add3A_345 = vector.broadcast %add3A_344 : i32 to vector<16xi32>
      %add3A_346 = arith.addi %iota3A, %add3A_345 : vector<16xi32>
      %gather3A_347 = tpu.vector_load_idx %arg7[%add3A_346, %broadcast_in_dim3A_323] : memref<64x128xf32, #tpu.memory_space<vmem>>[vector<16xi32>, vector<16xi32>], vector<16xf32>,
      %mul3A_348 = arith.constant 64 : i32
      %mul3A_349 = arith.muli %add3A_343, %mul3A_348 : i32
      %add3A_350 = arith.constant 0 : i32
      %add3A_351 = arith.addi %mul3A_349, %add3A_350 : i32
      %swap3A_352 = arith.index_cast %add3A_351 : i32 to index
      %swap3A_353 = tpu.vector_load %arg14[%swap3A_352] {strides = array<i32>} : memref<16384xf32, #tpu.memory_space<vmem>>, vector<16xf32>,
      tpu.vector_store %arg14[%swap3A_352], %gather3A_347 {strides = array<i32>} : memref<16384xf32, #tpu.memory_space<vmem>>, vector<16xf32>,
      %add3A_354 = arith.constant 16 : i32
      %add3A_355 = vector.broadcast %add3A_354 : i32 to vector<16xi32>
      %add3A_356 = arith.addi %iota3A, %add3A_355 : vector<16xi32>
      %gather3A_357 = tpu.vector_load_idx %arg7[%add3A_356, %broadcast_in_dim3A_323] : memref<64x128xf32, #tpu.memory_space<vmem>>[vector<16xi32>, vector<16xi32>], vector<16xf32>,
      %mul3A_358 = arith.constant 64 : i32
      %mul3A_359 = arith.muli %add3A_343, %mul3A_358 : i32
      %add3A_360 = arith.constant 16 : i32
      %add3A_361 = arith.addi %mul3A_359, %add3A_360 : i32
      %swap3A_362 = arith.index_cast %add3A_361 : i32 to index
      %swap3A_363 = tpu.vector_load %arg14[%swap3A_362] {strides = array<i32>} : memref<16384xf32, #tpu.memory_space<vmem>>, vector<16xf32>,
      tpu.vector_store %arg14[%swap3A_362], %gather3A_357 {strides = array<i32>} : memref<16384xf32, #tpu.memory_space<vmem>>, vector<16xf32>,
      %add3A_364 = arith.constant 32 : i32
      %add3A_365 = vector.broadcast %add3A_364 : i32 to vector<16xi32>
      %add3A_366 = arith.addi %iota3A, %add3A_365 : vector<16xi32>
      %gather3A_367 = tpu.vector_load_idx %arg7[%add3A_366, %broadcast_in_dim3A_323] : memref<64x128xf32, #tpu.memory_space<vmem>>[vector<16xi32>, vector<16xi32>], vector<16xf32>,
      %mul3A_368 = arith.constant 64 : i32
      %mul3A_369 = arith.muli %add3A_343, %mul3A_368 : i32
      %add3A_370 = arith.constant 32 : i32
      %add3A_371 = arith.addi %mul3A_369, %add3A_370 : i32
      %swap3A_372 = arith.index_cast %add3A_371 : i32 to index
      %swap3A_373 = tpu.vector_load %arg14[%swap3A_372] {strides = array<i32>} : memref<16384xf32, #tpu.memory_space<vmem>>, vector<16xf32>,
      tpu.vector_store %arg14[%swap3A_372], %gather3A_367 {strides = array<i32>} : memref<16384xf32, #tpu.memory_space<vmem>>, vector<16xf32>,
      %add3A_374 = arith.constant 48 : i32
      %add3A_375 = vector.broadcast %add3A_374 : i32 to vector<16xi32>
      %add3A_376 = arith.addi %iota3A, %add3A_375 : vector<16xi32>
      %gather3A_377 = tpu.vector_load_idx %arg7[%add3A_376, %broadcast_in_dim3A_323] : memref<64x128xf32, #tpu.memory_space<vmem>>[vector<16xi32>, vector<16xi32>], vector<16xf32>,
      %mul3A_378 = arith.constant 64 : i32
      %mul3A_379 = arith.muli %add3A_343, %mul3A_378 : i32
      %add3A_380 = arith.constant 48 : i32
      %add3A_381 = arith.addi %mul3A_379, %add3A_380 : i32
      %swap3A_382 = arith.index_cast %add3A_381 : i32 to index
      %swap3A_383 = tpu.vector_load %arg14[%swap3A_382] {strides = array<i32>} : memref<16384xf32, #tpu.memory_space<vmem>>, vector<16xf32>,
      tpu.vector_store %arg14[%swap3A_382], %gather3A_377 {strides = array<i32>} : memref<16384xf32, #tpu.memory_space<vmem>>, vector<16xf32>,
      %slice3A_384 = vector.extract_strided_slice %mul3A_206 {offsets = [9], sizes = [1], strides = [1]} : vector<16xi32> to vector<1xi32>
      %squeeze3A_385 = vector.extract %slice3A_384[0] : i32 from vector<1xi32>
      %multiple_of3A_386 = tpu.assume_multiple %squeeze3A_385, 128 : i32
      %dma_start3A_387 = arith.constant 0 : i32
      %dma_start3A_388 = tpu.memref_slice %arg2[%dma_start3A_387, %multiple_of3A_386] : memref<64x1000000xf32, #tpu.memory_space<hbm>> -> memref<64x128xf32, #tpu.memory_space<hbm>>
      %dma_start3A_389 = arith.constant 0 : i32
      %dma_start3A_390 = tpu.memref_slice %arg2[%dma_start3A_389, %multiple_of3A_386] : memref<64x1000000xf32, #tpu.memory_space<hbm>> -> memref<64x128xf32, #tpu.memory_space<hbm>>
      tpu.enqueue_dma source(%dma_start3A_390 : memref<64x128xf32, #tpu.memory_space<hbm>>) target(%arg7 : memref<64x128xf32, #tpu.memory_space<vmem>>) target_semaphore(%arg16 : memref<!tpu.dma_semaphore, #tpu.memory_space<semaphore_mem>>)
      %dma_wait3A_391 = arith.constant 0 : i32
      %dma_wait3A_392 = arith.constant 0 : i32
      %dma_wait3A_393 = tpu.memref_slice %arg2[%dma_wait3A_391, %dma_wait3A_392] : memref<64x1000000xf32, #tpu.memory_space<hbm>> -> memref<64x128xf32, #tpu.memory_space<hbm>>
      %dma_wait3A_394 = arith.constant 0 : i32
      %dma_wait3A_395 = arith.constant 0 : i32
      %dma_wait3A_396 = tpu.memref_slice %arg2[%dma_wait3A_394, %dma_wait3A_395] : memref<64x1000000xf32, #tpu.memory_space<hbm>> -> memref<64x128xf32, #tpu.memory_space<hbm>>
      tpu.wait_dma2 semaphore(%arg17 : memref<!tpu.dma_semaphore, #tpu.memory_space<semaphore_mem>>) src(%dma_wait3A_396 : memref<64x128xf32, #tpu.memory_space<hbm>>) dst(%arg8 : memref<64x128xf32, #tpu.memory_space<vmem>>)
      %slice3A_397 = vector.extract_strided_slice %sub3A_241 {offsets = [2], sizes = [1], strides = [1]} : vector<16xi32> to vector<1xi32>
      %squeeze3A_398 = vector.extract %slice3A_397[0] : i32 from vector<1xi32>
      %broadcast_in_dim3A_399 = vector.broadcast %squeeze3A_398 : i32 to vector<16xi32>
      %jit3A_400 = arith.constant 16 : i32
      %eq3A_401 = arith.constant 0 : i32
      %eq3A_402 = arith.cmpi eq, %jit3A_400, %eq3A_401 : i32
      %jit3A_403 = arith.constant 1 : i32
      %select_n3A_404 = arith.select %eq3A_402, %jit3A_403, %jit3A_400 : i32
      %rem3A_405 = arith.remsi %scan3A_148, %select_n3A_404 : i32
      %ne3A_406 = arith.constant 0 : i32
      %ne3A_407 = arith.cmpi ne, %rem3A_405, %ne3A_406 : i32
      %lt3A_408 = arith.constant 0 : i32
      %lt3A_409 = arith.cmpi slt, %rem3A_405, %lt3A_408 : i32
      %lt3A_410 = arith.constant 0 : i32
      %lt3A_411 = arith.cmpi slt, %select_n3A_404, %lt3A_410 : i32
      %ne3A_412 = arith.xori %lt3A_409, %lt3A_411 : i1
      %and3A_413 = arith.andi %ne3A_412, %ne3A_407 : i1
      %add3A_414 = arith.addi %rem3A_405, %select_n3A_404 : i32
      %select_n3A_415 = arith.select %and3A_413, %add3A_414, %rem3A_405 : i32
      %mul3A_416 = arith.constant 16 : i32
      %mul3A_417 = arith.muli %select_n3A_415, %mul3A_416 : i32
      %add3A_418 = arith.constant 2 : i32
      %add3A_419 = arith.addi %mul3A_417, %add3A_418 : i32
      %add3A_420 = arith.constant 0 : i32
      %add3A_421 = vector.broadcast %add3A_420 : i32 to vector<16xi32>
      %add3A_422 = arith.addi %iota3A, %add3A_421 : vector<16xi32>
      %gather3A_423 = tpu.vector_load_idx %arg8[%add3A_422, %broadcast_in_dim3A_399] : memref<64x128xf32, #tpu.memory_space<vmem>>[vector<16xi32>, vector<16xi32>], vector<16xf32>,
      %mul3A_424 = arith.constant 64 : i32
      %mul3A_425 = arith.muli %add3A_419, %mul3A_424 : i32
      %add3A_426 = arith.constant 0 : i32
      %add3A_427 = arith.addi %mul3A_425, %add3A_426 : i32
      %swap3A_428 = arith.index_cast %add3A_427 : i32 to index
      %swap3A_429 = tpu.vector_load %arg14[%swap3A_428] {strides = array<i32>} : memref<16384xf32, #tpu.memory_space<vmem>>, vector<16xf32>,
      tpu.vector_store %arg14[%swap3A_428], %gather3A_423 {strides = array<i32>} : memref<16384xf32, #tpu.memory_space<vmem>>, vector<16xf32>,
      %add3A_430 = arith.constant 16 : i32
      %add3A_431 = vector.broadcast %add3A_430 : i32 to vector<16xi32>
      %add3A_432 = arith.addi %iota3A, %add3A_431 : vector<16xi32>
      %gather3A_433 = tpu.vector_load_idx %arg8[%add3A_432, %broadcast_in_dim3A_399] : memref<64x128xf32, #tpu.memory_space<vmem>>[vector<16xi32>, vector<16xi32>], vector<16xf32>,
      %mul3A_434 = arith.constant 64 : i32
      %mul3A_435 = arith.muli %add3A_419, %mul3A_434 : i32
      %add3A_436 = arith.constant 16 : i32
      %add3A_437 = arith.addi %mul3A_435, %add3A_436 : i32
      %swap3A_438 = arith.index_cast %add3A_437 : i32 to index
      %swap3A_439 = tpu.vector_load %arg14[%swap3A_438] {strides = array<i32>} : memref<16384xf32, #tpu.memory_space<vmem>>, vector<16xf32>,
      tpu.vector_store %arg14[%swap3A_438], %gather3A_433 {strides = array<i32>} : memref<16384xf32, #tpu.memory_space<vmem>>, vector<16xf32>,
      %add3A_440 = arith.constant 32 : i32
      %add3A_441 = vector.broadcast %add3A_440 : i32 to vector<16xi32>
      %add3A_442 = arith.addi %iota3A, %add3A_441 : vector<16xi32>
      %gather3A_443 = tpu.vector_load_idx %arg8[%add3A_442, %broadcast_in_dim3A_399] : memref<64x128xf32, #tpu.memory_space<vmem>>[vector<16xi32>, vector<16xi32>], vector<16xf32>,
      %mul3A_444 = arith.constant 64 : i32
      %mul3A_445 = arith.muli %add3A_419, %mul3A_444 : i32
      %add3A_446 = arith.constant 32 : i32
      %add3A_447 = arith.addi %mul3A_445, %add3A_446 : i32
      %swap3A_448 = arith.index_cast %add3A_447 : i32 to index
      %swap3A_449 = tpu.vector_load %arg14[%swap3A_448] {strides = array<i32>} : memref<16384xf32, #tpu.memory_space<vmem>>, vector<16xf32>,
      tpu.vector_store %arg14[%swap3A_448], %gather3A_443 {strides = array<i32>} : memref<16384xf32, #tpu.memory_space<vmem>>, vector<16xf32>,
      %add3A_450 = arith.constant 48 : i32
      %add3A_451 = vector.broadcast %add3A_450 : i32 to vector<16xi32>
      %add3A_452 = arith.addi %iota3A, %add3A_451 : vector<16xi32>
      %gather3A_453 = tpu.vector_load_idx %arg8[%add3A_452, %broadcast_in_dim3A_399] : memref<64x128xf32, #tpu.memory_space<vmem>>[vector<16xi32>, vector<16xi32>], vector<16xf32>,
      %mul3A_454 = arith.constant 64 : i32
      %mul3A_455 = arith.muli %add3A_419, %mul3A_454 : i32
      %add3A_456 = arith.constant 48 : i32
      %add3A_457 = arith.addi %mul3A_455, %add3A_456 : i32
      %swap3A_458 = arith.index_cast %add3A_457 : i32 to index
      %swap3A_459 = tpu.vector_load %arg14[%swap3A_458] {strides = array<i32>} : memref<16384xf32, #tpu.memory_space<vmem>>, vector<16xf32>,
      tpu.vector_store %arg14[%swap3A_458], %gather3A_453 {strides = array<i32>} : memref<16384xf32, #tpu.memory_space<vmem>>, vector<16xf32>,
      %slice3A_460 = vector.extract_strided_slice %mul3A_206 {offsets = [10], sizes = [1], strides = [1]} : vector<16xi32> to vector<1xi32>
      %squeeze3A_461 = vector.extract %slice3A_460[0] : i32 from vector<1xi32>
      %multiple_of3A_462 = tpu.assume_multiple %squeeze3A_461, 128 : i32
      %dma_start3A_463 = arith.constant 0 : i32
      %dma_start3A_464 = tpu.memref_slice %arg2[%dma_start3A_463, %multiple_of3A_462] : memref<64x1000000xf32, #tpu.memory_space<hbm>> -> memref<64x128xf32, #tpu.memory_space<hbm>>
      %dma_start3A_465 = arith.constant 0 : i32
      %dma_start3A_466 = tpu.memref_slice %arg2[%dma_start3A_465, %multiple_of3A_462] : memref<64x1000000xf32, #tpu.memory_space<hbm>> -> memref<64x128xf32, #tpu.memory_space<hbm>>
      tpu.enqueue_dma source(%dma_start3A_466 : memref<64x128xf32, #tpu.memory_space<hbm>>) target(%arg8 : memref<64x128xf32, #tpu.memory_space<vmem>>) target_semaphore(%arg17 : memref<!tpu.dma_semaphore, #tpu.memory_space<semaphore_mem>>)
      %dma_wait3A_467 = arith.constant 0 : i32
      %dma_wait3A_468 = arith.constant 0 : i32
      %dma_wait3A_469 = tpu.memref_slice %arg2[%dma_wait3A_467, %dma_wait3A_468] : memref<64x1000000xf32, #tpu.memory_space<hbm>> -> memref<64x128xf32, #tpu.memory_space<hbm>>
      %dma_wait3A_470 = arith.constant 0 : i32
      %dma_wait3A_471 = arith.constant 0 : i32
      %dma_wait3A_472 = tpu.memref_slice %arg2[%dma_wait3A_470, %dma_wait3A_471] : memref<64x1000000xf32, #tpu.memory_space<hbm>> -> memref<64x128xf32, #tpu.memory_space<hbm>>
      tpu.wait_dma2 semaphore(%arg18 : memref<!tpu.dma_semaphore, #tpu.memory_space<semaphore_mem>>) src(%dma_wait3A_472 : memref<64x128xf32, #tpu.memory_space<hbm>>) dst(%arg9 : memref<64x128xf32, #tpu.memory_space<vmem>>)
      %slice3A_473 = vector.extract_strided_slice %sub3A_241 {offsets = [3], sizes = [1], strides = [1]} : vector<16xi32> to vector<1xi32>
      %squeeze3A_474 = vector.extract %slice3A_473[0] : i32 from vector<1xi32>
      %broadcast_in_dim3A_475 = vector.broadcast %squeeze3A_474 : i32 to vector<16xi32>
      %jit3A_476 = arith.constant 16 : i32
      %eq3A_477 = arith.constant 0 : i32
      %eq3A_478 = arith.cmpi eq, %jit3A_476, %eq3A_477 : i32
      %jit3A_479 = arith.constant 1 : i32
      %select_n3A_480 = arith.select %eq3A_478, %jit3A_479, %jit3A_476 : i32
      %rem3A_481 = arith.remsi %scan3A_148, %select_n3A_480 : i32
      %ne3A_482 = arith.constant 0 : i32
      %ne3A_483 = arith.cmpi ne, %rem3A_481, %ne3A_482 : i32
      %lt3A_484 = arith.constant 0 : i32
      %lt3A_485 = arith.cmpi slt, %rem3A_481, %lt3A_484 : i32
      %lt3A_486 = arith.constant 0 : i32
      %lt3A_487 = arith.cmpi slt, %select_n3A_480, %lt3A_486 : i32
      %ne3A_488 = arith.xori %lt3A_485, %lt3A_487 : i1
      %and3A_489 = arith.andi %ne3A_488, %ne3A_483 : i1
      %add3A_490 = arith.addi %rem3A_481, %select_n3A_480 : i32
      %select_n3A_491 = arith.select %and3A_489, %add3A_490, %rem3A_481 : i32
      %mul3A_492 = arith.constant 16 : i32
      %mul3A_493 = arith.muli %select_n3A_491, %mul3A_492 : i32
      %add3A_494 = arith.constant 3 : i32
      %add3A_495 = arith.addi %mul3A_493, %add3A_494 : i32
      %add3A_496 = arith.constant 0 : i32
      %add3A_497 = vector.broadcast %add3A_496 : i32 to vector<16xi32>
      %add3A_498 = arith.addi %iota3A, %add3A_497 : vector<16xi32>
      %gather3A_499 = tpu.vector_load_idx %arg9[%add3A_498, %broadcast_in_dim3A_475] : memref<64x128xf32, #tpu.memory_space<vmem>>[vector<16xi32>, vector<16xi32>], vector<16xf32>,
      %mul3A_500 = arith.constant 64 : i32
      %mul3A_501 = arith.muli %add3A_495, %mul3A_500 : i32
      %add3A_502 = arith.constant 0 : i32
      %add3A_503 = arith.addi %mul3A_501, %add3A_502 : i32
      %swap3A_504 = arith.index_cast %add3A_503 : i32 to index
      %swap3A_505 = tpu.vector_load %arg14[%swap3A_504] {strides = array<i32>} : memref<16384xf32, #tpu.memory_space<vmem>>, vector<16xf32>,
      tpu.vector_store %arg14[%swap3A_504], %gather3A_499 {strides = array<i32>} : memref<16384xf32, #tpu.memory_space<vmem>>, vector<16xf32>,
      %add3A_506 = arith.constant 16 : i32
      %add3A_507 = vector.broadcast %add3A_506 : i32 to vector<16xi32>
      %add3A_508 = arith.addi %iota3A, %add3A_507 : vector<16xi32>
      %gather3A_509 = tpu.vector_load_idx %arg9[%add3A_508, %broadcast_in_dim3A_475] : memref<64x128xf32, #tpu.memory_space<vmem>>[vector<16xi32>, vector<16xi32>], vector<16xf32>,
      %mul3A_510 = arith.constant 64 : i32
      %mul3A_511 = arith.muli %add3A_495, %mul3A_510 : i32
      %add3A_512 = arith.constant 16 : i32
      %add3A_513 = arith.addi %mul3A_511, %add3A_512 : i32
      %swap3A_514 = arith.index_cast %add3A_513 : i32 to index
      %swap3A_515 = tpu.vector_load %arg14[%swap3A_514] {strides = array<i32>} : memref<16384xf32, #tpu.memory_space<vmem>>, vector<16xf32>,
      tpu.vector_store %arg14[%swap3A_514], %gather3A_509 {strides = array<i32>} : memref<16384xf32, #tpu.memory_space<vmem>>, vector<16xf32>,
      %add3A_516 = arith.constant 32 : i32
      %add3A_517 = vector.broadcast %add3A_516 : i32 to vector<16xi32>
      %add3A_518 = arith.addi %iota3A, %add3A_517 : vector<16xi32>
      %gather3A_519 = tpu.vector_load_idx %arg9[%add3A_518, %broadcast_in_dim3A_475] : memref<64x128xf32, #tpu.memory_space<vmem>>[vector<16xi32>, vector<16xi32>], vector<16xf32>,
      %mul3A_520 = arith.constant 64 : i32
      %mul3A_521 = arith.muli %add3A_495, %mul3A_520 : i32
      %add3A_522 = arith.constant 32 : i32
      %add3A_523 = arith.addi %mul3A_521, %add3A_522 : i32
      %swap3A_524 = arith.index_cast %add3A_523 : i32 to index
      %swap3A_525 = tpu.vector_load %arg14[%swap3A_524] {strides = array<i32>} : memref<16384xf32, #tpu.memory_space<vmem>>, vector<16xf32>,
      tpu.vector_store %arg14[%swap3A_524], %gather3A_519 {strides = array<i32>} : memref<16384xf32, #tpu.memory_space<vmem>>, vector<16xf32>,
      %add3A_526 = arith.constant 48 : i32
      %add3A_527 = vector.broadcast %add3A_526 : i32 to vector<16xi32>
      %add3A_528 = arith.addi %iota3A, %add3A_527 : vector<16xi32>
      %gather3A_529 = tpu.vector_load_idx %arg9[%add3A_528, %broadcast_in_dim3A_475] : memref<64x128xf32, #tpu.memory_space<vmem>>[vector<16xi32>, vector<16xi32>], vector<16xf32>,
      %mul3A_530 = arith.constant 64 : i32
      %mul3A_531 = arith.muli %add3A_495, %mul3A_530 : i32
      %add3A_532 = arith.constant 48 : i32
      %add3A_533 = arith.addi %mul3A_531, %add3A_532 : i32
      %swap3A_534 = arith.index_cast %add3A_533 : i32 to index
      %swap3A_535 = tpu.vector_load %arg14[%swap3A_534] {strides = array<i32>} : memref<16384xf32, #tpu.memory_space<vmem>>, vector<16xf32>,
      tpu.vector_store %arg14[%swap3A_534], %gather3A_529 {strides = array<i32>} : memref<16384xf32, #tpu.memory_space<vmem>>, vector<16xf32>,
      %slice3A_536 = vector.extract_strided_slice %mul3A_206 {offsets = [11], sizes = [1], strides = [1]} : vector<16xi32> to vector<1xi32>
      %squeeze3A_537 = vector.extract %slice3A_536[0] : i32 from vector<1xi32>
      %multiple_of3A_538 = tpu.assume_multiple %squeeze3A_537, 128 : i32
      %dma_start3A_539 = arith.constant 0 : i32
      %dma_start3A_540 = tpu.memref_slice %arg2[%dma_start3A_539, %multiple_of3A_538] : memref<64x1000000xf32, #tpu.memory_space<hbm>> -> memref<64x128xf32, #tpu.memory_space<hbm>>
      %dma_start3A_541 = arith.constant 0 : i32
      %dma_start3A_542 = tpu.memref_slice %arg2[%dma_start3A_541, %multiple_of3A_538] : memref<64x1000000xf32, #tpu.memory_space<hbm>> -> memref<64x128xf32, #tpu.memory_space<hbm>>
      tpu.enqueue_dma source(%dma_start3A_542 : memref<64x128xf32, #tpu.memory_space<hbm>>) target(%arg9 : memref<64x128xf32, #tpu.memory_space<vmem>>) target_semaphore(%arg18 : memref<!tpu.dma_semaphore, #tpu.memory_space<semaphore_mem>>)
      %dma_wait3A_543 = arith.constant 0 : i32
      %dma_wait3A_544 = arith.constant 0 : i32
      %dma_wait3A_545 = tpu.memref_slice %arg2[%dma_wait3A_543, %dma_wait3A_544] : memref<64x1000000xf32, #tpu.memory_space<hbm>> -> memref<64x128xf32, #tpu.memory_space<hbm>>
      %dma_wait3A_546 = arith.constant 0 : i32
      %dma_wait3A_547 = arith.constant 0 : i32
      %dma_wait3A_548 = tpu.memref_slice %arg2[%dma_wait3A_546, %dma_wait3A_547] : memref<64x1000000xf32, #tpu.memory_space<hbm>> -> memref<64x128xf32, #tpu.memory_space<hbm>>
      tpu.wait_dma2 semaphore(%arg19 : memref<!tpu.dma_semaphore, #tpu.memory_space<semaphore_mem>>) src(%dma_wait3A_548 : memref<64x128xf32, #tpu.memory_space<hbm>>) dst(%arg10 : memref<64x128xf32, #tpu.memory_space<vmem>>)
      %slice3A_549 = vector.extract_strided_slice %sub3A_241 {offsets = [4], sizes = [1], strides = [1]} : vector<16xi32> to vector<1xi32>
      %squeeze3A_550 = vector.extract %slice3A_549[0] : i32 from vector<1xi32>
      %broadcast_in_dim3A_551 = vector.broadcast %squeeze3A_550 : i32 to vector<16xi32>
      %jit3A_552 = arith.constant 16 : i32
      %eq3A_553 = arith.constant 0 : i32
      %eq3A_554 = arith.cmpi eq, %jit3A_552, %eq3A_553 : i32
      %jit3A_555 = arith.constant 1 : i32
      %select_n3A_556 = arith.select %eq3A_554, %jit3A_555, %jit3A_552 : i32
      %rem3A_557 = arith.remsi %scan3A_148, %select_n3A_556 : i32
      %ne3A_558 = arith.constant 0 : i32
      %ne3A_559 = arith.cmpi ne, %rem3A_557, %ne3A_558 : i32
      %lt3A_560 = arith.constant 0 : i32
      %lt3A_561 = arith.cmpi slt, %rem3A_557, %lt3A_560 : i32
      %lt3A_562 = arith.constant 0 : i32
      %lt3A_563 = arith.cmpi slt, %select_n3A_556, %lt3A_562 : i32
      %ne3A_564 = arith.xori %lt3A_561, %lt3A_563 : i1
      %and3A_565 = arith.andi %ne3A_564, %ne3A_559 : i1
      %add3A_566 = arith.addi %rem3A_557, %select_n3A_556 : i32
      %select_n3A_567 = arith.select %and3A_565, %add3A_566, %rem3A_557 : i32
      %mul3A_568 = arith.constant 16 : i32
      %mul3A_569 = arith.muli %select_n3A_567, %mul3A_568 : i32
      %add3A_570 = arith.constant 4 : i32
      %add3A_571 = arith.addi %mul3A_569, %add3A_570 : i32
      %add3A_572 = arith.constant 0 : i32
      %add3A_573 = vector.broadcast %add3A_572 : i32 to vector<16xi32>
      %add3A_574 = arith.addi %iota3A, %add3A_573 : vector<16xi32>
      %gather3A_575 = tpu.vector_load_idx %arg10[%add3A_574, %broadcast_in_dim3A_551] : memref<64x128xf32, #tpu.memory_space<vmem>>[vector<16xi32>, vector<16xi32>], vector<16xf32>,
      %mul3A_576 = arith.constant 64 : i32
      %mul3A_577 = arith.muli %add3A_571, %mul3A_576 : i32
      %add3A_578 = arith.constant 0 : i32
      %add3A_579 = arith.addi %mul3A_577, %add3A_578 : i32
      %swap3A_580 = arith.index_cast %add3A_579 : i32 to index
      %swap3A_581 = tpu.vector_load %arg14[%swap3A_580] {strides = array<i32>} : memref<16384xf32, #tpu.memory_space<vmem>>, vector<16xf32>,
      tpu.vector_store %arg14[%swap3A_580], %gather3A_575 {strides = array<i32>} : memref<16384xf32, #tpu.memory_space<vmem>>, vector<16xf32>,
      %add3A_582 = arith.constant 16 : i32
      %add3A_583 = vector.broadcast %add3A_582 : i32 to vector<16xi32>
      %add3A_584 = arith.addi %iota3A, %add3A_583 : vector<16xi32>
      %gather3A_585 = tpu.vector_load_idx %arg10[%add3A_584, %broadcast_in_dim3A_551] : memref<64x128xf32, #tpu.memory_space<vmem>>[vector<16xi32>, vector<16xi32>], vector<16xf32>,
      %mul3A_586 = arith.constant 64 : i32
      %mul3A_587 = arith.muli %add3A_571, %mul3A_586 : i32
      %add3A_588 = arith.constant 16 : i32
      %add3A_589 = arith.addi %mul3A_587, %add3A_588 : i32
      %swap3A_590 = arith.index_cast %add3A_589 : i32 to index
      %swap3A_591 = tpu.vector_load %arg14[%swap3A_590] {strides = array<i32>} : memref<16384xf32, #tpu.memory_space<vmem>>, vector<16xf32>,
      tpu.vector_store %arg14[%swap3A_590], %gather3A_585 {strides = array<i32>} : memref<16384xf32, #tpu.memory_space<vmem>>, vector<16xf32>,
      %add3A_592 = arith.constant 32 : i32
      %add3A_593 = vector.broadcast %add3A_592 : i32 to vector<16xi32>
      %add3A_594 = arith.addi %iota3A, %add3A_593 : vector<16xi32>
      %gather3A_595 = tpu.vector_load_idx %arg10[%add3A_594, %broadcast_in_dim3A_551] : memref<64x128xf32, #tpu.memory_space<vmem>>[vector<16xi32>, vector<16xi32>], vector<16xf32>,
      %mul3A_596 = arith.constant 64 : i32
      %mul3A_597 = arith.muli %add3A_571, %mul3A_596 : i32
      %add3A_598 = arith.constant 32 : i32
      %add3A_599 = arith.addi %mul3A_597, %add3A_598 : i32
      %swap3A_600 = arith.index_cast %add3A_599 : i32 to index
      %swap3A_601 = tpu.vector_load %arg14[%swap3A_600] {strides = array<i32>} : memref<16384xf32, #tpu.memory_space<vmem>>, vector<16xf32>,
      tpu.vector_store %arg14[%swap3A_600], %gather3A_595 {strides = array<i32>} : memref<16384xf32, #tpu.memory_space<vmem>>, vector<16xf32>,
      %add3A_602 = arith.constant 48 : i32
      %add3A_603 = vector.broadcast %add3A_602 : i32 to vector<16xi32>
      %add3A_604 = arith.addi %iota3A, %add3A_603 : vector<16xi32>
      %gather3A_605 = tpu.vector_load_idx %arg10[%add3A_604, %broadcast_in_dim3A_551] : memref<64x128xf32, #tpu.memory_space<vmem>>[vector<16xi32>, vector<16xi32>], vector<16xf32>,
      %mul3A_606 = arith.constant 64 : i32
      %mul3A_607 = arith.muli %add3A_571, %mul3A_606 : i32
      %add3A_608 = arith.constant 48 : i32
      %add3A_609 = arith.addi %mul3A_607, %add3A_608 : i32
      %swap3A_610 = arith.index_cast %add3A_609 : i32 to index
      %swap3A_611 = tpu.vector_load %arg14[%swap3A_610] {strides = array<i32>} : memref<16384xf32, #tpu.memory_space<vmem>>, vector<16xf32>,
      tpu.vector_store %arg14[%swap3A_610], %gather3A_605 {strides = array<i32>} : memref<16384xf32, #tpu.memory_space<vmem>>, vector<16xf32>,
      %slice3A_612 = vector.extract_strided_slice %mul3A_206 {offsets = [12], sizes = [1], strides = [1]} : vector<16xi32> to vector<1xi32>
      %squeeze3A_613 = vector.extract %slice3A_612[0] : i32 from vector<1xi32>
      %multiple_of3A_614 = tpu.assume_multiple %squeeze3A_613, 128 : i32
      %dma_start3A_615 = arith.constant 0 : i32
      %dma_start3A_616 = tpu.memref_slice %arg2[%dma_start3A_615, %multiple_of3A_614] : memref<64x1000000xf32, #tpu.memory_space<hbm>> -> memref<64x128xf32, #tpu.memory_space<hbm>>
      %dma_start3A_617 = arith.constant 0 : i32
      %dma_start3A_618 = tpu.memref_slice %arg2[%dma_start3A_617, %multiple_of3A_614] : memref<64x1000000xf32, #tpu.memory_space<hbm>> -> memref<64x128xf32, #tpu.memory_space<hbm>>
      tpu.enqueue_dma source(%dma_start3A_618 : memref<64x128xf32, #tpu.memory_space<hbm>>) target(%arg10 : memref<64x128xf32, #tpu.memory_space<vmem>>) target_semaphore(%arg19 : memref<!tpu.dma_semaphore, #tpu.memory_space<semaphore_mem>>)
      %dma_wait3A_619 = arith.constant 0 : i32
      %dma_wait3A_620 = arith.constant 0 : i32
      %dma_wait3A_621 = tpu.memref_slice %arg2[%dma_wait3A_619, %dma_wait3A_620] : memref<64x1000000xf32, #tpu.memory_space<hbm>> -> memref<64x128xf32, #tpu.memory_space<hbm>>
      %dma_wait3A_622 = arith.constant 0 : i32
      %dma_wait3A_623 = arith.constant 0 : i32
      %dma_wait3A_624 = tpu.memref_slice %arg2[%dma_wait3A_622, %dma_wait3A_623] : memref<64x1000000xf32, #tpu.memory_space<hbm>> -> memref<64x128xf32, #tpu.memory_space<hbm>>
      tpu.wait_dma2 semaphore(%arg20 : memref<!tpu.dma_semaphore, #tpu.memory_space<semaphore_mem>>) src(%dma_wait3A_624 : memref<64x128xf32, #tpu.memory_space<hbm>>) dst(%arg11 : memref<64x128xf32, #tpu.memory_space<vmem>>)
      %slice3A_625 = vector.extract_strided_slice %sub3A_241 {offsets = [5], sizes = [1], strides = [1]} : vector<16xi32> to vector<1xi32>
      %squeeze3A_626 = vector.extract %slice3A_625[0] : i32 from vector<1xi32>
      %broadcast_in_dim3A_627 = vector.broadcast %squeeze3A_626 : i32 to vector<16xi32>
      %jit3A_628 = arith.constant 16 : i32
      %eq3A_629 = arith.constant 0 : i32
      %eq3A_630 = arith.cmpi eq, %jit3A_628, %eq3A_629 : i32
      %jit3A_631 = arith.constant 1 : i32
      %select_n3A_632 = arith.select %eq3A_630, %jit3A_631, %jit3A_628 : i32
      %rem3A_633 = arith.remsi %scan3A_148, %select_n3A_632 : i32
      %ne3A_634 = arith.constant 0 : i32
      %ne3A_635 = arith.cmpi ne, %rem3A_633, %ne3A_634 : i32
      %lt3A_636 = arith.constant 0 : i32
      %lt3A_637 = arith.cmpi slt, %rem3A_633, %lt3A_636 : i32
      %lt3A_638 = arith.constant 0 : i32
      %lt3A_639 = arith.cmpi slt, %select_n3A_632, %lt3A_638 : i32
      %ne3A_640 = arith.xori %lt3A_637, %lt3A_639 : i1
      %and3A_641 = arith.andi %ne3A_640, %ne3A_635 : i1
      %add3A_642 = arith.addi %rem3A_633, %select_n3A_632 : i32
      %select_n3A_643 = arith.select %and3A_641, %add3A_642, %rem3A_633 : i32
      %mul3A_644 = arith.constant 16 : i32
      %mul3A_645 = arith.muli %select_n3A_643, %mul3A_644 : i32
      %add3A_646 = arith.constant 5 : i32
      %add3A_647 = arith.addi %mul3A_645, %add3A_646 : i32
      %add3A_648 = arith.constant 0 : i32
      %add3A_649 = vector.broadcast %add3A_648 : i32 to vector<16xi32>
      %add3A_650 = arith.addi %iota3A, %add3A_649 : vector<16xi32>
      %gather3A_651 = tpu.vector_load_idx %arg11[%add3A_650, %broadcast_in_dim3A_627] : memref<64x128xf32, #tpu.memory_space<vmem>>[vector<16xi32>, vector<16xi32>], vector<16xf32>,
      %mul3A_652 = arith.constant 64 : i32
      %mul3A_653 = arith.muli %add3A_647, %mul3A_652 : i32
      %add3A_654 = arith.constant 0 : i32
      %add3A_655 = arith.addi %mul3A_653, %add3A_654 : i32
      %swap3A_656 = arith.index_cast %add3A_655 : i32 to index
      %swap3A_657 = tpu.vector_load %arg14[%swap3A_656] {strides = array<i32>} : memref<16384xf32, #tpu.memory_space<vmem>>, vector<16xf32>,
      tpu.vector_store %arg14[%swap3A_656], %gather3A_651 {strides = array<i32>} : memref<16384xf32, #tpu.memory_space<vmem>>, vector<16xf32>,
      %add3A_658 = arith.constant 16 : i32
      %add3A_659 = vector.broadcast %add3A_658 : i32 to vector<16xi32>
      %add3A_660 = arith.addi %iota3A, %add3A_659 : vector<16xi32>
      %gather3A_661 = tpu.vector_load_idx %arg11[%add3A_660, %broadcast_in_dim3A_627] : memref<64x128xf32, #tpu.memory_space<vmem>>[vector<16xi32>, vector<16xi32>], vector<16xf32>,
      %mul3A_662 = arith.constant 64 : i32
      %mul3A_663 = arith.muli %add3A_647, %mul3A_662 : i32
      %add3A_664 = arith.constant 16 : i32
      %add3A_665 = arith.addi %mul3A_663, %add3A_664 : i32
      %swap3A_666 = arith.index_cast %add3A_665 : i32 to index
      %swap3A_667 = tpu.vector_load %arg14[%swap3A_666] {strides = array<i32>} : memref<16384xf32, #tpu.memory_space<vmem>>, vector<16xf32>,
      tpu.vector_store %arg14[%swap3A_666], %gather3A_661 {strides = array<i32>} : memref<16384xf32, #tpu.memory_space<vmem>>, vector<16xf32>,
      %add3A_668 = arith.constant 32 : i32
      %add3A_669 = vector.broadcast %add3A_668 : i32 to vector<16xi32>
      %add3A_670 = arith.addi %iota3A, %add3A_669 : vector<16xi32>
      %gather3A_671 = tpu.vector_load_idx %arg11[%add3A_670, %broadcast_in_dim3A_627] : memref<64x128xf32, #tpu.memory_space<vmem>>[vector<16xi32>, vector<16xi32>], vector<16xf32>,
      %mul3A_672 = arith.constant 64 : i32
      %mul3A_673 = arith.muli %add3A_647, %mul3A_672 : i32
      %add3A_674 = arith.constant 32 : i32
      %add3A_675 = arith.addi %mul3A_673, %add3A_674 : i32
      %swap3A_676 = arith.index_cast %add3A_675 : i32 to index
      %swap3A_677 = tpu.vector_load %arg14[%swap3A_676] {strides = array<i32>} : memref<16384xf32, #tpu.memory_space<vmem>>, vector<16xf32>,
      tpu.vector_store %arg14[%swap3A_676], %gather3A_671 {strides = array<i32>} : memref<16384xf32, #tpu.memory_space<vmem>>, vector<16xf32>,
      %add3A_678 = arith.constant 48 : i32
      %add3A_679 = vector.broadcast %add3A_678 : i32 to vector<16xi32>
      %add3A_680 = arith.addi %iota3A, %add3A_679 : vector<16xi32>
      %gather3A_681 = tpu.vector_load_idx %arg11[%add3A_680, %broadcast_in_dim3A_627] : memref<64x128xf32, #tpu.memory_space<vmem>>[vector<16xi32>, vector<16xi32>], vector<16xf32>,
      %mul3A_682 = arith.constant 64 : i32
      %mul3A_683 = arith.muli %add3A_647, %mul3A_682 : i32
      %add3A_684 = arith.constant 48 : i32
      %add3A_685 = arith.addi %mul3A_683, %add3A_684 : i32
      %swap3A_686 = arith.index_cast %add3A_685 : i32 to index
      %swap3A_687 = tpu.vector_load %arg14[%swap3A_686] {strides = array<i32>} : memref<16384xf32, #tpu.memory_space<vmem>>, vector<16xf32>,
      tpu.vector_store %arg14[%swap3A_686], %gather3A_681 {strides = array<i32>} : memref<16384xf32, #tpu.memory_space<vmem>>, vector<16xf32>,
      %slice3A_688 = vector.extract_strided_slice %mul3A_206 {offsets = [13], sizes = [1], strides = [1]} : vector<16xi32> to vector<1xi32>
      %squeeze3A_689 = vector.extract %slice3A_688[0] : i32 from vector<1xi32>
      %multiple_of3A_690 = tpu.assume_multiple %squeeze3A_689, 128 : i32
      %dma_start3A_691 = arith.constant 0 : i32
      %dma_start3A_692 = tpu.memref_slice %arg2[%dma_start3A_691, %multiple_of3A_690] : memref<64x1000000xf32, #tpu.memory_space<hbm>> -> memref<64x128xf32, #tpu.memory_space<hbm>>
      %dma_start3A_693 = arith.constant 0 : i32
      %dma_start3A_694 = tpu.memref_slice %arg2[%dma_start3A_693, %multiple_of3A_690] : memref<64x1000000xf32, #tpu.memory_space<hbm>> -> memref<64x128xf32, #tpu.memory_space<hbm>>
      tpu.enqueue_dma source(%dma_start3A_694 : memref<64x128xf32, #tpu.memory_space<hbm>>) target(%arg11 : memref<64x128xf32, #tpu.memory_space<vmem>>) target_semaphore(%arg20 : memref<!tpu.dma_semaphore, #tpu.memory_space<semaphore_mem>>)
      %dma_wait3A_695 = arith.constant 0 : i32
      %dma_wait3A_696 = arith.constant 0 : i32
      %dma_wait3A_697 = tpu.memref_slice %arg2[%dma_wait3A_695, %dma_wait3A_696] : memref<64x1000000xf32, #tpu.memory_space<hbm>> -> memref<64x128xf32, #tpu.memory_space<hbm>>
      %dma_wait3A_698 = arith.constant 0 : i32
      %dma_wait3A_699 = arith.constant 0 : i32
      %dma_wait3A_700 = tpu.memref_slice %arg2[%dma_wait3A_698, %dma_wait3A_699] : memref<64x1000000xf32, #tpu.memory_space<hbm>> -> memref<64x128xf32, #tpu.memory_space<hbm>>
      tpu.wait_dma2 semaphore(%arg21 : memref<!tpu.dma_semaphore, #tpu.memory_space<semaphore_mem>>) src(%dma_wait3A_700 : memref<64x128xf32, #tpu.memory_space<hbm>>) dst(%arg12 : memref<64x128xf32, #tpu.memory_space<vmem>>)
      %slice3A_701 = vector.extract_strided_slice %sub3A_241 {offsets = [6], sizes = [1], strides = [1]} : vector<16xi32> to vector<1xi32>
      %squeeze3A_702 = vector.extract %slice3A_701[0] : i32 from vector<1xi32>
      %broadcast_in_dim3A_703 = vector.broadcast %squeeze3A_702 : i32 to vector<16xi32>
      %jit3A_704 = arith.constant 16 : i32
      %eq3A_705 = arith.constant 0 : i32
      %eq3A_706 = arith.cmpi eq, %jit3A_704, %eq3A_705 : i32
      %jit3A_707 = arith.constant 1 : i32
      %select_n3A_708 = arith.select %eq3A_706, %jit3A_707, %jit3A_704 : i32
      %rem3A_709 = arith.remsi %scan3A_148, %select_n3A_708 : i32
      %ne3A_710 = arith.constant 0 : i32
      %ne3A_711 = arith.cmpi ne, %rem3A_709, %ne3A_710 : i32
      %lt3A_712 = arith.constant 0 : i32
      %lt3A_713 = arith.cmpi slt, %rem3A_709, %lt3A_712 : i32
      %lt3A_714 = arith.constant 0 : i32
      %lt3A_715 = arith.cmpi slt, %select_n3A_708, %lt3A_714 : i32
      %ne3A_716 = arith.xori %lt3A_713, %lt3A_715 : i1
      %and3A_717 = arith.andi %ne3A_716, %ne3A_711 : i1
      %add3A_718 = arith.addi %rem3A_709, %select_n3A_708 : i32
      %select_n3A_719 = arith.select %and3A_717, %add3A_718, %rem3A_709 : i32
      %mul3A_720 = arith.constant 16 : i32
      %mul3A_721 = arith.muli %select_n3A_719, %mul3A_720 : i32
      %add3A_722 = arith.constant 6 : i32
      %add3A_723 = arith.addi %mul3A_721, %add3A_722 : i32
      %add3A_724 = arith.constant 0 : i32
      %add3A_725 = vector.broadcast %add3A_724 : i32 to vector<16xi32>
      %add3A_726 = arith.addi %iota3A, %add3A_725 : vector<16xi32>
      %gather3A_727 = tpu.vector_load_idx %arg12[%add3A_726, %broadcast_in_dim3A_703] : memref<64x128xf32, #tpu.memory_space<vmem>>[vector<16xi32>, vector<16xi32>], vector<16xf32>,
      %mul3A_728 = arith.constant 64 : i32
      %mul3A_729 = arith.muli %add3A_723, %mul3A_728 : i32
      %add3A_730 = arith.constant 0 : i32
      %add3A_731 = arith.addi %mul3A_729, %add3A_730 : i32
      %swap3A_732 = arith.index_cast %add3A_731 : i32 to index
      %swap3A_733 = tpu.vector_load %arg14[%swap3A_732] {strides = array<i32>} : memref<16384xf32, #tpu.memory_space<vmem>>, vector<16xf32>,
      tpu.vector_store %arg14[%swap3A_732], %gather3A_727 {strides = array<i32>} : memref<16384xf32, #tpu.memory_space<vmem>>, vector<16xf32>,
      %add3A_734 = arith.constant 16 : i32
      %add3A_735 = vector.broadcast %add3A_734 : i32 to vector<16xi32>
      %add3A_736 = arith.addi %iota3A, %add3A_735 : vector<16xi32>
      %gather3A_737 = tpu.vector_load_idx %arg12[%add3A_736, %broadcast_in_dim3A_703] : memref<64x128xf32, #tpu.memory_space<vmem>>[vector<16xi32>, vector<16xi32>], vector<16xf32>,
      %mul3A_738 = arith.constant 64 : i32
      %mul3A_739 = arith.muli %add3A_723, %mul3A_738 : i32
      %add3A_740 = arith.constant 16 : i32
      %add3A_741 = arith.addi %mul3A_739, %add3A_740 : i32
      %swap3A_742 = arith.index_cast %add3A_741 : i32 to index
      %swap3A_743 = tpu.vector_load %arg14[%swap3A_742] {strides = array<i32>} : memref<16384xf32, #tpu.memory_space<vmem>>, vector<16xf32>,
      tpu.vector_store %arg14[%swap3A_742], %gather3A_737 {strides = array<i32>} : memref<16384xf32, #tpu.memory_space<vmem>>, vector<16xf32>,
      %add3A_744 = arith.constant 32 : i32
      %add3A_745 = vector.broadcast %add3A_744 : i32 to vector<16xi32>
      %add3A_746 = arith.addi %iota3A, %add3A_745 : vector<16xi32>
      %gather3A_747 = tpu.vector_load_idx %arg12[%add3A_746, %broadcast_in_dim3A_703] : memref<64x128xf32, #tpu.memory_space<vmem>>[vector<16xi32>, vector<16xi32>], vector<16xf32>,
      %mul3A_748 = arith.constant 64 : i32
      %mul3A_749 = arith.muli %add3A_723, %mul3A_748 : i32
      %add3A_750 = arith.constant 32 : i32
      %add3A_751 = arith.addi %mul3A_749, %add3A_750 : i32
      %swap3A_752 = arith.index_cast %add3A_751 : i32 to index
      %swap3A_753 = tpu.vector_load %arg14[%swap3A_752] {strides = array<i32>} : memref<16384xf32, #tpu.memory_space<vmem>>, vector<16xf32>,
      tpu.vector_store %arg14[%swap3A_752], %gather3A_747 {strides = array<i32>} : memref<16384xf32, #tpu.memory_space<vmem>>, vector<16xf32>,
      %add3A_754 = arith.constant 48 : i32
      %add3A_755 = vector.broadcast %add3A_754 : i32 to vector<16xi32>
      %add3A_756 = arith.addi %iota3A, %add3A_755 : vector<16xi32>
      %gather3A_757 = tpu.vector_load_idx %arg12[%add3A_756, %broadcast_in_dim3A_703] : memref<64x128xf32, #tpu.memory_space<vmem>>[vector<16xi32>, vector<16xi32>], vector<16xf32>,
      %mul3A_758 = arith.constant 64 : i32
      %mul3A_759 = arith.muli %add3A_723, %mul3A_758 : i32
      %add3A_760 = arith.constant 48 : i32
      %add3A_761 = arith.addi %mul3A_759, %add3A_760 : i32
      %swap3A_762 = arith.index_cast %add3A_761 : i32 to index
      %swap3A_763 = tpu.vector_load %arg14[%swap3A_762] {strides = array<i32>} : memref<16384xf32, #tpu.memory_space<vmem>>, vector<16xf32>,
      tpu.vector_store %arg14[%swap3A_762], %gather3A_757 {strides = array<i32>} : memref<16384xf32, #tpu.memory_space<vmem>>, vector<16xf32>,
      %slice3A_764 = vector.extract_strided_slice %mul3A_206 {offsets = [14], sizes = [1], strides = [1]} : vector<16xi32> to vector<1xi32>
      %squeeze3A_765 = vector.extract %slice3A_764[0] : i32 from vector<1xi32>
      %multiple_of3A_766 = tpu.assume_multiple %squeeze3A_765, 128 : i32
      %dma_start3A_767 = arith.constant 0 : i32
      %dma_start3A_768 = tpu.memref_slice %arg2[%dma_start3A_767, %multiple_of3A_766] : memref<64x1000000xf32, #tpu.memory_space<hbm>> -> memref<64x128xf32, #tpu.memory_space<hbm>>
      %dma_start3A_769 = arith.constant 0 : i32
      %dma_start3A_770 = tpu.memref_slice %arg2[%dma_start3A_769, %multiple_of3A_766] : memref<64x1000000xf32, #tpu.memory_space<hbm>> -> memref<64x128xf32, #tpu.memory_space<hbm>>
      tpu.enqueue_dma source(%dma_start3A_770 : memref<64x128xf32, #tpu.memory_space<hbm>>) target(%arg12 : memref<64x128xf32, #tpu.memory_space<vmem>>) target_semaphore(%arg21 : memref<!tpu.dma_semaphore, #tpu.memory_space<semaphore_mem>>)
      %dma_wait3A_771 = arith.constant 0 : i32
      %dma_wait3A_772 = arith.constant 0 : i32
      %dma_wait3A_773 = tpu.memref_slice %arg2[%dma_wait3A_771, %dma_wait3A_772] : memref<64x1000000xf32, #tpu.memory_space<hbm>> -> memref<64x128xf32, #tpu.memory_space<hbm>>
      %dma_wait3A_774 = arith.constant 0 : i32
      %dma_wait3A_775 = arith.constant 0 : i32
      %dma_wait3A_776 = tpu.memref_slice %arg2[%dma_wait3A_774, %dma_wait3A_775] : memref<64x1000000xf32, #tpu.memory_space<hbm>> -> memref<64x128xf32, #tpu.memory_space<hbm>>
      tpu.wait_dma2 semaphore(%arg22 : memref<!tpu.dma_semaphore, #tpu.memory_space<semaphore_mem>>) src(%dma_wait3A_776 : memref<64x128xf32, #tpu.memory_space<hbm>>) dst(%arg13 : memref<64x128xf32, #tpu.memory_space<vmem>>)
      %slice3A_777 = vector.extract_strided_slice %sub3A_241 {offsets = [7], sizes = [1], strides = [1]} : vector<16xi32> to vector<1xi32>
      %squeeze3A_778 = vector.extract %slice3A_777[0] : i32 from vector<1xi32>
      %broadcast_in_dim3A_779 = vector.broadcast %squeeze3A_778 : i32 to vector<16xi32>
      %jit3A_780 = arith.constant 16 : i32
      %eq3A_781 = arith.constant 0 : i32
      %eq3A_782 = arith.cmpi eq, %jit3A_780, %eq3A_781 : i32
      %jit3A_783 = arith.constant 1 : i32
      %select_n3A_784 = arith.select %eq3A_782, %jit3A_783, %jit3A_780 : i32
      %rem3A_785 = arith.remsi %scan3A_148, %select_n3A_784 : i32
      %ne3A_786 = arith.constant 0 : i32
      %ne3A_787 = arith.cmpi ne, %rem3A_785, %ne3A_786 : i32
      %lt3A_788 = arith.constant 0 : i32
      %lt3A_789 = arith.cmpi slt, %rem3A_785, %lt3A_788 : i32
      %lt3A_790 = arith.constant 0 : i32
      %lt3A_791 = arith.cmpi slt, %select_n3A_784, %lt3A_790 : i32
      %ne3A_792 = arith.xori %lt3A_789, %lt3A_791 : i1
      %and3A_793 = arith.andi %ne3A_792, %ne3A_787 : i1
      %add3A_794 = arith.addi %rem3A_785, %select_n3A_784 : i32
      %select_n3A_795 = arith.select %and3A_793, %add3A_794, %rem3A_785 : i32
      %mul3A_796 = arith.constant 16 : i32
      %mul3A_797 = arith.muli %select_n3A_795, %mul3A_796 : i32
      %add3A_798 = arith.constant 7 : i32
      %add3A_799 = arith.addi %mul3A_797, %add3A_798 : i32
      %add3A_800 = arith.constant 0 : i32
      %add3A_801 = vector.broadcast %add3A_800 : i32 to vector<16xi32>
      %add3A_802 = arith.addi %iota3A, %add3A_801 : vector<16xi32>
      %gather3A_803 = tpu.vector_load_idx %arg13[%add3A_802, %broadcast_in_dim3A_779] : memref<64x128xf32, #tpu.memory_space<vmem>>[vector<16xi32>, vector<16xi32>], vector<16xf32>,
      %mul3A_804 = arith.constant 64 : i32
      %mul3A_805 = arith.muli %add3A_799, %mul3A_804 : i32
      %add3A_806 = arith.constant 0 : i32
      %add3A_807 = arith.addi %mul3A_805, %add3A_806 : i32
      %swap3A_808 = arith.index_cast %add3A_807 : i32 to index
      %swap3A_809 = tpu.vector_load %arg14[%swap3A_808] {strides = array<i32>} : memref<16384xf32, #tpu.memory_space<vmem>>, vector<16xf32>,
      tpu.vector_store %arg14[%swap3A_808], %gather3A_803 {strides = array<i32>} : memref<16384xf32, #tpu.memory_space<vmem>>, vector<16xf32>,
      %add3A_810 = arith.constant 16 : i32
      %add3A_811 = vector.broadcast %add3A_810 : i32 to vector<16xi32>
      %add3A_812 = arith.addi %iota3A, %add3A_811 : vector<16xi32>
      %gather3A_813 = tpu.vector_load_idx %arg13[%add3A_812, %broadcast_in_dim3A_779] : memref<64x128xf32, #tpu.memory_space<vmem>>[vector<16xi32>, vector<16xi32>], vector<16xf32>,
      %mul3A_814 = arith.constant 64 : i32
      %mul3A_815 = arith.muli %add3A_799, %mul3A_814 : i32
      %add3A_816 = arith.constant 16 : i32
      %add3A_817 = arith.addi %mul3A_815, %add3A_816 : i32
      %swap3A_818 = arith.index_cast %add3A_817 : i32 to index
      %swap3A_819 = tpu.vector_load %arg14[%swap3A_818] {strides = array<i32>} : memref<16384xf32, #tpu.memory_space<vmem>>, vector<16xf32>,
      tpu.vector_store %arg14[%swap3A_818], %gather3A_813 {strides = array<i32>} : memref<16384xf32, #tpu.memory_space<vmem>>, vector<16xf32>,
      %add3A_820 = arith.constant 32 : i32
      %add3A_821 = vector.broadcast %add3A_820 : i32 to vector<16xi32>
      %add3A_822 = arith.addi %iota3A, %add3A_821 : vector<16xi32>
      %gather3A_823 = tpu.vector_load_idx %arg13[%add3A_822, %broadcast_in_dim3A_779] : memref<64x128xf32, #tpu.memory_space<vmem>>[vector<16xi32>, vector<16xi32>], vector<16xf32>,
      %mul3A_824 = arith.constant 64 : i32
      %mul3A_825 = arith.muli %add3A_799, %mul3A_824 : i32
      %add3A_826 = arith.constant 32 : i32
      %add3A_827 = arith.addi %mul3A_825, %add3A_826 : i32
      %swap3A_828 = arith.index_cast %add3A_827 : i32 to index
      %swap3A_829 = tpu.vector_load %arg14[%swap3A_828] {strides = array<i32>} : memref<16384xf32, #tpu.memory_space<vmem>>, vector<16xf32>,
      tpu.vector_store %arg14[%swap3A_828], %gather3A_823 {strides = array<i32>} : memref<16384xf32, #tpu.memory_space<vmem>>, vector<16xf32>,
      %add3A_830 = arith.constant 48 : i32
      %add3A_831 = vector.broadcast %add3A_830 : i32 to vector<16xi32>
      %add3A_832 = arith.addi %iota3A, %add3A_831 : vector<16xi32>
      %gather3A_833 = tpu.vector_load_idx %arg13[%add3A_832, %broadcast_in_dim3A_779] : memref<64x128xf32, #tpu.memory_space<vmem>>[vector<16xi32>, vector<16xi32>], vector<16xf32>,
      %mul3A_834 = arith.constant 64 : i32
      %mul3A_835 = arith.muli %add3A_799, %mul3A_834 : i32
      %add3A_836 = arith.constant 48 : i32
      %add3A_837 = arith.addi %mul3A_835, %add3A_836 : i32
      %swap3A_838 = arith.index_cast %add3A_837 : i32 to index
      %swap3A_839 = tpu.vector_load %arg14[%swap3A_838] {strides = array<i32>} : memref<16384xf32, #tpu.memory_space<vmem>>, vector<16xf32>,
      tpu.vector_store %arg14[%swap3A_838], %gather3A_833 {strides = array<i32>} : memref<16384xf32, #tpu.memory_space<vmem>>, vector<16xf32>,
      %slice3A_840 = vector.extract_strided_slice %mul3A_206 {offsets = [15], sizes = [1], strides = [1]} : vector<16xi32> to vector<1xi32>
      %squeeze3A_841 = vector.extract %slice3A_840[0] : i32 from vector<1xi32>
      %multiple_of3A_842 = tpu.assume_multiple %squeeze3A_841, 128 : i32
      %dma_start3A_843 = arith.constant 0 : i32
      %dma_start3A_844 = tpu.memref_slice %arg2[%dma_start3A_843, %multiple_of3A_842] : memref<64x1000000xf32, #tpu.memory_space<hbm>> -> memref<64x128xf32, #tpu.memory_space<hbm>>
      %dma_start3A_845 = arith.constant 0 : i32
      %dma_start3A_846 = tpu.memref_slice %arg2[%dma_start3A_845, %multiple_of3A_842] : memref<64x1000000xf32, #tpu.memory_space<hbm>> -> memref<64x128xf32, #tpu.memory_space<hbm>>
      tpu.enqueue_dma source(%dma_start3A_846 : memref<64x128xf32, #tpu.memory_space<hbm>>) target(%arg13 : memref<64x128xf32, #tpu.memory_space<vmem>>) target_semaphore(%arg22 : memref<!tpu.dma_semaphore, #tpu.memory_space<semaphore_mem>>)
      %dma_wait3A_847 = arith.constant 0 : i32
      %dma_wait3A_848 = arith.constant 0 : i32
      %dma_wait3A_849 = tpu.memref_slice %arg2[%dma_wait3A_847, %dma_wait3A_848] : memref<64x1000000xf32, #tpu.memory_space<hbm>> -> memref<64x128xf32, #tpu.memory_space<hbm>>
      %dma_wait3A_850 = arith.constant 0 : i32
      %dma_wait3A_851 = arith.constant 0 : i32
      %dma_wait3A_852 = tpu.memref_slice %arg2[%dma_wait3A_850, %dma_wait3A_851] : memref<64x1000000xf32, #tpu.memory_space<hbm>> -> memref<64x128xf32, #tpu.memory_space<hbm>>
      tpu.wait_dma2 semaphore(%arg15 : memref<!tpu.dma_semaphore, #tpu.memory_space<semaphore_mem>>) src(%dma_wait3A_852 : memref<64x128xf32, #tpu.memory_space<hbm>>) dst(%arg6 : memref<64x128xf32, #tpu.memory_space<vmem>>)
      %slice3A_853 = vector.extract_strided_slice %sub3A_241 {offsets = [8], sizes = [1], strides = [1]} : vector<16xi32> to vector<1xi32>
      %squeeze3A_854 = vector.extract %slice3A_853[0] : i32 from vector<1xi32>
      %broadcast_in_dim3A_855 = vector.broadcast %squeeze3A_854 : i32 to vector<16xi32>
      %jit3A_856 = arith.constant 16 : i32
      %eq3A_857 = arith.constant 0 : i32
      %eq3A_858 = arith.cmpi eq, %jit3A_856, %eq3A_857 : i32
      %jit3A_859 = arith.constant 1 : i32
      %select_n3A_860 = arith.select %eq3A_858, %jit3A_859, %jit3A_856 : i32
      %rem3A_861 = arith.remsi %scan3A_148, %select_n3A_860 : i32
      %ne3A_862 = arith.constant 0 : i32
      %ne3A_863 = arith.cmpi ne, %rem3A_861, %ne3A_862 : i32
      %lt3A_864 = arith.constant 0 : i32
      %lt3A_865 = arith.cmpi slt, %rem3A_861, %lt3A_864 : i32
      %lt3A_866 = arith.constant 0 : i32
      %lt3A_867 = arith.cmpi slt, %select_n3A_860, %lt3A_866 : i32
      %ne3A_868 = arith.xori %lt3A_865, %lt3A_867 : i1
      %and3A_869 = arith.andi %ne3A_868, %ne3A_863 : i1
      %add3A_870 = arith.addi %rem3A_861, %select_n3A_860 : i32
      %select_n3A_871 = arith.select %and3A_869, %add3A_870, %rem3A_861 : i32
      %mul3A_872 = arith.constant 16 : i32
      %mul3A_873 = arith.muli %select_n3A_871, %mul3A_872 : i32
      %add3A_874 = arith.constant 8 : i32
      %add3A_875 = arith.addi %mul3A_873, %add3A_874 : i32
      %add3A_876 = arith.constant 0 : i32
      %add3A_877 = vector.broadcast %add3A_876 : i32 to vector<16xi32>
      %add3A_878 = arith.addi %iota3A, %add3A_877 : vector<16xi32>
      %gather3A_879 = tpu.vector_load_idx %arg6[%add3A_878, %broadcast_in_dim3A_855] : memref<64x128xf32, #tpu.memory_space<vmem>>[vector<16xi32>, vector<16xi32>], vector<16xf32>,
      %mul3A_880 = arith.constant 64 : i32
      %mul3A_881 = arith.muli %add3A_875, %mul3A_880 : i32
      %add3A_882 = arith.constant 0 : i32
      %add3A_883 = arith.addi %mul3A_881, %add3A_882 : i32
      %swap3A_884 = arith.index_cast %add3A_883 : i32 to index
      %swap3A_885 = tpu.vector_load %arg14[%swap3A_884] {strides = array<i32>} : memref<16384xf32, #tpu.memory_space<vmem>>, vector<16xf32>,
      tpu.vector_store %arg14[%swap3A_884], %gather3A_879 {strides = array<i32>} : memref<16384xf32, #tpu.memory_space<vmem>>, vector<16xf32>,
      %add3A_886 = arith.constant 16 : i32
      %add3A_887 = vector.broadcast %add3A_886 : i32 to vector<16xi32>
      %add3A_888 = arith.addi %iota3A, %add3A_887 : vector<16xi32>
      %gather3A_889 = tpu.vector_load_idx %arg6[%add3A_888, %broadcast_in_dim3A_855] : memref<64x128xf32, #tpu.memory_space<vmem>>[vector<16xi32>, vector<16xi32>], vector<16xf32>,
      %mul3A_890 = arith.constant 64 : i32
      %mul3A_891 = arith.muli %add3A_875, %mul3A_890 : i32
      %add3A_892 = arith.constant 16 : i32
      %add3A_893 = arith.addi %mul3A_891, %add3A_892 : i32
      %swap3A_894 = arith.index_cast %add3A_893 : i32 to index
      %swap3A_895 = tpu.vector_load %arg14[%swap3A_894] {strides = array<i32>} : memref<16384xf32, #tpu.memory_space<vmem>>, vector<16xf32>,
      tpu.vector_store %arg14[%swap3A_894], %gather3A_889 {strides = array<i32>} : memref<16384xf32, #tpu.memory_space<vmem>>, vector<16xf32>,
      %add3A_896 = arith.constant 32 : i32
      %add3A_897 = vector.broadcast %add3A_896 : i32 to vector<16xi32>
      %add3A_898 = arith.addi %iota3A, %add3A_897 : vector<16xi32>
      %gather3A_899 = tpu.vector_load_idx %arg6[%add3A_898, %broadcast_in_dim3A_855] : memref<64x128xf32, #tpu.memory_space<vmem>>[vector<16xi32>, vector<16xi32>], vector<16xf32>,
      %mul3A_900 = arith.constant 64 : i32
      %mul3A_901 = arith.muli %add3A_875, %mul3A_900 : i32
      %add3A_902 = arith.constant 32 : i32
      %add3A_903 = arith.addi %mul3A_901, %add3A_902 : i32
      %swap3A_904 = arith.index_cast %add3A_903 : i32 to index
      %swap3A_905 = tpu.vector_load %arg14[%swap3A_904] {strides = array<i32>} : memref<16384xf32, #tpu.memory_space<vmem>>, vector<16xf32>,
      tpu.vector_store %arg14[%swap3A_904], %gather3A_899 {strides = array<i32>} : memref<16384xf32, #tpu.memory_space<vmem>>, vector<16xf32>,
      %add3A_906 = arith.constant 48 : i32
      %add3A_907 = vector.broadcast %add3A_906 : i32 to vector<16xi32>
      %add3A_908 = arith.addi %iota3A, %add3A_907 : vector<16xi32>
      %gather3A_909 = tpu.vector_load_idx %arg6[%add3A_908, %broadcast_in_dim3A_855] : memref<64x128xf32, #tpu.memory_space<vmem>>[vector<16xi32>, vector<16xi32>], vector<16xf32>,
      %mul3A_910 = arith.constant 64 : i32
      %mul3A_911 = arith.muli %add3A_875, %mul3A_910 : i32
      %add3A_912 = arith.constant 48 : i32
      %add3A_913 = arith.addi %mul3A_911, %add3A_912 : i32
      %swap3A_914 = arith.index_cast %add3A_913 : i32 to index
      %swap3A_915 = tpu.vector_load %arg14[%swap3A_914] {strides = array<i32>} : memref<16384xf32, #tpu.memory_space<vmem>>, vector<16xf32>,
      tpu.vector_store %arg14[%swap3A_914], %gather3A_909 {strides = array<i32>} : memref<16384xf32, #tpu.memory_space<vmem>>, vector<16xf32>,
      %slice3A_916 = vector.extract_strided_slice %mul3A_240 {offsets = [0], sizes = [1], strides = [1]} : vector<16xi32> to vector<1xi32>
      %squeeze3A_917 = vector.extract %slice3A_916[0] : i32 from vector<1xi32>
      %multiple_of3A_918 = tpu.assume_multiple %squeeze3A_917, 128 : i32
      %dma_start3A_919 = arith.constant 0 : i32
      %dma_start3A_920 = tpu.memref_slice %arg2[%dma_start3A_919, %multiple_of3A_918] : memref<64x1000000xf32, #tpu.memory_space<hbm>> -> memref<64x128xf32, #tpu.memory_space<hbm>>
      %dma_start3A_921 = arith.constant 0 : i32
      %dma_start3A_922 = tpu.memref_slice %arg2[%dma_start3A_921, %multiple_of3A_918] : memref<64x1000000xf32, #tpu.memory_space<hbm>> -> memref<64x128xf32, #tpu.memory_space<hbm>>
      tpu.enqueue_dma source(%dma_start3A_922 : memref<64x128xf32, #tpu.memory_space<hbm>>) target(%arg6 : memref<64x128xf32, #tpu.memory_space<vmem>>) target_semaphore(%arg15 : memref<!tpu.dma_semaphore, #tpu.memory_space<semaphore_mem>>)
      %dma_wait3A_923 = arith.constant 0 : i32
      %dma_wait3A_924 = arith.constant 0 : i32
      %dma_wait3A_925 = tpu.memref_slice %arg2[%dma_wait3A_923, %dma_wait3A_924] : memref<64x1000000xf32, #tpu.memory_space<hbm>> -> memref<64x128xf32, #tpu.memory_space<hbm>>
      %dma_wait3A_926 = arith.constant 0 : i32
      %dma_wait3A_927 = arith.constant 0 : i32
      %dma_wait3A_928 = tpu.memref_slice %arg2[%dma_wait3A_926, %dma_wait3A_927] : memref<64x1000000xf32, #tpu.memory_space<hbm>> -> memref<64x128xf32, #tpu.memory_space<hbm>>
      tpu.wait_dma2 semaphore(%arg16 : memref<!tpu.dma_semaphore, #tpu.memory_space<semaphore_mem>>) src(%dma_wait3A_928 : memref<64x128xf32, #tpu.memory_space<hbm>>) dst(%arg7 : memref<64x128xf32, #tpu.memory_space<vmem>>)
      %slice3A_929 = vector.extract_strided_slice %sub3A_241 {offsets = [9], sizes = [1], strides = [1]} : vector<16xi32> to vector<1xi32>
      %squeeze3A_930 = vector.extract %slice3A_929[0] : i32 from vector<1xi32>
      %broadcast_in_dim3A_931 = vector.broadcast %squeeze3A_930 : i32 to vector<16xi32>
      %jit3A_932 = arith.constant 16 : i32
      %eq3A_933 = arith.constant 0 : i32
      %eq3A_934 = arith.cmpi eq, %jit3A_932, %eq3A_933 : i32
      %jit3A_935 = arith.constant 1 : i32
      %select_n3A_936 = arith.select %eq3A_934, %jit3A_935, %jit3A_932 : i32
      %rem3A_937 = arith.remsi %scan3A_148, %select_n3A_936 : i32
      %ne3A_938 = arith.constant 0 : i32
      %ne3A_939 = arith.cmpi ne, %rem3A_937, %ne3A_938 : i32
      %lt3A_940 = arith.constant 0 : i32
      %lt3A_941 = arith.cmpi slt, %rem3A_937, %lt3A_940 : i32
      %lt3A_942 = arith.constant 0 : i32
      %lt3A_943 = arith.cmpi slt, %select_n3A_936, %lt3A_942 : i32
      %ne3A_944 = arith.xori %lt3A_941, %lt3A_943 : i1
      %and3A_945 = arith.andi %ne3A_944, %ne3A_939 : i1
      %add3A_946 = arith.addi %rem3A_937, %select_n3A_936 : i32
      %select_n3A_947 = arith.select %and3A_945, %add3A_946, %rem3A_937 : i32
      %mul3A_948 = arith.constant 16 : i32
      %mul3A_949 = arith.muli %select_n3A_947, %mul3A_948 : i32
      %add3A_950 = arith.constant 9 : i32
      %add3A_951 = arith.addi %mul3A_949, %add3A_950 : i32
      %add3A_952 = arith.constant 0 : i32
      %add3A_953 = vector.broadcast %add3A_952 : i32 to vector<16xi32>
      %add3A_954 = arith.addi %iota3A, %add3A_953 : vector<16xi32>
      %gather3A_955 = tpu.vector_load_idx %arg7[%add3A_954, %broadcast_in_dim3A_931] : memref<64x128xf32, #tpu.memory_space<vmem>>[vector<16xi32>, vector<16xi32>], vector<16xf32>,
      %mul3A_956 = arith.constant 64 : i32
      %mul3A_957 = arith.muli %add3A_951, %mul3A_956 : i32
      %add3A_958 = arith.constant 0 : i32
      %add3A_959 = arith.addi %mul3A_957, %add3A_958 : i32
      %swap3A_960 = arith.index_cast %add3A_959 : i32 to index
      %swap3A_961 = tpu.vector_load %arg14[%swap3A_960] {strides = array<i32>} : memref<16384xf32, #tpu.memory_space<vmem>>, vector<16xf32>,
      tpu.vector_store %arg14[%swap3A_960], %gather3A_955 {strides = array<i32>} : memref<16384xf32, #tpu.memory_space<vmem>>, vector<16xf32>,
      %add3A_962 = arith.constant 16 : i32
      %add3A_963 = vector.broadcast %add3A_962 : i32 to vector<16xi32>
      %add3A_964 = arith.addi %iota3A, %add3A_963 : vector<16xi32>
      %gather3A_965 = tpu.vector_load_idx %arg7[%add3A_964, %broadcast_in_dim3A_931] : memref<64x128xf32, #tpu.memory_space<vmem>>[vector<16xi32>, vector<16xi32>], vector<16xf32>,
      %mul3A_966 = arith.constant 64 : i32
      %mul3A_967 = arith.muli %add3A_951, %mul3A_966 : i32
      %add3A_968 = arith.constant 16 : i32
      %add3A_969 = arith.addi %mul3A_967, %add3A_968 : i32
      %swap3A_970 = arith.index_cast %add3A_969 : i32 to index
      %swap3A_971 = tpu.vector_load %arg14[%swap3A_970] {strides = array<i32>} : memref<16384xf32, #tpu.memory_space<vmem>>, vector<16xf32>,
      tpu.vector_store %arg14[%swap3A_970], %gather3A_965 {strides = array<i32>} : memref<16384xf32, #tpu.memory_space<vmem>>, vector<16xf32>,
      %add3A_972 = arith.constant 32 : i32
      %add3A_973 = vector.broadcast %add3A_972 : i32 to vector<16xi32>
      %add3A_974 = arith.addi %iota3A, %add3A_973 : vector<16xi32>
      %gather3A_975 = tpu.vector_load_idx %arg7[%add3A_974, %broadcast_in_dim3A_931] : memref<64x128xf32, #tpu.memory_space<vmem>>[vector<16xi32>, vector<16xi32>], vector<16xf32>,
      %mul3A_976 = arith.constant 64 : i32
      %mul3A_977 = arith.muli %add3A_951, %mul3A_976 : i32
      %add3A_978 = arith.constant 32 : i32
      %add3A_979 = arith.addi %mul3A_977, %add3A_978 : i32
      %swap3A_980 = arith.index_cast %add3A_979 : i32 to index
      %swap3A_981 = tpu.vector_load %arg14[%swap3A_980] {strides = array<i32>} : memref<16384xf32, #tpu.memory_space<vmem>>, vector<16xf32>,
      tpu.vector_store %arg14[%swap3A_980], %gather3A_975 {strides = array<i32>} : memref<16384xf32, #tpu.memory_space<vmem>>, vector<16xf32>,
      %add3A_982 = arith.constant 48 : i32
      %add3A_983 = vector.broadcast %add3A_982 : i32 to vector<16xi32>
      %add3A_984 = arith.addi %iota3A, %add3A_983 : vector<16xi32>
      %gather3A_985 = tpu.vector_load_idx %arg7[%add3A_984, %broadcast_in_dim3A_931] : memref<64x128xf32, #tpu.memory_space<vmem>>[vector<16xi32>, vector<16xi32>], vector<16xf32>,
      %mul3A_986 = arith.constant 64 : i32
      %mul3A_987 = arith.muli %add3A_951, %mul3A_986 : i32
      %add3A_988 = arith.constant 48 : i32
      %add3A_989 = arith.addi %mul3A_987, %add3A_988 : i32
      %swap3A_990 = arith.index_cast %add3A_989 : i32 to index
      %swap3A_991 = tpu.vector_load %arg14[%swap3A_990] {strides = array<i32>} : memref<16384xf32, #tpu.memory_space<vmem>>, vector<16xf32>,
      tpu.vector_store %arg14[%swap3A_990], %gather3A_985 {strides = array<i32>} : memref<16384xf32, #tpu.memory_space<vmem>>, vector<16xf32>,
      %slice3A_992 = vector.extract_strided_slice %mul3A_240 {offsets = [1], sizes = [1], strides = [1]} : vector<16xi32> to vector<1xi32>
      %squeeze3A_993 = vector.extract %slice3A_992[0] : i32 from vector<1xi32>
      %multiple_of3A_994 = tpu.assume_multiple %squeeze3A_993, 128 : i32
      %dma_start3A_995 = arith.constant 0 : i32
      %dma_start3A_996 = tpu.memref_slice %arg2[%dma_start3A_995, %multiple_of3A_994] : memref<64x1000000xf32, #tpu.memory_space<hbm>> -> memref<64x128xf32, #tpu.memory_space<hbm>>
      %dma_start3A_997 = arith.constant 0 : i32
      %dma_start3A_998 = tpu.memref_slice %arg2[%dma_start3A_997, %multiple_of3A_994] : memref<64x1000000xf32, #tpu.memory_space<hbm>> -> memref<64x128xf32, #tpu.memory_space<hbm>>
      tpu.enqueue_dma source(%dma_start3A_998 : memref<64x128xf32, #tpu.memory_space<hbm>>) target(%arg7 : memref<64x128xf32, #tpu.memory_space<vmem>>) target_semaphore(%arg16 : memref<!tpu.dma_semaphore, #tpu.memory_space<semaphore_mem>>)
      %dma_wait3A_999 = arith.constant 0 : i32
      %dma_wait3A_1000 = arith.constant 0 : i32
      %dma_wait3A_1001 = tpu.memref_slice %arg2[%dma_wait3A_999, %dma_wait3A_1000] : memref<64x1000000xf32, #tpu.memory_space<hbm>> -> memref<64x128xf32, #tpu.memory_space<hbm>>
      %dma_wait3A_1002 = arith.constant 0 : i32
      %dma_wait3A_1003 = arith.constant 0 : i32
      %dma_wait3A_1004 = tpu.memref_slice %arg2[%dma_wait3A_1002, %dma_wait3A_1003] : memref<64x1000000xf32, #tpu.memory_space<hbm>> -> memref<64x128xf32, #tpu.memory_space<hbm>>
      tpu.wait_dma2 semaphore(%arg17 : memref<!tpu.dma_semaphore, #tpu.memory_space<semaphore_mem>>) src(%dma_wait3A_1004 : memref<64x128xf32, #tpu.memory_space<hbm>>) dst(%arg8 : memref<64x128xf32, #tpu.memory_space<vmem>>)
      %slice3A_1005 = vector.extract_strided_slice %sub3A_241 {offsets = [10], sizes = [1], strides = [1]} : vector<16xi32> to vector<1xi32>
      %squeeze3A_1006 = vector.extract %slice3A_1005[0] : i32 from vector<1xi32>
      %broadcast_in_dim3A_1007 = vector.broadcast %squeeze3A_1006 : i32 to vector<16xi32>
      %jit3A_1008 = arith.constant 16 : i32
      %eq3A_1009 = arith.constant 0 : i32
      %eq3A_1010 = arith.cmpi eq, %jit3A_1008, %eq3A_1009 : i32
      %jit3A_1011 = arith.constant 1 : i32
      %select_n3A_1012 = arith.select %eq3A_1010, %jit3A_1011, %jit3A_1008 : i32
      %rem3A_1013 = arith.remsi %scan3A_148, %select_n3A_1012 : i32
      %ne3A_1014 = arith.constant 0 : i32
      %ne3A_1015 = arith.cmpi ne, %rem3A_1013, %ne3A_1014 : i32
      %lt3A_1016 = arith.constant 0 : i32
      %lt3A_1017 = arith.cmpi slt, %rem3A_1013, %lt3A_1016 : i32
      %lt3A_1018 = arith.constant 0 : i32
      %lt3A_1019 = arith.cmpi slt, %select_n3A_1012, %lt3A_1018 : i32
      %ne3A_1020 = arith.xori %lt3A_1017, %lt3A_1019 : i1
      %and3A_1021 = arith.andi %ne3A_1020, %ne3A_1015 : i1
      %add3A_1022 = arith.addi %rem3A_1013, %select_n3A_1012 : i32
      %select_n3A_1023 = arith.select %and3A_1021, %add3A_1022, %rem3A_1013 : i32
      %mul3A_1024 = arith.constant 16 : i32
      %mul3A_1025 = arith.muli %select_n3A_1023, %mul3A_1024 : i32
      %add3A_1026 = arith.constant 10 : i32
      %add3A_1027 = arith.addi %mul3A_1025, %add3A_1026 : i32
      %add3A_1028 = arith.constant 0 : i32
      %add3A_1029 = vector.broadcast %add3A_1028 : i32 to vector<16xi32>
      %add3A_1030 = arith.addi %iota3A, %add3A_1029 : vector<16xi32>
      %gather3A_1031 = tpu.vector_load_idx %arg8[%add3A_1030, %broadcast_in_dim3A_1007] : memref<64x128xf32, #tpu.memory_space<vmem>>[vector<16xi32>, vector<16xi32>], vector<16xf32>,
      %mul3A_1032 = arith.constant 64 : i32
      %mul3A_1033 = arith.muli %add3A_1027, %mul3A_1032 : i32
      %add3A_1034 = arith.constant 0 : i32
      %add3A_1035 = arith.addi %mul3A_1033, %add3A_1034 : i32
      %swap3A_1036 = arith.index_cast %add3A_1035 : i32 to index
      %swap3A_1037 = tpu.vector_load %arg14[%swap3A_1036] {strides = array<i32>} : memref<16384xf32, #tpu.memory_space<vmem>>, vector<16xf32>,
      tpu.vector_store %arg14[%swap3A_1036], %gather3A_1031 {strides = array<i32>} : memref<16384xf32, #tpu.memory_space<vmem>>, vector<16xf32>,
      %add3A_1038 = arith.constant 16 : i32
      %add3A_1039 = vector.broadcast %add3A_1038 : i32 to vector<16xi32>
      %add3A_1040 = arith.addi %iota3A, %add3A_1039 : vector<16xi32>
      %gather3A_1041 = tpu.vector_load_idx %arg8[%add3A_1040, %broadcast_in_dim3A_1007] : memref<64x128xf32, #tpu.memory_space<vmem>>[vector<16xi32>, vector<16xi32>], vector<16xf32>,
      %mul3A_1042 = arith.constant 64 : i32
      %mul3A_1043 = arith.muli %add3A_1027, %mul3A_1042 : i32
      %add3A_1044 = arith.constant 16 : i32
      %add3A_1045 = arith.addi %mul3A_1043, %add3A_1044 : i32
      %swap3A_1046 = arith.index_cast %add3A_1045 : i32 to index
      %swap3A_1047 = tpu.vector_load %arg14[%swap3A_1046] {strides = array<i32>} : memref<16384xf32, #tpu.memory_space<vmem>>, vector<16xf32>,
      tpu.vector_store %arg14[%swap3A_1046], %gather3A_1041 {strides = array<i32>} : memref<16384xf32, #tpu.memory_space<vmem>>, vector<16xf32>,
      %add3A_1048 = arith.constant 32 : i32
      %add3A_1049 = vector.broadcast %add3A_1048 : i32 to vector<16xi32>
      %add3A_1050 = arith.addi %iota3A, %add3A_1049 : vector<16xi32>
      %gather3A_1051 = tpu.vector_load_idx %arg8[%add3A_1050, %broadcast_in_dim3A_1007] : memref<64x128xf32, #tpu.memory_space<vmem>>[vector<16xi32>, vector<16xi32>], vector<16xf32>,
      %mul3A_1052 = arith.constant 64 : i32
      %mul3A_1053 = arith.muli %add3A_1027, %mul3A_1052 : i32
      %add3A_1054 = arith.constant 32 : i32
      %add3A_1055 = arith.addi %mul3A_1053, %add3A_1054 : i32
      %swap3A_1056 = arith.index_cast %add3A_1055 : i32 to index
      %swap3A_1057 = tpu.vector_load %arg14[%swap3A_1056] {strides = array<i32>} : memref<16384xf32, #tpu.memory_space<vmem>>, vector<16xf32>,
      tpu.vector_store %arg14[%swap3A_1056], %gather3A_1051 {strides = array<i32>} : memref<16384xf32, #tpu.memory_space<vmem>>, vector<16xf32>,
      %add3A_1058 = arith.constant 48 : i32
      %add3A_1059 = vector.broadcast %add3A_1058 : i32 to vector<16xi32>
      %add3A_1060 = arith.addi %iota3A, %add3A_1059 : vector<16xi32>
      %gather3A_1061 = tpu.vector_load_idx %arg8[%add3A_1060, %broadcast_in_dim3A_1007] : memref<64x128xf32, #tpu.memory_space<vmem>>[vector<16xi32>, vector<16xi32>], vector<16xf32>,
      %mul3A_1062 = arith.constant 64 : i32
      %mul3A_1063 = arith.muli %add3A_1027, %mul3A_1062 : i32
      %add3A_1064 = arith.constant 48 : i32
      %add3A_1065 = arith.addi %mul3A_1063, %add3A_1064 : i32
      %swap3A_1066 = arith.index_cast %add3A_1065 : i32 to index
      %swap3A_1067 = tpu.vector_load %arg14[%swap3A_1066] {strides = array<i32>} : memref<16384xf32, #tpu.memory_space<vmem>>, vector<16xf32>,
      tpu.vector_store %arg14[%swap3A_1066], %gather3A_1061 {strides = array<i32>} : memref<16384xf32, #tpu.memory_space<vmem>>, vector<16xf32>,
      %slice3A_1068 = vector.extract_strided_slice %mul3A_240 {offsets = [2], sizes = [1], strides = [1]} : vector<16xi32> to vector<1xi32>
      %squeeze3A_1069 = vector.extract %slice3A_1068[0] : i32 from vector<1xi32>
      %multiple_of3A_1070 = tpu.assume_multiple %squeeze3A_1069, 128 : i32
      %dma_start3A_1071 = arith.constant 0 : i32
      %dma_start3A_1072 = tpu.memref_slice %arg2[%dma_start3A_1071, %multiple_of3A_1070] : memref<64x1000000xf32, #tpu.memory_space<hbm>> -> memref<64x128xf32, #tpu.memory_space<hbm>>
      %dma_start3A_1073 = arith.constant 0 : i32
      %dma_start3A_1074 = tpu.memref_slice %arg2[%dma_start3A_1073, %multiple_of3A_1070] : memref<64x1000000xf32, #tpu.memory_space<hbm>> -> memref<64x128xf32, #tpu.memory_space<hbm>>
      tpu.enqueue_dma source(%dma_start3A_1074 : memref<64x128xf32, #tpu.memory_space<hbm>>) target(%arg8 : memref<64x128xf32, #tpu.memory_space<vmem>>) target_semaphore(%arg17 : memref<!tpu.dma_semaphore, #tpu.memory_space<semaphore_mem>>)
      %dma_wait3A_1075 = arith.constant 0 : i32
      %dma_wait3A_1076 = arith.constant 0 : i32
      %dma_wait3A_1077 = tpu.memref_slice %arg2[%dma_wait3A_1075, %dma_wait3A_1076] : memref<64x1000000xf32, #tpu.memory_space<hbm>> -> memref<64x128xf32, #tpu.memory_space<hbm>>
      %dma_wait3A_1078 = arith.constant 0 : i32
      %dma_wait3A_1079 = arith.constant 0 : i32
      %dma_wait3A_1080 = tpu.memref_slice %arg2[%dma_wait3A_1078, %dma_wait3A_1079] : memref<64x1000000xf32, #tpu.memory_space<hbm>> -> memref<64x128xf32, #tpu.memory_space<hbm>>
      tpu.wait_dma2 semaphore(%arg18 : memref<!tpu.dma_semaphore, #tpu.memory_space<semaphore_mem>>) src(%dma_wait3A_1080 : memref<64x128xf32, #tpu.memory_space<hbm>>) dst(%arg9 : memref<64x128xf32, #tpu.memory_space<vmem>>)
      %slice3A_1081 = vector.extract_strided_slice %sub3A_241 {offsets = [11], sizes = [1], strides = [1]} : vector<16xi32> to vector<1xi32>
      %squeeze3A_1082 = vector.extract %slice3A_1081[0] : i32 from vector<1xi32>
      %broadcast_in_dim3A_1083 = vector.broadcast %squeeze3A_1082 : i32 to vector<16xi32>
      %jit3A_1084 = arith.constant 16 : i32
      %eq3A_1085 = arith.constant 0 : i32
      %eq3A_1086 = arith.cmpi eq, %jit3A_1084, %eq3A_1085 : i32
      %jit3A_1087 = arith.constant 1 : i32
      %select_n3A_1088 = arith.select %eq3A_1086, %jit3A_1087, %jit3A_1084 : i32
      %rem3A_1089 = arith.remsi %scan3A_148, %select_n3A_1088 : i32
      %ne3A_1090 = arith.constant 0 : i32
      %ne3A_1091 = arith.cmpi ne, %rem3A_1089, %ne3A_1090 : i32
      %lt3A_1092 = arith.constant 0 : i32
      %lt3A_1093 = arith.cmpi slt, %rem3A_1089, %lt3A_1092 : i32
      %lt3A_1094 = arith.constant 0 : i32
      %lt3A_1095 = arith.cmpi slt, %select_n3A_1088, %lt3A_1094 : i32
      %ne3A_1096 = arith.xori %lt3A_1093, %lt3A_1095 : i1
      %and3A_1097 = arith.andi %ne3A_1096, %ne3A_1091 : i1
      %add3A_1098 = arith.addi %rem3A_1089, %select_n3A_1088 : i32
      %select_n3A_1099 = arith.select %and3A_1097, %add3A_1098, %rem3A_1089 : i32
      %mul3A_1100 = arith.constant 16 : i32
      %mul3A_1101 = arith.muli %select_n3A_1099, %mul3A_1100 : i32
      %add3A_1102 = arith.constant 11 : i32
      %add3A_1103 = arith.addi %mul3A_1101, %add3A_1102 : i32
      %add3A_1104 = arith.constant 0 : i32
      %add3A_1105 = vector.broadcast %add3A_1104 : i32 to vector<16xi32>
      %add3A_1106 = arith.addi %iota3A, %add3A_1105 : vector<16xi32>
      %gather3A_1107 = tpu.vector_load_idx %arg9[%add3A_1106, %broadcast_in_dim3A_1083] : memref<64x128xf32, #tpu.memory_space<vmem>>[vector<16xi32>, vector<16xi32>], vector<16xf32>,
      %mul3A_1108 = arith.constant 64 : i32
      %mul3A_1109 = arith.muli %add3A_1103, %mul3A_1108 : i32
      %add3A_1110 = arith.constant 0 : i32
      %add3A_1111 = arith.addi %mul3A_1109, %add3A_1110 : i32
      %swap3A_1112 = arith.index_cast %add3A_1111 : i32 to index
      %swap3A_1113 = tpu.vector_load %arg14[%swap3A_1112] {strides = array<i32>} : memref<16384xf32, #tpu.memory_space<vmem>>, vector<16xf32>,
      tpu.vector_store %arg14[%swap3A_1112], %gather3A_1107 {strides = array<i32>} : memref<16384xf32, #tpu.memory_space<vmem>>, vector<16xf32>,
      %add3A_1114 = arith.constant 16 : i32
      %add3A_1115 = vector.broadcast %add3A_1114 : i32 to vector<16xi32>
      %add3A_1116 = arith.addi %iota3A, %add3A_1115 : vector<16xi32>
      %gather3A_1117 = tpu.vector_load_idx %arg9[%add3A_1116, %broadcast_in_dim3A_1083] : memref<64x128xf32, #tpu.memory_space<vmem>>[vector<16xi32>, vector<16xi32>], vector<16xf32>,
      %mul3A_1118 = arith.constant 64 : i32
      %mul3A_1119 = arith.muli %add3A_1103, %mul3A_1118 : i32
      %add3A_1120 = arith.constant 16 : i32
      %add3A_1121 = arith.addi %mul3A_1119, %add3A_1120 : i32
      %swap3A_1122 = arith.index_cast %add3A_1121 : i32 to index
      %swap3A_1123 = tpu.vector_load %arg14[%swap3A_1122] {strides = array<i32>} : memref<16384xf32, #tpu.memory_space<vmem>>, vector<16xf32>,
      tpu.vector_store %arg14[%swap3A_1122], %gather3A_1117 {strides = array<i32>} : memref<16384xf32, #tpu.memory_space<vmem>>, vector<16xf32>,
      %add3A_1124 = arith.constant 32 : i32
      %add3A_1125 = vector.broadcast %add3A_1124 : i32 to vector<16xi32>
      %add3A_1126 = arith.addi %iota3A, %add3A_1125 : vector<16xi32>
      %gather3A_1127 = tpu.vector_load_idx %arg9[%add3A_1126, %broadcast_in_dim3A_1083] : memref<64x128xf32, #tpu.memory_space<vmem>>[vector<16xi32>, vector<16xi32>], vector<16xf32>,
      %mul3A_1128 = arith.constant 64 : i32
      %mul3A_1129 = arith.muli %add3A_1103, %mul3A_1128 : i32
      %add3A_1130 = arith.constant 32 : i32
      %add3A_1131 = arith.addi %mul3A_1129, %add3A_1130 : i32
      %swap3A_1132 = arith.index_cast %add3A_1131 : i32 to index
      %swap3A_1133 = tpu.vector_load %arg14[%swap3A_1132] {strides = array<i32>} : memref<16384xf32, #tpu.memory_space<vmem>>, vector<16xf32>,
      tpu.vector_store %arg14[%swap3A_1132], %gather3A_1127 {strides = array<i32>} : memref<16384xf32, #tpu.memory_space<vmem>>, vector<16xf32>,
      %add3A_1134 = arith.constant 48 : i32
      %add3A_1135 = vector.broadcast %add3A_1134 : i32 to vector<16xi32>
      %add3A_1136 = arith.addi %iota3A, %add3A_1135 : vector<16xi32>
      %gather3A_1137 = tpu.vector_load_idx %arg9[%add3A_1136, %broadcast_in_dim3A_1083] : memref<64x128xf32, #tpu.memory_space<vmem>>[vector<16xi32>, vector<16xi32>], vector<16xf32>,
      %mul3A_1138 = arith.constant 64 : i32
      %mul3A_1139 = arith.muli %add3A_1103, %mul3A_1138 : i32
      %add3A_1140 = arith.constant 48 : i32
      %add3A_1141 = arith.addi %mul3A_1139, %add3A_1140 : i32
      %swap3A_1142 = arith.index_cast %add3A_1141 : i32 to index
      %swap3A_1143 = tpu.vector_load %arg14[%swap3A_1142] {strides = array<i32>} : memref<16384xf32, #tpu.memory_space<vmem>>, vector<16xf32>,
      tpu.vector_store %arg14[%swap3A_1142], %gather3A_1137 {strides = array<i32>} : memref<16384xf32, #tpu.memory_space<vmem>>, vector<16xf32>,
      %slice3A_1144 = vector.extract_strided_slice %mul3A_240 {offsets = [3], sizes = [1], strides = [1]} : vector<16xi32> to vector<1xi32>
      %squeeze3A_1145 = vector.extract %slice3A_1144[0] : i32 from vector<1xi32>
      %multiple_of3A_1146 = tpu.assume_multiple %squeeze3A_1145, 128 : i32
      %dma_start3A_1147 = arith.constant 0 : i32
      %dma_start3A_1148 = tpu.memref_slice %arg2[%dma_start3A_1147, %multiple_of3A_1146] : memref<64x1000000xf32, #tpu.memory_space<hbm>> -> memref<64x128xf32, #tpu.memory_space<hbm>>
      %dma_start3A_1149 = arith.constant 0 : i32
      %dma_start3A_1150 = tpu.memref_slice %arg2[%dma_start3A_1149, %multiple_of3A_1146] : memref<64x1000000xf32, #tpu.memory_space<hbm>> -> memref<64x128xf32, #tpu.memory_space<hbm>>
      tpu.enqueue_dma source(%dma_start3A_1150 : memref<64x128xf32, #tpu.memory_space<hbm>>) target(%arg9 : memref<64x128xf32, #tpu.memory_space<vmem>>) target_semaphore(%arg18 : memref<!tpu.dma_semaphore, #tpu.memory_space<semaphore_mem>>)
      %dma_wait3A_1151 = arith.constant 0 : i32
      %dma_wait3A_1152 = arith.constant 0 : i32
      %dma_wait3A_1153 = tpu.memref_slice %arg2[%dma_wait3A_1151, %dma_wait3A_1152] : memref<64x1000000xf32, #tpu.memory_space<hbm>> -> memref<64x128xf32, #tpu.memory_space<hbm>>
      %dma_wait3A_1154 = arith.constant 0 : i32
      %dma_wait3A_1155 = arith.constant 0 : i32
      %dma_wait3A_1156 = tpu.memref_slice %arg2[%dma_wait3A_1154, %dma_wait3A_1155] : memref<64x1000000xf32, #tpu.memory_space<hbm>> -> memref<64x128xf32, #tpu.memory_space<hbm>>
      tpu.wait_dma2 semaphore(%arg19 : memref<!tpu.dma_semaphore, #tpu.memory_space<semaphore_mem>>) src(%dma_wait3A_1156 : memref<64x128xf32, #tpu.memory_space<hbm>>) dst(%arg10 : memref<64x128xf32, #tpu.memory_space<vmem>>)
      %slice3A_1157 = vector.extract_strided_slice %sub3A_241 {offsets = [12], sizes = [1], strides = [1]} : vector<16xi32> to vector<1xi32>
      %squeeze3A_1158 = vector.extract %slice3A_1157[0] : i32 from vector<1xi32>
      %broadcast_in_dim3A_1159 = vector.broadcast %squeeze3A_1158 : i32 to vector<16xi32>
      %jit3A_1160 = arith.constant 16 : i32
      %eq3A_1161 = arith.constant 0 : i32
      %eq3A_1162 = arith.cmpi eq, %jit3A_1160, %eq3A_1161 : i32
      %jit3A_1163 = arith.constant 1 : i32
      %select_n3A_1164 = arith.select %eq3A_1162, %jit3A_1163, %jit3A_1160 : i32
      %rem3A_1165 = arith.remsi %scan3A_148, %select_n3A_1164 : i32
      %ne3A_1166 = arith.constant 0 : i32
      %ne3A_1167 = arith.cmpi ne, %rem3A_1165, %ne3A_1166 : i32
      %lt3A_1168 = arith.constant 0 : i32
      %lt3A_1169 = arith.cmpi slt, %rem3A_1165, %lt3A_1168 : i32
      %lt3A_1170 = arith.constant 0 : i32
      %lt3A_1171 = arith.cmpi slt, %select_n3A_1164, %lt3A_1170 : i32
      %ne3A_1172 = arith.xori %lt3A_1169, %lt3A_1171 : i1
      %and3A_1173 = arith.andi %ne3A_1172, %ne3A_1167 : i1
      %add3A_1174 = arith.addi %rem3A_1165, %select_n3A_1164 : i32
      %select_n3A_1175 = arith.select %and3A_1173, %add3A_1174, %rem3A_1165 : i32
      %mul3A_1176 = arith.constant 16 : i32
      %mul3A_1177 = arith.muli %select_n3A_1175, %mul3A_1176 : i32
      %add3A_1178 = arith.constant 12 : i32
      %add3A_1179 = arith.addi %mul3A_1177, %add3A_1178 : i32
      %add3A_1180 = arith.constant 0 : i32
      %add3A_1181 = vector.broadcast %add3A_1180 : i32 to vector<16xi32>
      %add3A_1182 = arith.addi %iota3A, %add3A_1181 : vector<16xi32>
      %gather3A_1183 = tpu.vector_load_idx %arg10[%add3A_1182, %broadcast_in_dim3A_1159] : memref<64x128xf32, #tpu.memory_space<vmem>>[vector<16xi32>, vector<16xi32>], vector<16xf32>,
      %mul3A_1184 = arith.constant 64 : i32
      %mul3A_1185 = arith.muli %add3A_1179, %mul3A_1184 : i32
      %add3A_1186 = arith.constant 0 : i32
      %add3A_1187 = arith.addi %mul3A_1185, %add3A_1186 : i32
      %swap3A_1188 = arith.index_cast %add3A_1187 : i32 to index
      %swap3A_1189 = tpu.vector_load %arg14[%swap3A_1188] {strides = array<i32>} : memref<16384xf32, #tpu.memory_space<vmem>>, vector<16xf32>,
      tpu.vector_store %arg14[%swap3A_1188], %gather3A_1183 {strides = array<i32>} : memref<16384xf32, #tpu.memory_space<vmem>>, vector<16xf32>,
      %add3A_1190 = arith.constant 16 : i32
      %add3A_1191 = vector.broadcast %add3A_1190 : i32 to vector<16xi32>
      %add3A_1192 = arith.addi %iota3A, %add3A_1191 : vector<16xi32>
      %gather3A_1193 = tpu.vector_load_idx %arg10[%add3A_1192, %broadcast_in_dim3A_1159] : memref<64x128xf32, #tpu.memory_space<vmem>>[vector<16xi32>, vector<16xi32>], vector<16xf32>,
      %mul3A_1194 = arith.constant 64 : i32
      %mul3A_1195 = arith.muli %add3A_1179, %mul3A_1194 : i32
      %add3A_1196 = arith.constant 16 : i32
      %add3A_1197 = arith.addi %mul3A_1195, %add3A_1196 : i32
      %swap3A_1198 = arith.index_cast %add3A_1197 : i32 to index
      %swap3A_1199 = tpu.vector_load %arg14[%swap3A_1198] {strides = array<i32>} : memref<16384xf32, #tpu.memory_space<vmem>>, vector<16xf32>,
      tpu.vector_store %arg14[%swap3A_1198], %gather3A_1193 {strides = array<i32>} : memref<16384xf32, #tpu.memory_space<vmem>>, vector<16xf32>,
      %add3A_1200 = arith.constant 32 : i32
      %add3A_1201 = vector.broadcast %add3A_1200 : i32 to vector<16xi32>
      %add3A_1202 = arith.addi %iota3A, %add3A_1201 : vector<16xi32>
      %gather3A_1203 = tpu.vector_load_idx %arg10[%add3A_1202, %broadcast_in_dim3A_1159] : memref<64x128xf32, #tpu.memory_space<vmem>>[vector<16xi32>, vector<16xi32>], vector<16xf32>,
      %mul3A_1204 = arith.constant 64 : i32
      %mul3A_1205 = arith.muli %add3A_1179, %mul3A_1204 : i32
      %add3A_1206 = arith.constant 32 : i32
      %add3A_1207 = arith.addi %mul3A_1205, %add3A_1206 : i32
      %swap3A_1208 = arith.index_cast %add3A_1207 : i32 to index
      %swap3A_1209 = tpu.vector_load %arg14[%swap3A_1208] {strides = array<i32>} : memref<16384xf32, #tpu.memory_space<vmem>>, vector<16xf32>,
      tpu.vector_store %arg14[%swap3A_1208], %gather3A_1203 {strides = array<i32>} : memref<16384xf32, #tpu.memory_space<vmem>>, vector<16xf32>,
      %add3A_1210 = arith.constant 48 : i32
      %add3A_1211 = vector.broadcast %add3A_1210 : i32 to vector<16xi32>
      %add3A_1212 = arith.addi %iota3A, %add3A_1211 : vector<16xi32>
      %gather3A_1213 = tpu.vector_load_idx %arg10[%add3A_1212, %broadcast_in_dim3A_1159] : memref<64x128xf32, #tpu.memory_space<vmem>>[vector<16xi32>, vector<16xi32>], vector<16xf32>,
      %mul3A_1214 = arith.constant 64 : i32
      %mul3A_1215 = arith.muli %add3A_1179, %mul3A_1214 : i32
      %add3A_1216 = arith.constant 48 : i32
      %add3A_1217 = arith.addi %mul3A_1215, %add3A_1216 : i32
      %swap3A_1218 = arith.index_cast %add3A_1217 : i32 to index
      %swap3A_1219 = tpu.vector_load %arg14[%swap3A_1218] {strides = array<i32>} : memref<16384xf32, #tpu.memory_space<vmem>>, vector<16xf32>,
      tpu.vector_store %arg14[%swap3A_1218], %gather3A_1213 {strides = array<i32>} : memref<16384xf32, #tpu.memory_space<vmem>>, vector<16xf32>,
      %slice3A_1220 = vector.extract_strided_slice %mul3A_240 {offsets = [4], sizes = [1], strides = [1]} : vector<16xi32> to vector<1xi32>
      %squeeze3A_1221 = vector.extract %slice3A_1220[0] : i32 from vector<1xi32>
      %multiple_of3A_1222 = tpu.assume_multiple %squeeze3A_1221, 128 : i32
      %dma_start3A_1223 = arith.constant 0 : i32
      %dma_start3A_1224 = tpu.memref_slice %arg2[%dma_start3A_1223, %multiple_of3A_1222] : memref<64x1000000xf32, #tpu.memory_space<hbm>> -> memref<64x128xf32, #tpu.memory_space<hbm>>
      %dma_start3A_1225 = arith.constant 0 : i32
      %dma_start3A_1226 = tpu.memref_slice %arg2[%dma_start3A_1225, %multiple_of3A_1222] : memref<64x1000000xf32, #tpu.memory_space<hbm>> -> memref<64x128xf32, #tpu.memory_space<hbm>>
      tpu.enqueue_dma source(%dma_start3A_1226 : memref<64x128xf32, #tpu.memory_space<hbm>>) target(%arg10 : memref<64x128xf32, #tpu.memory_space<vmem>>) target_semaphore(%arg19 : memref<!tpu.dma_semaphore, #tpu.memory_space<semaphore_mem>>)
      %dma_wait3A_1227 = arith.constant 0 : i32
      %dma_wait3A_1228 = arith.constant 0 : i32
      %dma_wait3A_1229 = tpu.memref_slice %arg2[%dma_wait3A_1227, %dma_wait3A_1228] : memref<64x1000000xf32, #tpu.memory_space<hbm>> -> memref<64x128xf32, #tpu.memory_space<hbm>>
      %dma_wait3A_1230 = arith.constant 0 : i32
      %dma_wait3A_1231 = arith.constant 0 : i32
      %dma_wait3A_1232 = tpu.memref_slice %arg2[%dma_wait3A_1230, %dma_wait3A_1231] : memref<64x1000000xf32, #tpu.memory_space<hbm>> -> memref<64x128xf32, #tpu.memory_space<hbm>>
      tpu.wait_dma2 semaphore(%arg20 : memref<!tpu.dma_semaphore, #tpu.memory_space<semaphore_mem>>) src(%dma_wait3A_1232 : memref<64x128xf32, #tpu.memory_space<hbm>>) dst(%arg11 : memref<64x128xf32, #tpu.memory_space<vmem>>)
      %slice3A_1233 = vector.extract_strided_slice %sub3A_241 {offsets = [13], sizes = [1], strides = [1]} : vector<16xi32> to vector<1xi32>
      %squeeze3A_1234 = vector.extract %slice3A_1233[0] : i32 from vector<1xi32>
      %broadcast_in_dim3A_1235 = vector.broadcast %squeeze3A_1234 : i32 to vector<16xi32>
      %jit3A_1236 = arith.constant 16 : i32
      %eq3A_1237 = arith.constant 0 : i32
      %eq3A_1238 = arith.cmpi eq, %jit3A_1236, %eq3A_1237 : i32
      %jit3A_1239 = arith.constant 1 : i32
      %select_n3A_1240 = arith.select %eq3A_1238, %jit3A_1239, %jit3A_1236 : i32
      %rem3A_1241 = arith.remsi %scan3A_148, %select_n3A_1240 : i32
      %ne3A_1242 = arith.constant 0 : i32
      %ne3A_1243 = arith.cmpi ne, %rem3A_1241, %ne3A_1242 : i32
      %lt3A_1244 = arith.constant 0 : i32
      %lt3A_1245 = arith.cmpi slt, %rem3A_1241, %lt3A_1244 : i32
      %lt3A_1246 = arith.constant 0 : i32
      %lt3A_1247 = arith.cmpi slt, %select_n3A_1240, %lt3A_1246 : i32
      %ne3A_1248 = arith.xori %lt3A_1245, %lt3A_1247 : i1
      %and3A_1249 = arith.andi %ne3A_1248, %ne3A_1243 : i1
      %add3A_1250 = arith.addi %rem3A_1241, %select_n3A_1240 : i32
      %select_n3A_1251 = arith.select %and3A_1249, %add3A_1250, %rem3A_1241 : i32
      %mul3A_1252 = arith.constant 16 : i32
      %mul3A_1253 = arith.muli %select_n3A_1251, %mul3A_1252 : i32
      %add3A_1254 = arith.constant 13 : i32
      %add3A_1255 = arith.addi %mul3A_1253, %add3A_1254 : i32
      %add3A_1256 = arith.constant 0 : i32
      %add3A_1257 = vector.broadcast %add3A_1256 : i32 to vector<16xi32>
      %add3A_1258 = arith.addi %iota3A, %add3A_1257 : vector<16xi32>
      %gather3A_1259 = tpu.vector_load_idx %arg11[%add3A_1258, %broadcast_in_dim3A_1235] : memref<64x128xf32, #tpu.memory_space<vmem>>[vector<16xi32>, vector<16xi32>], vector<16xf32>,
      %mul3A_1260 = arith.constant 64 : i32
      %mul3A_1261 = arith.muli %add3A_1255, %mul3A_1260 : i32
      %add3A_1262 = arith.constant 0 : i32
      %add3A_1263 = arith.addi %mul3A_1261, %add3A_1262 : i32
      %swap3A_1264 = arith.index_cast %add3A_1263 : i32 to index
      %swap3A_1265 = tpu.vector_load %arg14[%swap3A_1264] {strides = array<i32>} : memref<16384xf32, #tpu.memory_space<vmem>>, vector<16xf32>,
      tpu.vector_store %arg14[%swap3A_1264], %gather3A_1259 {strides = array<i32>} : memref<16384xf32, #tpu.memory_space<vmem>>, vector<16xf32>,
      %add3A_1266 = arith.constant 16 : i32
      %add3A_1267 = vector.broadcast %add3A_1266 : i32 to vector<16xi32>
      %add3A_1268 = arith.addi %iota3A, %add3A_1267 : vector<16xi32>
      %gather3A_1269 = tpu.vector_load_idx %arg11[%add3A_1268, %broadcast_in_dim3A_1235] : memref<64x128xf32, #tpu.memory_space<vmem>>[vector<16xi32>, vector<16xi32>], vector<16xf32>,
      %mul3A_1270 = arith.constant 64 : i32
      %mul3A_1271 = arith.muli %add3A_1255, %mul3A_1270 : i32
      %add3A_1272 = arith.constant 16 : i32
      %add3A_1273 = arith.addi %mul3A_1271, %add3A_1272 : i32
      %swap3A_1274 = arith.index_cast %add3A_1273 : i32 to index
      %swap3A_1275 = tpu.vector_load %arg14[%swap3A_1274] {strides = array<i32>} : memref<16384xf32, #tpu.memory_space<vmem>>, vector<16xf32>,
      tpu.vector_store %arg14[%swap3A_1274], %gather3A_1269 {strides = array<i32>} : memref<16384xf32, #tpu.memory_space<vmem>>, vector<16xf32>,
      %add3A_1276 = arith.constant 32 : i32
      %add3A_1277 = vector.broadcast %add3A_1276 : i32 to vector<16xi32>
      %add3A_1278 = arith.addi %iota3A, %add3A_1277 : vector<16xi32>
      %gather3A_1279 = tpu.vector_load_idx %arg11[%add3A_1278, %broadcast_in_dim3A_1235] : memref<64x128xf32, #tpu.memory_space<vmem>>[vector<16xi32>, vector<16xi32>], vector<16xf32>,
      %mul3A_1280 = arith.constant 64 : i32
      %mul3A_1281 = arith.muli %add3A_1255, %mul3A_1280 : i32
      %add3A_1282 = arith.constant 32 : i32
      %add3A_1283 = arith.addi %mul3A_1281, %add3A_1282 : i32
      %swap3A_1284 = arith.index_cast %add3A_1283 : i32 to index
      %swap3A_1285 = tpu.vector_load %arg14[%swap3A_1284] {strides = array<i32>} : memref<16384xf32, #tpu.memory_space<vmem>>, vector<16xf32>,
      tpu.vector_store %arg14[%swap3A_1284], %gather3A_1279 {strides = array<i32>} : memref<16384xf32, #tpu.memory_space<vmem>>, vector<16xf32>,
      %add3A_1286 = arith.constant 48 : i32
      %add3A_1287 = vector.broadcast %add3A_1286 : i32 to vector<16xi32>
      %add3A_1288 = arith.addi %iota3A, %add3A_1287 : vector<16xi32>
      %gather3A_1289 = tpu.vector_load_idx %arg11[%add3A_1288, %broadcast_in_dim3A_1235] : memref<64x128xf32, #tpu.memory_space<vmem>>[vector<16xi32>, vector<16xi32>], vector<16xf32>,
      %mul3A_1290 = arith.constant 64 : i32
      %mul3A_1291 = arith.muli %add3A_1255, %mul3A_1290 : i32
      %add3A_1292 = arith.constant 48 : i32
      %add3A_1293 = arith.addi %mul3A_1291, %add3A_1292 : i32
      %swap3A_1294 = arith.index_cast %add3A_1293 : i32 to index
      %swap3A_1295 = tpu.vector_load %arg14[%swap3A_1294] {strides = array<i32>} : memref<16384xf32, #tpu.memory_space<vmem>>, vector<16xf32>,
      tpu.vector_store %arg14[%swap3A_1294], %gather3A_1289 {strides = array<i32>} : memref<16384xf32, #tpu.memory_space<vmem>>, vector<16xf32>,
      %slice3A_1296 = vector.extract_strided_slice %mul3A_240 {offsets = [5], sizes = [1], strides = [1]} : vector<16xi32> to vector<1xi32>
      %squeeze3A_1297 = vector.extract %slice3A_1296[0] : i32 from vector<1xi32>
      %multiple_of3A_1298 = tpu.assume_multiple %squeeze3A_1297, 128 : i32
      %dma_start3A_1299 = arith.constant 0 : i32
      %dma_start3A_1300 = tpu.memref_slice %arg2[%dma_start3A_1299, %multiple_of3A_1298] : memref<64x1000000xf32, #tpu.memory_space<hbm>> -> memref<64x128xf32, #tpu.memory_space<hbm>>
      %dma_start3A_1301 = arith.constant 0 : i32
      %dma_start3A_1302 = tpu.memref_slice %arg2[%dma_start3A_1301, %multiple_of3A_1298] : memref<64x1000000xf32, #tpu.memory_space<hbm>> -> memref<64x128xf32, #tpu.memory_space<hbm>>
      tpu.enqueue_dma source(%dma_start3A_1302 : memref<64x128xf32, #tpu.memory_space<hbm>>) target(%arg11 : memref<64x128xf32, #tpu.memory_space<vmem>>) target_semaphore(%arg20 : memref<!tpu.dma_semaphore, #tpu.memory_space<semaphore_mem>>)
      %dma_wait3A_1303 = arith.constant 0 : i32
      %dma_wait3A_1304 = arith.constant 0 : i32
      %dma_wait3A_1305 = tpu.memref_slice %arg2[%dma_wait3A_1303, %dma_wait3A_1304] : memref<64x1000000xf32, #tpu.memory_space<hbm>> -> memref<64x128xf32, #tpu.memory_space<hbm>>
      %dma_wait3A_1306 = arith.constant 0 : i32
      %dma_wait3A_1307 = arith.constant 0 : i32
      %dma_wait3A_1308 = tpu.memref_slice %arg2[%dma_wait3A_1306, %dma_wait3A_1307] : memref<64x1000000xf32, #tpu.memory_space<hbm>> -> memref<64x128xf32, #tpu.memory_space<hbm>>
      tpu.wait_dma2 semaphore(%arg21 : memref<!tpu.dma_semaphore, #tpu.memory_space<semaphore_mem>>) src(%dma_wait3A_1308 : memref<64x128xf32, #tpu.memory_space<hbm>>) dst(%arg12 : memref<64x128xf32, #tpu.memory_space<vmem>>)
      %slice3A_1309 = vector.extract_strided_slice %sub3A_241 {offsets = [14], sizes = [1], strides = [1]} : vector<16xi32> to vector<1xi32>
      %squeeze3A_1310 = vector.extract %slice3A_1309[0] : i32 from vector<1xi32>
      %broadcast_in_dim3A_1311 = vector.broadcast %squeeze3A_1310 : i32 to vector<16xi32>
      %jit3A_1312 = arith.constant 16 : i32
      %eq3A_1313 = arith.constant 0 : i32
      %eq3A_1314 = arith.cmpi eq, %jit3A_1312, %eq3A_1313 : i32
      %jit3A_1315 = arith.constant 1 : i32
      %select_n3A_1316 = arith.select %eq3A_1314, %jit3A_1315, %jit3A_1312 : i32
      %rem3A_1317 = arith.remsi %scan3A_148, %select_n3A_1316 : i32
      %ne3A_1318 = arith.constant 0 : i32
      %ne3A_1319 = arith.cmpi ne, %rem3A_1317, %ne3A_1318 : i32
      %lt3A_1320 = arith.constant 0 : i32
      %lt3A_1321 = arith.cmpi slt, %rem3A_1317, %lt3A_1320 : i32
      %lt3A_1322 = arith.constant 0 : i32
      %lt3A_1323 = arith.cmpi slt, %select_n3A_1316, %lt3A_1322 : i32
      %ne3A_1324 = arith.xori %lt3A_1321, %lt3A_1323 : i1
      %and3A_1325 = arith.andi %ne3A_1324, %ne3A_1319 : i1
      %add3A_1326 = arith.addi %rem3A_1317, %select_n3A_1316 : i32
      %select_n3A_1327 = arith.select %and3A_1325, %add3A_1326, %rem3A_1317 : i32
      %mul3A_1328 = arith.constant 16 : i32
      %mul3A_1329 = arith.muli %select_n3A_1327, %mul3A_1328 : i32
      %add3A_1330 = arith.constant 14 : i32
      %add3A_1331 = arith.addi %mul3A_1329, %add3A_1330 : i32
      %add3A_1332 = arith.constant 0 : i32
      %add3A_1333 = vector.broadcast %add3A_1332 : i32 to vector<16xi32>
      %add3A_1334 = arith.addi %iota3A, %add3A_1333 : vector<16xi32>
      %gather3A_1335 = tpu.vector_load_idx %arg12[%add3A_1334, %broadcast_in_dim3A_1311] : memref<64x128xf32, #tpu.memory_space<vmem>>[vector<16xi32>, vector<16xi32>], vector<16xf32>,
      %mul3A_1336 = arith.constant 64 : i32
      %mul3A_1337 = arith.muli %add3A_1331, %mul3A_1336 : i32
      %add3A_1338 = arith.constant 0 : i32
      %add3A_1339 = arith.addi %mul3A_1337, %add3A_1338 : i32
      %swap3A_1340 = arith.index_cast %add3A_1339 : i32 to index
      %swap3A_1341 = tpu.vector_load %arg14[%swap3A_1340] {strides = array<i32>} : memref<16384xf32, #tpu.memory_space<vmem>>, vector<16xf32>,
      tpu.vector_store %arg14[%swap3A_1340], %gather3A_1335 {strides = array<i32>} : memref<16384xf32, #tpu.memory_space<vmem>>, vector<16xf32>,
      %add3A_1342 = arith.constant 16 : i32
      %add3A_1343 = vector.broadcast %add3A_1342 : i32 to vector<16xi32>
      %add3A_1344 = arith.addi %iota3A, %add3A_1343 : vector<16xi32>
      %gather3A_1345 = tpu.vector_load_idx %arg12[%add3A_1344, %broadcast_in_dim3A_1311] : memref<64x128xf32, #tpu.memory_space<vmem>>[vector<16xi32>, vector<16xi32>], vector<16xf32>,
      %mul3A_1346 = arith.constant 64 : i32
      %mul3A_1347 = arith.muli %add3A_1331, %mul3A_1346 : i32
      %add3A_1348 = arith.constant 16 : i32
      %add3A_1349 = arith.addi %mul3A_1347, %add3A_1348 : i32
      %swap3A_1350 = arith.index_cast %add3A_1349 : i32 to index
      %swap3A_1351 = tpu.vector_load %arg14[%swap3A_1350] {strides = array<i32>} : memref<16384xf32, #tpu.memory_space<vmem>>, vector<16xf32>,
      tpu.vector_store %arg14[%swap3A_1350], %gather3A_1345 {strides = array<i32>} : memref<16384xf32, #tpu.memory_space<vmem>>, vector<16xf32>,
      %add3A_1352 = arith.constant 32 : i32
      %add3A_1353 = vector.broadcast %add3A_1352 : i32 to vector<16xi32>
      %add3A_1354 = arith.addi %iota3A, %add3A_1353 : vector<16xi32>
      %gather3A_1355 = tpu.vector_load_idx %arg12[%add3A_1354, %broadcast_in_dim3A_1311] : memref<64x128xf32, #tpu.memory_space<vmem>>[vector<16xi32>, vector<16xi32>], vector<16xf32>,
      %mul3A_1356 = arith.constant 64 : i32
      %mul3A_1357 = arith.muli %add3A_1331, %mul3A_1356 : i32
      %add3A_1358 = arith.constant 32 : i32
      %add3A_1359 = arith.addi %mul3A_1357, %add3A_1358 : i32
      %swap3A_1360 = arith.index_cast %add3A_1359 : i32 to index
      %swap3A_1361 = tpu.vector_load %arg14[%swap3A_1360] {strides = array<i32>} : memref<16384xf32, #tpu.memory_space<vmem>>, vector<16xf32>,
      tpu.vector_store %arg14[%swap3A_1360], %gather3A_1355 {strides = array<i32>} : memref<16384xf32, #tpu.memory_space<vmem>>, vector<16xf32>,
      %add3A_1362 = arith.constant 48 : i32
      %add3A_1363 = vector.broadcast %add3A_1362 : i32 to vector<16xi32>
      %add3A_1364 = arith.addi %iota3A, %add3A_1363 : vector<16xi32>
      %gather3A_1365 = tpu.vector_load_idx %arg12[%add3A_1364, %broadcast_in_dim3A_1311] : memref<64x128xf32, #tpu.memory_space<vmem>>[vector<16xi32>, vector<16xi32>], vector<16xf32>,
      %mul3A_1366 = arith.constant 64 : i32
      %mul3A_1367 = arith.muli %add3A_1331, %mul3A_1366 : i32
      %add3A_1368 = arith.constant 48 : i32
      %add3A_1369 = arith.addi %mul3A_1367, %add3A_1368 : i32
      %swap3A_1370 = arith.index_cast %add3A_1369 : i32 to index
      %swap3A_1371 = tpu.vector_load %arg14[%swap3A_1370] {strides = array<i32>} : memref<16384xf32, #tpu.memory_space<vmem>>, vector<16xf32>,
      tpu.vector_store %arg14[%swap3A_1370], %gather3A_1365 {strides = array<i32>} : memref<16384xf32, #tpu.memory_space<vmem>>, vector<16xf32>,
      %slice3A_1372 = vector.extract_strided_slice %mul3A_240 {offsets = [6], sizes = [1], strides = [1]} : vector<16xi32> to vector<1xi32>
      %squeeze3A_1373 = vector.extract %slice3A_1372[0] : i32 from vector<1xi32>
      %multiple_of3A_1374 = tpu.assume_multiple %squeeze3A_1373, 128 : i32
      %dma_start3A_1375 = arith.constant 0 : i32
      %dma_start3A_1376 = tpu.memref_slice %arg2[%dma_start3A_1375, %multiple_of3A_1374] : memref<64x1000000xf32, #tpu.memory_space<hbm>> -> memref<64x128xf32, #tpu.memory_space<hbm>>
      %dma_start3A_1377 = arith.constant 0 : i32
      %dma_start3A_1378 = tpu.memref_slice %arg2[%dma_start3A_1377, %multiple_of3A_1374] : memref<64x1000000xf32, #tpu.memory_space<hbm>> -> memref<64x128xf32, #tpu.memory_space<hbm>>
      tpu.enqueue_dma source(%dma_start3A_1378 : memref<64x128xf32, #tpu.memory_space<hbm>>) target(%arg12 : memref<64x128xf32, #tpu.memory_space<vmem>>) target_semaphore(%arg21 : memref<!tpu.dma_semaphore, #tpu.memory_space<semaphore_mem>>)
      %dma_wait3A_1379 = arith.constant 0 : i32
      %dma_wait3A_1380 = arith.constant 0 : i32
      %dma_wait3A_1381 = tpu.memref_slice %arg2[%dma_wait3A_1379, %dma_wait3A_1380] : memref<64x1000000xf32, #tpu.memory_space<hbm>> -> memref<64x128xf32, #tpu.memory_space<hbm>>
      %dma_wait3A_1382 = arith.constant 0 : i32
      %dma_wait3A_1383 = arith.constant 0 : i32
      %dma_wait3A_1384 = tpu.memref_slice %arg2[%dma_wait3A_1382, %dma_wait3A_1383] : memref<64x1000000xf32, #tpu.memory_space<hbm>> -> memref<64x128xf32, #tpu.memory_space<hbm>>
      tpu.wait_dma2 semaphore(%arg22 : memref<!tpu.dma_semaphore, #tpu.memory_space<semaphore_mem>>) src(%dma_wait3A_1384 : memref<64x128xf32, #tpu.memory_space<hbm>>) dst(%arg13 : memref<64x128xf32, #tpu.memory_space<vmem>>)
      %slice3A_1385 = vector.extract_strided_slice %sub3A_241 {offsets = [15], sizes = [1], strides = [1]} : vector<16xi32> to vector<1xi32>
      %squeeze3A_1386 = vector.extract %slice3A_1385[0] : i32 from vector<1xi32>
      %broadcast_in_dim3A_1387 = vector.broadcast %squeeze3A_1386 : i32 to vector<16xi32>
      %jit3A_1388 = arith.constant 16 : i32
      %eq3A_1389 = arith.constant 0 : i32
      %eq3A_1390 = arith.cmpi eq, %jit3A_1388, %eq3A_1389 : i32
      %jit3A_1391 = arith.constant 1 : i32
      %select_n3A_1392 = arith.select %eq3A_1390, %jit3A_1391, %jit3A_1388 : i32
      %rem3A_1393 = arith.remsi %scan3A_148, %select_n3A_1392 : i32
      %ne3A_1394 = arith.constant 0 : i32
      %ne3A_1395 = arith.cmpi ne, %rem3A_1393, %ne3A_1394 : i32
      %lt3A_1396 = arith.constant 0 : i32
      %lt3A_1397 = arith.cmpi slt, %rem3A_1393, %lt3A_1396 : i32
      %lt3A_1398 = arith.constant 0 : i32
      %lt3A_1399 = arith.cmpi slt, %select_n3A_1392, %lt3A_1398 : i32
      %ne3A_1400 = arith.xori %lt3A_1397, %lt3A_1399 : i1
      %and3A_1401 = arith.andi %ne3A_1400, %ne3A_1395 : i1
      %add3A_1402 = arith.addi %rem3A_1393, %select_n3A_1392 : i32
      %select_n3A_1403 = arith.select %and3A_1401, %add3A_1402, %rem3A_1393 : i32
      %mul3A_1404 = arith.constant 16 : i32
      %mul3A_1405 = arith.muli %select_n3A_1403, %mul3A_1404 : i32
      %add3A_1406 = arith.constant 15 : i32
      %add3A_1407 = arith.addi %mul3A_1405, %add3A_1406 : i32
      %add3A_1408 = arith.constant 0 : i32
      %add3A_1409 = vector.broadcast %add3A_1408 : i32 to vector<16xi32>
      %add3A_1410 = arith.addi %iota3A, %add3A_1409 : vector<16xi32>
      %gather3A_1411 = tpu.vector_load_idx %arg13[%add3A_1410, %broadcast_in_dim3A_1387] : memref<64x128xf32, #tpu.memory_space<vmem>>[vector<16xi32>, vector<16xi32>], vector<16xf32>,
      %mul3A_1412 = arith.constant 64 : i32
      %mul3A_1413 = arith.muli %add3A_1407, %mul3A_1412 : i32
      %add3A_1414 = arith.constant 0 : i32
      %add3A_1415 = arith.addi %mul3A_1413, %add3A_1414 : i32
      %swap3A_1416 = arith.index_cast %add3A_1415 : i32 to index
      %swap3A_1417 = tpu.vector_load %arg14[%swap3A_1416] {strides = array<i32>} : memref<16384xf32, #tpu.memory_space<vmem>>, vector<16xf32>,
      tpu.vector_store %arg14[%swap3A_1416], %gather3A_1411 {strides = array<i32>} : memref<16384xf32, #tpu.memory_space<vmem>>, vector<16xf32>,
      %add3A_1418 = arith.constant 16 : i32
      %add3A_1419 = vector.broadcast %add3A_1418 : i32 to vector<16xi32>
      %add3A_1420 = arith.addi %iota3A, %add3A_1419 : vector<16xi32>
      %gather3A_1421 = tpu.vector_load_idx %arg13[%add3A_1420, %broadcast_in_dim3A_1387] : memref<64x128xf32, #tpu.memory_space<vmem>>[vector<16xi32>, vector<16xi32>], vector<16xf32>,
      %mul3A_1422 = arith.constant 64 : i32
      %mul3A_1423 = arith.muli %add3A_1407, %mul3A_1422 : i32
      %add3A_1424 = arith.constant 16 : i32
      %add3A_1425 = arith.addi %mul3A_1423, %add3A_1424 : i32
      %swap3A_1426 = arith.index_cast %add3A_1425 : i32 to index
      %swap3A_1427 = tpu.vector_load %arg14[%swap3A_1426] {strides = array<i32>} : memref<16384xf32, #tpu.memory_space<vmem>>, vector<16xf32>,
      tpu.vector_store %arg14[%swap3A_1426], %gather3A_1421 {strides = array<i32>} : memref<16384xf32, #tpu.memory_space<vmem>>, vector<16xf32>,
      %add3A_1428 = arith.constant 32 : i32
      %add3A_1429 = vector.broadcast %add3A_1428 : i32 to vector<16xi32>
      %add3A_1430 = arith.addi %iota3A, %add3A_1429 : vector<16xi32>
      %gather3A_1431 = tpu.vector_load_idx %arg13[%add3A_1430, %broadcast_in_dim3A_1387] : memref<64x128xf32, #tpu.memory_space<vmem>>[vector<16xi32>, vector<16xi32>], vector<16xf32>,
      %mul3A_1432 = arith.constant 64 : i32
      %mul3A_1433 = arith.muli %add3A_1407, %mul3A_1432 : i32
      %add3A_1434 = arith.constant 32 : i32
      %add3A_1435 = arith.addi %mul3A_1433, %add3A_1434 : i32
      %swap3A_1436 = arith.index_cast %add3A_1435 : i32 to index
      %swap3A_1437 = tpu.vector_load %arg14[%swap3A_1436] {strides = array<i32>} : memref<16384xf32, #tpu.memory_space<vmem>>, vector<16xf32>,
      tpu.vector_store %arg14[%swap3A_1436], %gather3A_1431 {strides = array<i32>} : memref<16384xf32, #tpu.memory_space<vmem>>, vector<16xf32>,
      %add3A_1438 = arith.constant 48 : i32
      %add3A_1439 = vector.broadcast %add3A_1438 : i32 to vector<16xi32>
      %add3A_1440 = arith.addi %iota3A, %add3A_1439 : vector<16xi32>
      %gather3A_1441 = tpu.vector_load_idx %arg13[%add3A_1440, %broadcast_in_dim3A_1387] : memref<64x128xf32, #tpu.memory_space<vmem>>[vector<16xi32>, vector<16xi32>], vector<16xf32>,
      %mul3A_1442 = arith.constant 64 : i32
      %mul3A_1443 = arith.muli %add3A_1407, %mul3A_1442 : i32
      %add3A_1444 = arith.constant 48 : i32
      %add3A_1445 = arith.addi %mul3A_1443, %add3A_1444 : i32
      %swap3A_1446 = arith.index_cast %add3A_1445 : i32 to index
      %swap3A_1447 = tpu.vector_load %arg14[%swap3A_1446] {strides = array<i32>} : memref<16384xf32, #tpu.memory_space<vmem>>, vector<16xf32>,
      tpu.vector_store %arg14[%swap3A_1446], %gather3A_1441 {strides = array<i32>} : memref<16384xf32, #tpu.memory_space<vmem>>, vector<16xf32>,
      %slice3A_1448 = vector.extract_strided_slice %mul3A_240 {offsets = [7], sizes = [1], strides = [1]} : vector<16xi32> to vector<1xi32>
      %squeeze3A_1449 = vector.extract %slice3A_1448[0] : i32 from vector<1xi32>
      %multiple_of3A_1450 = tpu.assume_multiple %squeeze3A_1449, 128 : i32
      %dma_start3A_1451 = arith.constant 0 : i32
      %dma_start3A_1452 = tpu.memref_slice %arg2[%dma_start3A_1451, %multiple_of3A_1450] : memref<64x1000000xf32, #tpu.memory_space<hbm>> -> memref<64x128xf32, #tpu.memory_space<hbm>>
      %dma_start3A_1453 = arith.constant 0 : i32
      %dma_start3A_1454 = tpu.memref_slice %arg2[%dma_start3A_1453, %multiple_of3A_1450] : memref<64x1000000xf32, #tpu.memory_space<hbm>> -> memref<64x128xf32, #tpu.memory_space<hbm>>
      tpu.enqueue_dma source(%dma_start3A_1454 : memref<64x128xf32, #tpu.memory_space<hbm>>) target(%arg13 : memref<64x128xf32, #tpu.memory_space<vmem>>) target_semaphore(%arg22 : memref<!tpu.dma_semaphore, #tpu.memory_space<semaphore_mem>>)
    }
    %scan3A_86 = arith.constant 16 : i32
    %add3A_87 = arith.constant 0 : i32
    %add3A_88 = arith.addi %mul3A_2, %add3A_87 : i32
    %mul3A_89 = arith.constant 64 : i32
    %mul3A_90 = arith.muli %add3A_88, %mul3A_89 : i32
    "tpu.region"() ({
      %run_scoped3A = tpu.sem_alloc : memref<!tpu.dma_semaphore, #tpu.memory_space<semaphore_mem>>
      %dma_start3A_148 = tpu.memref_slice %arg4[%mul3A_90] : memref<1048576xf32, #tpu.memory_space<hbm>> -> memref<16384xf32, #tpu.memory_space<hbm>>
      %dma_start3A_149 = tpu.memref_slice %arg4[%mul3A_90] : memref<1048576xf32, #tpu.memory_space<hbm>> -> memref<16384xf32, #tpu.memory_space<hbm>>
      tpu.enqueue_dma source(%arg14 : memref<16384xf32, #tpu.memory_space<vmem>>) target(%dma_start3A_149 : memref<16384xf32, #tpu.memory_space<hbm>>) target_semaphore(%run_scoped3A : memref<!tpu.dma_semaphore, #tpu.memory_space<semaphore_mem>>)
      %dma_wait3A_150 = tpu.memref_slice %arg4[%mul3A_90] : memref<1048576xf32, #tpu.memory_space<hbm>> -> memref<16384xf32, #tpu.memory_space<hbm>>
      %dma_wait3A_151 = tpu.memref_slice %arg4[%mul3A_90] : memref<1048576xf32, #tpu.memory_space<hbm>> -> memref<16384xf32, #tpu.memory_space<hbm>>
      tpu.wait_dma2 semaphore(%run_scoped3A : memref<!tpu.dma_semaphore, #tpu.memory_space<semaphore_mem>>) src(%arg14 : memref<16384xf32, #tpu.memory_space<vmem>>) dst(%dma_wait3A_151 : memref<16384xf32, #tpu.memory_space<hbm>>)
      tpu.yield
    }) : () -> ()
    %scan3A_91 = arith.constant 0 : i32
    %scan3A_92 = arith.constant 16 : i32
    %scan3A_93 = arith.constant 16 : i32
    %scan3A_94 = arith.addi %scan3A_92, %scan3A_93 : i32
    %scan3A_95 = arith.constant 1 : i32
    scf.for %scan3A_148 = %scan3A_92 to %scan3A_94 step %scan3A_95  : i32 {
      %mul3A_149 = arith.constant 16 : i32
      %mul3A_150 = arith.muli %scan3A_148, %mul3A_149 : i32
      %get3A_151 = arith.index_cast %mul3A_150 : i32 to index
      %get3A_152 = tpu.vector_load %arg5[%get3A_151] {strides = array<i32>} : memref<512xi32, #tpu.memory_space<vmem>>, vector<16xi32>,
      %add3A_153 = arith.constant 1 : i32
      %add3A_154 = arith.addi %scan3A_148, %add3A_153 : i32
      %jit3A_155 = arith.constant 32 : i32
      %eq3A = arith.constant 0 : i32
      %eq3A_156 = arith.cmpi eq, %jit3A_155, %eq3A : i32
      %jit3A_157 = arith.constant 1 : i32
      %select_n3A_158 = arith.select %eq3A_156, %jit3A_157, %jit3A_155 : i32
      %rem3A_159 = arith.remsi %add3A_154, %select_n3A_158 : i32
      %ne3A_160 = arith.constant 0 : i32
      %ne3A_161 = arith.cmpi ne, %rem3A_159, %ne3A_160 : i32
      %lt3A = arith.constant 0 : i32
      %lt3A_162 = arith.cmpi slt, %rem3A_159, %lt3A : i32
      %lt3A_163 = arith.constant 0 : i32
      %lt3A_164 = arith.cmpi slt, %select_n3A_158, %lt3A_163 : i32
      %ne3A_165 = arith.xori %lt3A_162, %lt3A_164 : i1
      %and3A_166 = arith.andi %ne3A_165, %ne3A_161 : i1
      %add3A_167 = arith.addi %rem3A_159, %select_n3A_158 : i32
      %select_n3A_168 = arith.select %and3A_166, %add3A_167, %rem3A_159 : i32
      %mul3A_169 = arith.constant 16 : i32
      %mul3A_170 = arith.muli %select_n3A_168, %mul3A_169 : i32
      %get3A_171 = arith.index_cast %mul3A_170 : i32 to index
      %get3A_172 = tpu.vector_load %arg5[%get3A_171] {strides = array<i32>} : memref<512xi32, #tpu.memory_space<vmem>>, vector<16xi32>,
      %jit3A_173 = arith.constant 128 : i32
      %div3A_174 = vector.broadcast %jit3A_173 : i32 to vector<16xi32>
      %div3A_175 = arith.divsi %get3A_152, %div3A_174 : vector<16xi32>
      %sign3A_176 = arith.constant 0 : i32
      %sign3A_177 = vector.broadcast %sign3A_176 : i32 to vector<16xi32>
      %sign3A_178 = arith.cmpi sgt, %get3A_152, %sign3A_177 : vector<16xi32>
      %sign3A_179 = arith.extui %sign3A_178 : vector<16xi1> to vector<16xi32>
      %sign3A_180 = arith.constant 0 : i32
      %sign3A_181 = vector.broadcast %sign3A_180 : i32 to vector<16xi32>
      %sign3A_182 = arith.cmpi slt, %get3A_152, %sign3A_181 : vector<16xi32>
      %sign3A_183 = arith.extui %sign3A_182 : vector<16xi1> to vector<16xi32>
      %sign3A_184 = arith.subi %sign3A_179, %sign3A_183 : vector<16xi32>
      %sign3A_185 = arith.constant 0 : i32
      %sign3A_186 = arith.cmpi sgt, %jit3A_173, %sign3A_185 : i32
      %sign3A_187 = arith.extui %sign3A_186 : i1 to i32
      %sign3A_188 = arith.constant 0 : i32
      %sign3A_189 = arith.cmpi slt, %jit3A_173, %sign3A_188 : i32
      %sign3A_190 = arith.extui %sign3A_189 : i1 to i32
      %sign3A_191 = arith.subi %sign3A_187, %sign3A_190 : i32
      %ne3A_192 = vector.broadcast %sign3A_191 : i32 to vector<16xi32>
      %ne3A_193 = arith.cmpi ne, %sign3A_184, %ne3A_192 : vector<16xi32>
      %rem3A_194 = vector.broadcast %jit3A_173 : i32 to vector<16xi32>
      %rem3A_195 = arith.remsi %get3A_152, %rem3A_194 : vector<16xi32>
      %ne3A_196 = arith.constant 0 : i32
      %ne3A_197 = vector.broadcast %ne3A_196 : i32 to vector<16xi32>
      %ne3A_198 = arith.cmpi ne, %rem3A_195, %ne3A_197 : vector<16xi32>
      %and3A_199 = arith.andi %ne3A_193, %ne3A_198 : vector<16xi1>
      %sub3A_200 = arith.constant 1 : i32
      %sub3A_201 = vector.broadcast %sub3A_200 : i32 to vector<16xi32>
      %sub3A_202 = arith.subi %div3A_175, %sub3A_201 : vector<16xi32>
      %select_n3A_203 = arith.select %and3A_199, %sub3A_202, %div3A_175 : vector<16xi1>, vector<16xi32>
      %mul3A_204 = arith.constant 128 : i32
      %mul3A_205 = vector.broadcast %mul3A_204 : i32 to vector<16xi32>
      %mul3A_206 = arith.muli %select_n3A_203, %mul3A_205 : vector<16xi32>
      %jit3A_207 = arith.constant 128 : i32
      %div3A_208 = vector.broadcast %jit3A_207 : i32 to vector<16xi32>
      %div3A_209 = arith.divsi %get3A_172, %div3A_208 : vector<16xi32>
      %sign3A_210 = arith.constant 0 : i32
      %sign3A_211 = vector.broadcast %sign3A_210 : i32 to vector<16xi32>
      %sign3A_212 = arith.cmpi sgt, %get3A_172, %sign3A_211 : vector<16xi32>
      %sign3A_213 = arith.extui %sign3A_212 : vector<16xi1> to vector<16xi32>
      %sign3A_214 = arith.constant 0 : i32
      %sign3A_215 = vector.broadcast %sign3A_214 : i32 to vector<16xi32>
      %sign3A_216 = arith.cmpi slt, %get3A_172, %sign3A_215 : vector<16xi32>
      %sign3A_217 = arith.extui %sign3A_216 : vector<16xi1> to vector<16xi32>
      %sign3A_218 = arith.subi %sign3A_213, %sign3A_217 : vector<16xi32>
      %sign3A_219 = arith.constant 0 : i32
      %sign3A_220 = arith.cmpi sgt, %jit3A_207, %sign3A_219 : i32
      %sign3A_221 = arith.extui %sign3A_220 : i1 to i32
      %sign3A_222 = arith.constant 0 : i32
      %sign3A_223 = arith.cmpi slt, %jit3A_207, %sign3A_222 : i32
      %sign3A_224 = arith.extui %sign3A_223 : i1 to i32
      %sign3A_225 = arith.subi %sign3A_221, %sign3A_224 : i32
      %ne3A_226 = vector.broadcast %sign3A_225 : i32 to vector<16xi32>
      %ne3A_227 = arith.cmpi ne, %sign3A_218, %ne3A_226 : vector<16xi32>
      %rem3A_228 = vector.broadcast %jit3A_207 : i32 to vector<16xi32>
      %rem3A_229 = arith.remsi %get3A_172, %rem3A_228 : vector<16xi32>
      %ne3A_230 = arith.constant 0 : i32
      %ne3A_231 = vector.broadcast %ne3A_230 : i32 to vector<16xi32>
      %ne3A_232 = arith.cmpi ne, %rem3A_229, %ne3A_231 : vector<16xi32>
      %and3A_233 = arith.andi %ne3A_227, %ne3A_232 : vector<16xi1>
      %sub3A_234 = arith.constant 1 : i32
      %sub3A_235 = vector.broadcast %sub3A_234 : i32 to vector<16xi32>
      %sub3A_236 = arith.subi %div3A_209, %sub3A_235 : vector<16xi32>
      %select_n3A_237 = arith.select %and3A_233, %sub3A_236, %div3A_209 : vector<16xi1>, vector<16xi32>
      %mul3A_238 = arith.constant 128 : i32
      %mul3A_239 = vector.broadcast %mul3A_238 : i32 to vector<16xi32>
      %mul3A_240 = arith.muli %select_n3A_237, %mul3A_239 : vector<16xi32>
      %sub3A_241 = arith.subi %get3A_152, %mul3A_206 : vector<16xi32>
      %dma_wait3A_242 = arith.constant 0 : i32
      %dma_wait3A_243 = arith.constant 0 : i32
      %dma_wait3A_244 = tpu.memref_slice %arg2[%dma_wait3A_242, %dma_wait3A_243] : memref<64x1000000xf32, #tpu.memory_space<hbm>> -> memref<64x128xf32, #tpu.memory_space<hbm>>
      %dma_wait3A_245 = arith.constant 0 : i32
      %dma_wait3A_246 = arith.constant 0 : i32
      %dma_wait3A_247 = tpu.memref_slice %arg2[%dma_wait3A_245, %dma_wait3A_246] : memref<64x1000000xf32, #tpu.memory_space<hbm>> -> memref<64x128xf32, #tpu.memory_space<hbm>>
      tpu.wait_dma2 semaphore(%arg15 : memref<!tpu.dma_semaphore, #tpu.memory_space<semaphore_mem>>) src(%dma_wait3A_247 : memref<64x128xf32, #tpu.memory_space<hbm>>) dst(%arg6 : memref<64x128xf32, #tpu.memory_space<vmem>>)
      %slice3A_248 = vector.extract_strided_slice %sub3A_241 {offsets = [0], sizes = [1], strides = [1]} : vector<16xi32> to vector<1xi32>
      %squeeze3A_249 = vector.extract %slice3A_248[0] : i32 from vector<1xi32>
      %broadcast_in_dim3A = vector.broadcast %squeeze3A_249 : i32 to vector<16xi32>
      %jit3A_250 = arith.constant 16 : i32
      %eq3A_251 = arith.constant 0 : i32
      %eq3A_252 = arith.cmpi eq, %jit3A_250, %eq3A_251 : i32
      %jit3A_253 = arith.constant 1 : i32
      %select_n3A_254 = arith.select %eq3A_252, %jit3A_253, %jit3A_250 : i32
      %rem3A_255 = arith.remsi %scan3A_148, %select_n3A_254 : i32
      %ne3A_256 = arith.constant 0 : i32
      %ne3A_257 = arith.cmpi ne, %rem3A_255, %ne3A_256 : i32
      %lt3A_258 = arith.constant 0 : i32
      %lt3A_259 = arith.cmpi slt, %rem3A_255, %lt3A_258 : i32
      %lt3A_260 = arith.constant 0 : i32
      %lt3A_261 = arith.cmpi slt, %select_n3A_254, %lt3A_260 : i32
      %ne3A_262 = arith.xori %lt3A_259, %lt3A_261 : i1
      %and3A_263 = arith.andi %ne3A_262, %ne3A_257 : i1
      %add3A_264 = arith.addi %rem3A_255, %select_n3A_254 : i32
      %select_n3A_265 = arith.select %and3A_263, %add3A_264, %rem3A_255 : i32
      %mul3A_266 = arith.constant 16 : i32
      %mul3A_267 = arith.muli %select_n3A_265, %mul3A_266 : i32
      %add3A_268 = arith.constant 0 : i32
      %add3A_269 = arith.addi %mul3A_267, %add3A_268 : i32
      %add3A_270 = arith.constant 0 : i32
      %add3A_271 = vector.broadcast %add3A_270 : i32 to vector<16xi32>
      %add3A_272 = arith.addi %iota3A, %add3A_271 : vector<16xi32>
      %gather3A = tpu.vector_load_idx %arg6[%add3A_272, %broadcast_in_dim3A] : memref<64x128xf32, #tpu.memory_space<vmem>>[vector<16xi32>, vector<16xi32>], vector<16xf32>,
      %mul3A_273 = arith.constant 64 : i32
      %mul3A_274 = arith.muli %add3A_269, %mul3A_273 : i32
      %add3A_275 = arith.constant 0 : i32
      %add3A_276 = arith.addi %mul3A_274, %add3A_275 : i32
      %swap3A = arith.index_cast %add3A_276 : i32 to index
      %swap3A_277 = tpu.vector_load %arg14[%swap3A] {strides = array<i32>} : memref<16384xf32, #tpu.memory_space<vmem>>, vector<16xf32>,
      tpu.vector_store %arg14[%swap3A], %gather3A {strides = array<i32>} : memref<16384xf32, #tpu.memory_space<vmem>>, vector<16xf32>,
      %add3A_278 = arith.constant 16 : i32
      %add3A_279 = vector.broadcast %add3A_278 : i32 to vector<16xi32>
      %add3A_280 = arith.addi %iota3A, %add3A_279 : vector<16xi32>
      %gather3A_281 = tpu.vector_load_idx %arg6[%add3A_280, %broadcast_in_dim3A] : memref<64x128xf32, #tpu.memory_space<vmem>>[vector<16xi32>, vector<16xi32>], vector<16xf32>,
      %mul3A_282 = arith.constant 64 : i32
      %mul3A_283 = arith.muli %add3A_269, %mul3A_282 : i32
      %add3A_284 = arith.constant 16 : i32
      %add3A_285 = arith.addi %mul3A_283, %add3A_284 : i32
      %swap3A_286 = arith.index_cast %add3A_285 : i32 to index
      %swap3A_287 = tpu.vector_load %arg14[%swap3A_286] {strides = array<i32>} : memref<16384xf32, #tpu.memory_space<vmem>>, vector<16xf32>,
      tpu.vector_store %arg14[%swap3A_286], %gather3A_281 {strides = array<i32>} : memref<16384xf32, #tpu.memory_space<vmem>>, vector<16xf32>,
      %add3A_288 = arith.constant 32 : i32
      %add3A_289 = vector.broadcast %add3A_288 : i32 to vector<16xi32>
      %add3A_290 = arith.addi %iota3A, %add3A_289 : vector<16xi32>
      %gather3A_291 = tpu.vector_load_idx %arg6[%add3A_290, %broadcast_in_dim3A] : memref<64x128xf32, #tpu.memory_space<vmem>>[vector<16xi32>, vector<16xi32>], vector<16xf32>,
      %mul3A_292 = arith.constant 64 : i32
      %mul3A_293 = arith.muli %add3A_269, %mul3A_292 : i32
      %add3A_294 = arith.constant 32 : i32
      %add3A_295 = arith.addi %mul3A_293, %add3A_294 : i32
      %swap3A_296 = arith.index_cast %add3A_295 : i32 to index
      %swap3A_297 = tpu.vector_load %arg14[%swap3A_296] {strides = array<i32>} : memref<16384xf32, #tpu.memory_space<vmem>>, vector<16xf32>,
      tpu.vector_store %arg14[%swap3A_296], %gather3A_291 {strides = array<i32>} : memref<16384xf32, #tpu.memory_space<vmem>>, vector<16xf32>,
      %add3A_298 = arith.constant 48 : i32
      %add3A_299 = vector.broadcast %add3A_298 : i32 to vector<16xi32>
      %add3A_300 = arith.addi %iota3A, %add3A_299 : vector<16xi32>
      %gather3A_301 = tpu.vector_load_idx %arg6[%add3A_300, %broadcast_in_dim3A] : memref<64x128xf32, #tpu.memory_space<vmem>>[vector<16xi32>, vector<16xi32>], vector<16xf32>,
      %mul3A_302 = arith.constant 64 : i32
      %mul3A_303 = arith.muli %add3A_269, %mul3A_302 : i32
      %add3A_304 = arith.constant 48 : i32
      %add3A_305 = arith.addi %mul3A_303, %add3A_304 : i32
      %swap3A_306 = arith.index_cast %add3A_305 : i32 to index
      %swap3A_307 = tpu.vector_load %arg14[%swap3A_306] {strides = array<i32>} : memref<16384xf32, #tpu.memory_space<vmem>>, vector<16xf32>,
      tpu.vector_store %arg14[%swap3A_306], %gather3A_301 {strides = array<i32>} : memref<16384xf32, #tpu.memory_space<vmem>>, vector<16xf32>,
      %slice3A_308 = vector.extract_strided_slice %mul3A_206 {offsets = [8], sizes = [1], strides = [1]} : vector<16xi32> to vector<1xi32>
      %squeeze3A_309 = vector.extract %slice3A_308[0] : i32 from vector<1xi32>
      %multiple_of3A_310 = tpu.assume_multiple %squeeze3A_309, 128 : i32
      %dma_start3A_311 = arith.constant 0 : i32
      %dma_start3A_312 = tpu.memref_slice %arg2[%dma_start3A_311, %multiple_of3A_310] : memref<64x1000000xf32, #tpu.memory_space<hbm>> -> memref<64x128xf32, #tpu.memory_space<hbm>>
      %dma_start3A_313 = arith.constant 0 : i32
      %dma_start3A_314 = tpu.memref_slice %arg2[%dma_start3A_313, %multiple_of3A_310] : memref<64x1000000xf32, #tpu.memory_space<hbm>> -> memref<64x128xf32, #tpu.memory_space<hbm>>
      tpu.enqueue_dma source(%dma_start3A_314 : memref<64x128xf32, #tpu.memory_space<hbm>>) target(%arg6 : memref<64x128xf32, #tpu.memory_space<vmem>>) target_semaphore(%arg15 : memref<!tpu.dma_semaphore, #tpu.memory_space<semaphore_mem>>)
      %dma_wait3A_315 = arith.constant 0 : i32
      %dma_wait3A_316 = arith.constant 0 : i32
      %dma_wait3A_317 = tpu.memref_slice %arg2[%dma_wait3A_315, %dma_wait3A_316] : memref<64x1000000xf32, #tpu.memory_space<hbm>> -> memref<64x128xf32, #tpu.memory_space<hbm>>
      %dma_wait3A_318 = arith.constant 0 : i32
      %dma_wait3A_319 = arith.constant 0 : i32
      %dma_wait3A_320 = tpu.memref_slice %arg2[%dma_wait3A_318, %dma_wait3A_319] : memref<64x1000000xf32, #tpu.memory_space<hbm>> -> memref<64x128xf32, #tpu.memory_space<hbm>>
      tpu.wait_dma2 semaphore(%arg16 : memref<!tpu.dma_semaphore, #tpu.memory_space<semaphore_mem>>) src(%dma_wait3A_320 : memref<64x128xf32, #tpu.memory_space<hbm>>) dst(%arg7 : memref<64x128xf32, #tpu.memory_space<vmem>>)
      %slice3A_321 = vector.extract_strided_slice %sub3A_241 {offsets = [1], sizes = [1], strides = [1]} : vector<16xi32> to vector<1xi32>
      %squeeze3A_322 = vector.extract %slice3A_321[0] : i32 from vector<1xi32>
      %broadcast_in_dim3A_323 = vector.broadcast %squeeze3A_322 : i32 to vector<16xi32>
      %jit3A_324 = arith.constant 16 : i32
      %eq3A_325 = arith.constant 0 : i32
      %eq3A_326 = arith.cmpi eq, %jit3A_324, %eq3A_325 : i32
      %jit3A_327 = arith.constant 1 : i32
      %select_n3A_328 = arith.select %eq3A_326, %jit3A_327, %jit3A_324 : i32
      %rem3A_329 = arith.remsi %scan3A_148, %select_n3A_328 : i32
      %ne3A_330 = arith.constant 0 : i32
      %ne3A_331 = arith.cmpi ne, %rem3A_329, %ne3A_330 : i32
      %lt3A_332 = arith.constant 0 : i32
      %lt3A_333 = arith.cmpi slt, %rem3A_329, %lt3A_332 : i32
      %lt3A_334 = arith.constant 0 : i32
      %lt3A_335 = arith.cmpi slt, %select_n3A_328, %lt3A_334 : i32
      %ne3A_336 = arith.xori %lt3A_333, %lt3A_335 : i1
      %and3A_337 = arith.andi %ne3A_336, %ne3A_331 : i1
      %add3A_338 = arith.addi %rem3A_329, %select_n3A_328 : i32
      %select_n3A_339 = arith.select %and3A_337, %add3A_338, %rem3A_329 : i32
      %mul3A_340 = arith.constant 16 : i32
      %mul3A_341 = arith.muli %select_n3A_339, %mul3A_340 : i32
      %add3A_342 = arith.constant 1 : i32
      %add3A_343 = arith.addi %mul3A_341, %add3A_342 : i32
      %add3A_344 = arith.constant 0 : i32
      %add3A_345 = vector.broadcast %add3A_344 : i32 to vector<16xi32>
      %add3A_346 = arith.addi %iota3A, %add3A_345 : vector<16xi32>
      %gather3A_347 = tpu.vector_load_idx %arg7[%add3A_346, %broadcast_in_dim3A_323] : memref<64x128xf32, #tpu.memory_space<vmem>>[vector<16xi32>, vector<16xi32>], vector<16xf32>,
      %mul3A_348 = arith.constant 64 : i32
      %mul3A_349 = arith.muli %add3A_343, %mul3A_348 : i32
      %add3A_350 = arith.constant 0 : i32
      %add3A_351 = arith.addi %mul3A_349, %add3A_350 : i32
      %swap3A_352 = arith.index_cast %add3A_351 : i32 to index
      %swap3A_353 = tpu.vector_load %arg14[%swap3A_352] {strides = array<i32>} : memref<16384xf32, #tpu.memory_space<vmem>>, vector<16xf32>,
      tpu.vector_store %arg14[%swap3A_352], %gather3A_347 {strides = array<i32>} : memref<16384xf32, #tpu.memory_space<vmem>>, vector<16xf32>,
      %add3A_354 = arith.constant 16 : i32
      %add3A_355 = vector.broadcast %add3A_354 : i32 to vector<16xi32>
      %add3A_356 = arith.addi %iota3A, %add3A_355 : vector<16xi32>
      %gather3A_357 = tpu.vector_load_idx %arg7[%add3A_356, %broadcast_in_dim3A_323] : memref<64x128xf32, #tpu.memory_space<vmem>>[vector<16xi32>, vector<16xi32>], vector<16xf32>,
      %mul3A_358 = arith.constant 64 : i32
      %mul3A_359 = arith.muli %add3A_343, %mul3A_358 : i32
      %add3A_360 = arith.constant 16 : i32
      %add3A_361 = arith.addi %mul3A_359, %add3A_360 : i32
      %swap3A_362 = arith.index_cast %add3A_361 : i32 to index
      %swap3A_363 = tpu.vector_load %arg14[%swap3A_362] {strides = array<i32>} : memref<16384xf32, #tpu.memory_space<vmem>>, vector<16xf32>,
      tpu.vector_store %arg14[%swap3A_362], %gather3A_357 {strides = array<i32>} : memref<16384xf32, #tpu.memory_space<vmem>>, vector<16xf32>,
      %add3A_364 = arith.constant 32 : i32
      %add3A_365 = vector.broadcast %add3A_364 : i32 to vector<16xi32>
      %add3A_366 = arith.addi %iota3A, %add3A_365 : vector<16xi32>
      %gather3A_367 = tpu.vector_load_idx %arg7[%add3A_366, %broadcast_in_dim3A_323] : memref<64x128xf32, #tpu.memory_space<vmem>>[vector<16xi32>, vector<16xi32>], vector<16xf32>,
      %mul3A_368 = arith.constant 64 : i32
      %mul3A_369 = arith.muli %add3A_343, %mul3A_368 : i32
      %add3A_370 = arith.constant 32 : i32
      %add3A_371 = arith.addi %mul3A_369, %add3A_370 : i32
      %swap3A_372 = arith.index_cast %add3A_371 : i32 to index
      %swap3A_373 = tpu.vector_load %arg14[%swap3A_372] {strides = array<i32>} : memref<16384xf32, #tpu.memory_space<vmem>>, vector<16xf32>,
      tpu.vector_store %arg14[%swap3A_372], %gather3A_367 {strides = array<i32>} : memref<16384xf32, #tpu.memory_space<vmem>>, vector<16xf32>,
      %add3A_374 = arith.constant 48 : i32
      %add3A_375 = vector.broadcast %add3A_374 : i32 to vector<16xi32>
      %add3A_376 = arith.addi %iota3A, %add3A_375 : vector<16xi32>
      %gather3A_377 = tpu.vector_load_idx %arg7[%add3A_376, %broadcast_in_dim3A_323] : memref<64x128xf32, #tpu.memory_space<vmem>>[vector<16xi32>, vector<16xi32>], vector<16xf32>,
      %mul3A_378 = arith.constant 64 : i32
      %mul3A_379 = arith.muli %add3A_343, %mul3A_378 : i32
      %add3A_380 = arith.constant 48 : i32
      %add3A_381 = arith.addi %mul3A_379, %add3A_380 : i32
      %swap3A_382 = arith.index_cast %add3A_381 : i32 to index
      %swap3A_383 = tpu.vector_load %arg14[%swap3A_382] {strides = array<i32>} : memref<16384xf32, #tpu.memory_space<vmem>>, vector<16xf32>,
      tpu.vector_store %arg14[%swap3A_382], %gather3A_377 {strides = array<i32>} : memref<16384xf32, #tpu.memory_space<vmem>>, vector<16xf32>,
      %slice3A_384 = vector.extract_strided_slice %mul3A_206 {offsets = [9], sizes = [1], strides = [1]} : vector<16xi32> to vector<1xi32>
      %squeeze3A_385 = vector.extract %slice3A_384[0] : i32 from vector<1xi32>
      %multiple_of3A_386 = tpu.assume_multiple %squeeze3A_385, 128 : i32
      %dma_start3A_387 = arith.constant 0 : i32
      %dma_start3A_388 = tpu.memref_slice %arg2[%dma_start3A_387, %multiple_of3A_386] : memref<64x1000000xf32, #tpu.memory_space<hbm>> -> memref<64x128xf32, #tpu.memory_space<hbm>>
      %dma_start3A_389 = arith.constant 0 : i32
      %dma_start3A_390 = tpu.memref_slice %arg2[%dma_start3A_389, %multiple_of3A_386] : memref<64x1000000xf32, #tpu.memory_space<hbm>> -> memref<64x128xf32, #tpu.memory_space<hbm>>
      tpu.enqueue_dma source(%dma_start3A_390 : memref<64x128xf32, #tpu.memory_space<hbm>>) target(%arg7 : memref<64x128xf32, #tpu.memory_space<vmem>>) target_semaphore(%arg16 : memref<!tpu.dma_semaphore, #tpu.memory_space<semaphore_mem>>)
      %dma_wait3A_391 = arith.constant 0 : i32
      %dma_wait3A_392 = arith.constant 0 : i32
      %dma_wait3A_393 = tpu.memref_slice %arg2[%dma_wait3A_391, %dma_wait3A_392] : memref<64x1000000xf32, #tpu.memory_space<hbm>> -> memref<64x128xf32, #tpu.memory_space<hbm>>
      %dma_wait3A_394 = arith.constant 0 : i32
      %dma_wait3A_395 = arith.constant 0 : i32
      %dma_wait3A_396 = tpu.memref_slice %arg2[%dma_wait3A_394, %dma_wait3A_395] : memref<64x1000000xf32, #tpu.memory_space<hbm>> -> memref<64x128xf32, #tpu.memory_space<hbm>>
      tpu.wait_dma2 semaphore(%arg17 : memref<!tpu.dma_semaphore, #tpu.memory_space<semaphore_mem>>) src(%dma_wait3A_396 : memref<64x128xf32, #tpu.memory_space<hbm>>) dst(%arg8 : memref<64x128xf32, #tpu.memory_space<vmem>>)
      %slice3A_397 = vector.extract_strided_slice %sub3A_241 {offsets = [2], sizes = [1], strides = [1]} : vector<16xi32> to vector<1xi32>
      %squeeze3A_398 = vector.extract %slice3A_397[0] : i32 from vector<1xi32>
      %broadcast_in_dim3A_399 = vector.broadcast %squeeze3A_398 : i32 to vector<16xi32>
      %jit3A_400 = arith.constant 16 : i32
      %eq3A_401 = arith.constant 0 : i32
      %eq3A_402 = arith.cmpi eq, %jit3A_400, %eq3A_401 : i32
      %jit3A_403 = arith.constant 1 : i32
      %select_n3A_404 = arith.select %eq3A_402, %jit3A_403, %jit3A_400 : i32
      %rem3A_405 = arith.remsi %scan3A_148, %select_n3A_404 : i32
      %ne3A_406 = arith.constant 0 : i32
      %ne3A_407 = arith.cmpi ne, %rem3A_405, %ne3A_406 : i32
      %lt3A_408 = arith.constant 0 : i32
      %lt3A_409 = arith.cmpi slt, %rem3A_405, %lt3A_408 : i32
      %lt3A_410 = arith.constant 0 : i32
      %lt3A_411 = arith.cmpi slt, %select_n3A_404, %lt3A_410 : i32
      %ne3A_412 = arith.xori %lt3A_409, %lt3A_411 : i1
      %and3A_413 = arith.andi %ne3A_412, %ne3A_407 : i1
      %add3A_414 = arith.addi %rem3A_405, %select_n3A_404 : i32
      %select_n3A_415 = arith.select %and3A_413, %add3A_414, %rem3A_405 : i32
      %mul3A_416 = arith.constant 16 : i32
      %mul3A_417 = arith.muli %select_n3A_415, %mul3A_416 : i32
      %add3A_418 = arith.constant 2 : i32
      %add3A_419 = arith.addi %mul3A_417, %add3A_418 : i32
      %add3A_420 = arith.constant 0 : i32
      %add3A_421 = vector.broadcast %add3A_420 : i32 to vector<16xi32>
      %add3A_422 = arith.addi %iota3A, %add3A_421 : vector<16xi32>
      %gather3A_423 = tpu.vector_load_idx %arg8[%add3A_422, %broadcast_in_dim3A_399] : memref<64x128xf32, #tpu.memory_space<vmem>>[vector<16xi32>, vector<16xi32>], vector<16xf32>,
      %mul3A_424 = arith.constant 64 : i32
      %mul3A_425 = arith.muli %add3A_419, %mul3A_424 : i32
      %add3A_426 = arith.constant 0 : i32
      %add3A_427 = arith.addi %mul3A_425, %add3A_426 : i32
      %swap3A_428 = arith.index_cast %add3A_427 : i32 to index
      %swap3A_429 = tpu.vector_load %arg14[%swap3A_428] {strides = array<i32>} : memref<16384xf32, #tpu.memory_space<vmem>>, vector<16xf32>,
      tpu.vector_store %arg14[%swap3A_428], %gather3A_423 {strides = array<i32>} : memref<16384xf32, #tpu.memory_space<vmem>>, vector<16xf32>,
      %add3A_430 = arith.constant 16 : i32
      %add3A_431 = vector.broadcast %add3A_430 : i32 to vector<16xi32>
      %add3A_432 = arith.addi %iota3A, %add3A_431 : vector<16xi32>
      %gather3A_433 = tpu.vector_load_idx %arg8[%add3A_432, %broadcast_in_dim3A_399] : memref<64x128xf32, #tpu.memory_space<vmem>>[vector<16xi32>, vector<16xi32>], vector<16xf32>,
      %mul3A_434 = arith.constant 64 : i32
      %mul3A_435 = arith.muli %add3A_419, %mul3A_434 : i32
      %add3A_436 = arith.constant 16 : i32
      %add3A_437 = arith.addi %mul3A_435, %add3A_436 : i32
      %swap3A_438 = arith.index_cast %add3A_437 : i32 to index
      %swap3A_439 = tpu.vector_load %arg14[%swap3A_438] {strides = array<i32>} : memref<16384xf32, #tpu.memory_space<vmem>>, vector<16xf32>,
      tpu.vector_store %arg14[%swap3A_438], %gather3A_433 {strides = array<i32>} : memref<16384xf32, #tpu.memory_space<vmem>>, vector<16xf32>,
      %add3A_440 = arith.constant 32 : i32
      %add3A_441 = vector.broadcast %add3A_440 : i32 to vector<16xi32>
      %add3A_442 = arith.addi %iota3A, %add3A_441 : vector<16xi32>
      %gather3A_443 = tpu.vector_load_idx %arg8[%add3A_442, %broadcast_in_dim3A_399] : memref<64x128xf32, #tpu.memory_space<vmem>>[vector<16xi32>, vector<16xi32>], vector<16xf32>,
      %mul3A_444 = arith.constant 64 : i32
      %mul3A_445 = arith.muli %add3A_419, %mul3A_444 : i32
      %add3A_446 = arith.constant 32 : i32
      %add3A_447 = arith.addi %mul3A_445, %add3A_446 : i32
      %swap3A_448 = arith.index_cast %add3A_447 : i32 to index
      %swap3A_449 = tpu.vector_load %arg14[%swap3A_448] {strides = array<i32>} : memref<16384xf32, #tpu.memory_space<vmem>>, vector<16xf32>,
      tpu.vector_store %arg14[%swap3A_448], %gather3A_443 {strides = array<i32>} : memref<16384xf32, #tpu.memory_space<vmem>>, vector<16xf32>,
      %add3A_450 = arith.constant 48 : i32
      %add3A_451 = vector.broadcast %add3A_450 : i32 to vector<16xi32>
      %add3A_452 = arith.addi %iota3A, %add3A_451 : vector<16xi32>
      %gather3A_453 = tpu.vector_load_idx %arg8[%add3A_452, %broadcast_in_dim3A_399] : memref<64x128xf32, #tpu.memory_space<vmem>>[vector<16xi32>, vector<16xi32>], vector<16xf32>,
      %mul3A_454 = arith.constant 64 : i32
      %mul3A_455 = arith.muli %add3A_419, %mul3A_454 : i32
      %add3A_456 = arith.constant 48 : i32
      %add3A_457 = arith.addi %mul3A_455, %add3A_456 : i32
      %swap3A_458 = arith.index_cast %add3A_457 : i32 to index
      %swap3A_459 = tpu.vector_load %arg14[%swap3A_458] {strides = array<i32>} : memref<16384xf32, #tpu.memory_space<vmem>>, vector<16xf32>,
      tpu.vector_store %arg14[%swap3A_458], %gather3A_453 {strides = array<i32>} : memref<16384xf32, #tpu.memory_space<vmem>>, vector<16xf32>,
      %slice3A_460 = vector.extract_strided_slice %mul3A_206 {offsets = [10], sizes = [1], strides = [1]} : vector<16xi32> to vector<1xi32>
      %squeeze3A_461 = vector.extract %slice3A_460[0] : i32 from vector<1xi32>
      %multiple_of3A_462 = tpu.assume_multiple %squeeze3A_461, 128 : i32
      %dma_start3A_463 = arith.constant 0 : i32
      %dma_start3A_464 = tpu.memref_slice %arg2[%dma_start3A_463, %multiple_of3A_462] : memref<64x1000000xf32, #tpu.memory_space<hbm>> -> memref<64x128xf32, #tpu.memory_space<hbm>>
      %dma_start3A_465 = arith.constant 0 : i32
      %dma_start3A_466 = tpu.memref_slice %arg2[%dma_start3A_465, %multiple_of3A_462] : memref<64x1000000xf32, #tpu.memory_space<hbm>> -> memref<64x128xf32, #tpu.memory_space<hbm>>
      tpu.enqueue_dma source(%dma_start3A_466 : memref<64x128xf32, #tpu.memory_space<hbm>>) target(%arg8 : memref<64x128xf32, #tpu.memory_space<vmem>>) target_semaphore(%arg17 : memref<!tpu.dma_semaphore, #tpu.memory_space<semaphore_mem>>)
      %dma_wait3A_467 = arith.constant 0 : i32
      %dma_wait3A_468 = arith.constant 0 : i32
      %dma_wait3A_469 = tpu.memref_slice %arg2[%dma_wait3A_467, %dma_wait3A_468] : memref<64x1000000xf32, #tpu.memory_space<hbm>> -> memref<64x128xf32, #tpu.memory_space<hbm>>
      %dma_wait3A_470 = arith.constant 0 : i32
      %dma_wait3A_471 = arith.constant 0 : i32
      %dma_wait3A_472 = tpu.memref_slice %arg2[%dma_wait3A_470, %dma_wait3A_471] : memref<64x1000000xf32, #tpu.memory_space<hbm>> -> memref<64x128xf32, #tpu.memory_space<hbm>>
      tpu.wait_dma2 semaphore(%arg18 : memref<!tpu.dma_semaphore, #tpu.memory_space<semaphore_mem>>) src(%dma_wait3A_472 : memref<64x128xf32, #tpu.memory_space<hbm>>) dst(%arg9 : memref<64x128xf32, #tpu.memory_space<vmem>>)
      %slice3A_473 = vector.extract_strided_slice %sub3A_241 {offsets = [3], sizes = [1], strides = [1]} : vector<16xi32> to vector<1xi32>
      %squeeze3A_474 = vector.extract %slice3A_473[0] : i32 from vector<1xi32>
      %broadcast_in_dim3A_475 = vector.broadcast %squeeze3A_474 : i32 to vector<16xi32>
      %jit3A_476 = arith.constant 16 : i32
      %eq3A_477 = arith.constant 0 : i32
      %eq3A_478 = arith.cmpi eq, %jit3A_476, %eq3A_477 : i32
      %jit3A_479 = arith.constant 1 : i32
      %select_n3A_480 = arith.select %eq3A_478, %jit3A_479, %jit3A_476 : i32
      %rem3A_481 = arith.remsi %scan3A_148, %select_n3A_480 : i32
      %ne3A_482 = arith.constant 0 : i32
      %ne3A_483 = arith.cmpi ne, %rem3A_481, %ne3A_482 : i32
      %lt3A_484 = arith.constant 0 : i32
      %lt3A_485 = arith.cmpi slt, %rem3A_481, %lt3A_484 : i32
      %lt3A_486 = arith.constant 0 : i32
      %lt3A_487 = arith.cmpi slt, %select_n3A_480, %lt3A_486 : i32
      %ne3A_488 = arith.xori %lt3A_485, %lt3A_487 : i1
      %and3A_489 = arith.andi %ne3A_488, %ne3A_483 : i1
      %add3A_490 = arith.addi %rem3A_481, %select_n3A_480 : i32
      %select_n3A_491 = arith.select %and3A_489, %add3A_490, %rem3A_481 : i32
      %mul3A_492 = arith.constant 16 : i32
      %mul3A_493 = arith.muli %select_n3A_491, %mul3A_492 : i32
      %add3A_494 = arith.constant 3 : i32
      %add3A_495 = arith.addi %mul3A_493, %add3A_494 : i32
      %add3A_496 = arith.constant 0 : i32
      %add3A_497 = vector.broadcast %add3A_496 : i32 to vector<16xi32>
      %add3A_498 = arith.addi %iota3A, %add3A_497 : vector<16xi32>
      %gather3A_499 = tpu.vector_load_idx %arg9[%add3A_498, %broadcast_in_dim3A_475] : memref<64x128xf32, #tpu.memory_space<vmem>>[vector<16xi32>, vector<16xi32>], vector<16xf32>,
      %mul3A_500 = arith.constant 64 : i32
      %mul3A_501 = arith.muli %add3A_495, %mul3A_500 : i32
      %add3A_502 = arith.constant 0 : i32
      %add3A_503 = arith.addi %mul3A_501, %add3A_502 : i32
      %swap3A_504 = arith.index_cast %add3A_503 : i32 to index
      %swap3A_505 = tpu.vector_load %arg14[%swap3A_504] {strides = array<i32>} : memref<16384xf32, #tpu.memory_space<vmem>>, vector<16xf32>,
      tpu.vector_store %arg14[%swap3A_504], %gather3A_499 {strides = array<i32>} : memref<16384xf32, #tpu.memory_space<vmem>>, vector<16xf32>,
      %add3A_506 = arith.constant 16 : i32
      %add3A_507 = vector.broadcast %add3A_506 : i32 to vector<16xi32>
      %add3A_508 = arith.addi %iota3A, %add3A_507 : vector<16xi32>
      %gather3A_509 = tpu.vector_load_idx %arg9[%add3A_508, %broadcast_in_dim3A_475] : memref<64x128xf32, #tpu.memory_space<vmem>>[vector<16xi32>, vector<16xi32>], vector<16xf32>,
      %mul3A_510 = arith.constant 64 : i32
      %mul3A_511 = arith.muli %add3A_495, %mul3A_510 : i32
      %add3A_512 = arith.constant 16 : i32
      %add3A_513 = arith.addi %mul3A_511, %add3A_512 : i32
      %swap3A_514 = arith.index_cast %add3A_513 : i32 to index
      %swap3A_515 = tpu.vector_load %arg14[%swap3A_514] {strides = array<i32>} : memref<16384xf32, #tpu.memory_space<vmem>>, vector<16xf32>,
      tpu.vector_store %arg14[%swap3A_514], %gather3A_509 {strides = array<i32>} : memref<16384xf32, #tpu.memory_space<vmem>>, vector<16xf32>,
      %add3A_516 = arith.constant 32 : i32
      %add3A_517 = vector.broadcast %add3A_516 : i32 to vector<16xi32>
      %add3A_518 = arith.addi %iota3A, %add3A_517 : vector<16xi32>
      %gather3A_519 = tpu.vector_load_idx %arg9[%add3A_518, %broadcast_in_dim3A_475] : memref<64x128xf32, #tpu.memory_space<vmem>>[vector<16xi32>, vector<16xi32>], vector<16xf32>,
      %mul3A_520 = arith.constant 64 : i32
      %mul3A_521 = arith.muli %add3A_495, %mul3A_520 : i32
      %add3A_522 = arith.constant 32 : i32
      %add3A_523 = arith.addi %mul3A_521, %add3A_522 : i32
      %swap3A_524 = arith.index_cast %add3A_523 : i32 to index
      %swap3A_525 = tpu.vector_load %arg14[%swap3A_524] {strides = array<i32>} : memref<16384xf32, #tpu.memory_space<vmem>>, vector<16xf32>,
      tpu.vector_store %arg14[%swap3A_524], %gather3A_519 {strides = array<i32>} : memref<16384xf32, #tpu.memory_space<vmem>>, vector<16xf32>,
      %add3A_526 = arith.constant 48 : i32
      %add3A_527 = vector.broadcast %add3A_526 : i32 to vector<16xi32>
      %add3A_528 = arith.addi %iota3A, %add3A_527 : vector<16xi32>
      %gather3A_529 = tpu.vector_load_idx %arg9[%add3A_528, %broadcast_in_dim3A_475] : memref<64x128xf32, #tpu.memory_space<vmem>>[vector<16xi32>, vector<16xi32>], vector<16xf32>,
      %mul3A_530 = arith.constant 64 : i32
      %mul3A_531 = arith.muli %add3A_495, %mul3A_530 : i32
      %add3A_532 = arith.constant 48 : i32
      %add3A_533 = arith.addi %mul3A_531, %add3A_532 : i32
      %swap3A_534 = arith.index_cast %add3A_533 : i32 to index
      %swap3A_535 = tpu.vector_load %arg14[%swap3A_534] {strides = array<i32>} : memref<16384xf32, #tpu.memory_space<vmem>>, vector<16xf32>,
      tpu.vector_store %arg14[%swap3A_534], %gather3A_529 {strides = array<i32>} : memref<16384xf32, #tpu.memory_space<vmem>>, vector<16xf32>,
      %slice3A_536 = vector.extract_strided_slice %mul3A_206 {offsets = [11], sizes = [1], strides = [1]} : vector<16xi32> to vector<1xi32>
      %squeeze3A_537 = vector.extract %slice3A_536[0] : i32 from vector<1xi32>
      %multiple_of3A_538 = tpu.assume_multiple %squeeze3A_537, 128 : i32
      %dma_start3A_539 = arith.constant 0 : i32
      %dma_start3A_540 = tpu.memref_slice %arg2[%dma_start3A_539, %multiple_of3A_538] : memref<64x1000000xf32, #tpu.memory_space<hbm>> -> memref<64x128xf32, #tpu.memory_space<hbm>>
      %dma_start3A_541 = arith.constant 0 : i32
      %dma_start3A_542 = tpu.memref_slice %arg2[%dma_start3A_541, %multiple_of3A_538] : memref<64x1000000xf32, #tpu.memory_space<hbm>> -> memref<64x128xf32, #tpu.memory_space<hbm>>
      tpu.enqueue_dma source(%dma_start3A_542 : memref<64x128xf32, #tpu.memory_space<hbm>>) target(%arg9 : memref<64x128xf32, #tpu.memory_space<vmem>>) target_semaphore(%arg18 : memref<!tpu.dma_semaphore, #tpu.memory_space<semaphore_mem>>)
      %dma_wait3A_543 = arith.constant 0 : i32
      %dma_wait3A_544 = arith.constant 0 : i32
      %dma_wait3A_545 = tpu.memref_slice %arg2[%dma_wait3A_543, %dma_wait3A_544] : memref<64x1000000xf32, #tpu.memory_space<hbm>> -> memref<64x128xf32, #tpu.memory_space<hbm>>
      %dma_wait3A_546 = arith.constant 0 : i32
      %dma_wait3A_547 = arith.constant 0 : i32
      %dma_wait3A_548 = tpu.memref_slice %arg2[%dma_wait3A_546, %dma_wait3A_547] : memref<64x1000000xf32, #tpu.memory_space<hbm>> -> memref<64x128xf32, #tpu.memory_space<hbm>>
      tpu.wait_dma2 semaphore(%arg19 : memref<!tpu.dma_semaphore, #tpu.memory_space<semaphore_mem>>) src(%dma_wait3A_548 : memref<64x128xf32, #tpu.memory_space<hbm>>) dst(%arg10 : memref<64x128xf32, #tpu.memory_space<vmem>>)
      %slice3A_549 = vector.extract_strided_slice %sub3A_241 {offsets = [4], sizes = [1], strides = [1]} : vector<16xi32> to vector<1xi32>
      %squeeze3A_550 = vector.extract %slice3A_549[0] : i32 from vector<1xi32>
      %broadcast_in_dim3A_551 = vector.broadcast %squeeze3A_550 : i32 to vector<16xi32>
      %jit3A_552 = arith.constant 16 : i32
      %eq3A_553 = arith.constant 0 : i32
      %eq3A_554 = arith.cmpi eq, %jit3A_552, %eq3A_553 : i32
      %jit3A_555 = arith.constant 1 : i32
      %select_n3A_556 = arith.select %eq3A_554, %jit3A_555, %jit3A_552 : i32
      %rem3A_557 = arith.remsi %scan3A_148, %select_n3A_556 : i32
      %ne3A_558 = arith.constant 0 : i32
      %ne3A_559 = arith.cmpi ne, %rem3A_557, %ne3A_558 : i32
      %lt3A_560 = arith.constant 0 : i32
      %lt3A_561 = arith.cmpi slt, %rem3A_557, %lt3A_560 : i32
      %lt3A_562 = arith.constant 0 : i32
      %lt3A_563 = arith.cmpi slt, %select_n3A_556, %lt3A_562 : i32
      %ne3A_564 = arith.xori %lt3A_561, %lt3A_563 : i1
      %and3A_565 = arith.andi %ne3A_564, %ne3A_559 : i1
      %add3A_566 = arith.addi %rem3A_557, %select_n3A_556 : i32
      %select_n3A_567 = arith.select %and3A_565, %add3A_566, %rem3A_557 : i32
      %mul3A_568 = arith.constant 16 : i32
      %mul3A_569 = arith.muli %select_n3A_567, %mul3A_568 : i32
      %add3A_570 = arith.constant 4 : i32
      %add3A_571 = arith.addi %mul3A_569, %add3A_570 : i32
      %add3A_572 = arith.constant 0 : i32
      %add3A_573 = vector.broadcast %add3A_572 : i32 to vector<16xi32>
      %add3A_574 = arith.addi %iota3A, %add3A_573 : vector<16xi32>
      %gather3A_575 = tpu.vector_load_idx %arg10[%add3A_574, %broadcast_in_dim3A_551] : memref<64x128xf32, #tpu.memory_space<vmem>>[vector<16xi32>, vector<16xi32>], vector<16xf32>,
      %mul3A_576 = arith.constant 64 : i32
      %mul3A_577 = arith.muli %add3A_571, %mul3A_576 : i32
      %add3A_578 = arith.constant 0 : i32
      %add3A_579 = arith.addi %mul3A_577, %add3A_578 : i32
      %swap3A_580 = arith.index_cast %add3A_579 : i32 to index
      %swap3A_581 = tpu.vector_load %arg14[%swap3A_580] {strides = array<i32>} : memref<16384xf32, #tpu.memory_space<vmem>>, vector<16xf32>,
      tpu.vector_store %arg14[%swap3A_580], %gather3A_575 {strides = array<i32>} : memref<16384xf32, #tpu.memory_space<vmem>>, vector<16xf32>,
      %add3A_582 = arith.constant 16 : i32
      %add3A_583 = vector.broadcast %add3A_582 : i32 to vector<16xi32>
      %add3A_584 = arith.addi %iota3A, %add3A_583 : vector<16xi32>
      %gather3A_585 = tpu.vector_load_idx %arg10[%add3A_584, %broadcast_in_dim3A_551] : memref<64x128xf32, #tpu.memory_space<vmem>>[vector<16xi32>, vector<16xi32>], vector<16xf32>,
      %mul3A_586 = arith.constant 64 : i32
      %mul3A_587 = arith.muli %add3A_571, %mul3A_586 : i32
      %add3A_588 = arith.constant 16 : i32
      %add3A_589 = arith.addi %mul3A_587, %add3A_588 : i32
      %swap3A_590 = arith.index_cast %add3A_589 : i32 to index
      %swap3A_591 = tpu.vector_load %arg14[%swap3A_590] {strides = array<i32>} : memref<16384xf32, #tpu.memory_space<vmem>>, vector<16xf32>,
      tpu.vector_store %arg14[%swap3A_590], %gather3A_585 {strides = array<i32>} : memref<16384xf32, #tpu.memory_space<vmem>>, vector<16xf32>,
      %add3A_592 = arith.constant 32 : i32
      %add3A_593 = vector.broadcast %add3A_592 : i32 to vector<16xi32>
      %add3A_594 = arith.addi %iota3A, %add3A_593 : vector<16xi32>
      %gather3A_595 = tpu.vector_load_idx %arg10[%add3A_594, %broadcast_in_dim3A_551] : memref<64x128xf32, #tpu.memory_space<vmem>>[vector<16xi32>, vector<16xi32>], vector<16xf32>,
      %mul3A_596 = arith.constant 64 : i32
      %mul3A_597 = arith.muli %add3A_571, %mul3A_596 : i32
      %add3A_598 = arith.constant 32 : i32
      %add3A_599 = arith.addi %mul3A_597, %add3A_598 : i32
      %swap3A_600 = arith.index_cast %add3A_599 : i32 to index
      %swap3A_601 = tpu.vector_load %arg14[%swap3A_600] {strides = array<i32>} : memref<16384xf32, #tpu.memory_space<vmem>>, vector<16xf32>,
      tpu.vector_store %arg14[%swap3A_600], %gather3A_595 {strides = array<i32>} : memref<16384xf32, #tpu.memory_space<vmem>>, vector<16xf32>,
      %add3A_602 = arith.constant 48 : i32
      %add3A_603 = vector.broadcast %add3A_602 : i32 to vector<16xi32>
      %add3A_604 = arith.addi %iota3A, %add3A_603 : vector<16xi32>
      %gather3A_605 = tpu.vector_load_idx %arg10[%add3A_604, %broadcast_in_dim3A_551] : memref<64x128xf32, #tpu.memory_space<vmem>>[vector<16xi32>, vector<16xi32>], vector<16xf32>,
      %mul3A_606 = arith.constant 64 : i32
      %mul3A_607 = arith.muli %add3A_571, %mul3A_606 : i32
      %add3A_608 = arith.constant 48 : i32
      %add3A_609 = arith.addi %mul3A_607, %add3A_608 : i32
      %swap3A_610 = arith.index_cast %add3A_609 : i32 to index
      %swap3A_611 = tpu.vector_load %arg14[%swap3A_610] {strides = array<i32>} : memref<16384xf32, #tpu.memory_space<vmem>>, vector<16xf32>,
      tpu.vector_store %arg14[%swap3A_610], %gather3A_605 {strides = array<i32>} : memref<16384xf32, #tpu.memory_space<vmem>>, vector<16xf32>,
      %slice3A_612 = vector.extract_strided_slice %mul3A_206 {offsets = [12], sizes = [1], strides = [1]} : vector<16xi32> to vector<1xi32>
      %squeeze3A_613 = vector.extract %slice3A_612[0] : i32 from vector<1xi32>
      %multiple_of3A_614 = tpu.assume_multiple %squeeze3A_613, 128 : i32
      %dma_start3A_615 = arith.constant 0 : i32
      %dma_start3A_616 = tpu.memref_slice %arg2[%dma_start3A_615, %multiple_of3A_614] : memref<64x1000000xf32, #tpu.memory_space<hbm>> -> memref<64x128xf32, #tpu.memory_space<hbm>>
      %dma_start3A_617 = arith.constant 0 : i32
      %dma_start3A_618 = tpu.memref_slice %arg2[%dma_start3A_617, %multiple_of3A_614] : memref<64x1000000xf32, #tpu.memory_space<hbm>> -> memref<64x128xf32, #tpu.memory_space<hbm>>
      tpu.enqueue_dma source(%dma_start3A_618 : memref<64x128xf32, #tpu.memory_space<hbm>>) target(%arg10 : memref<64x128xf32, #tpu.memory_space<vmem>>) target_semaphore(%arg19 : memref<!tpu.dma_semaphore, #tpu.memory_space<semaphore_mem>>)
      %dma_wait3A_619 = arith.constant 0 : i32
      %dma_wait3A_620 = arith.constant 0 : i32
      %dma_wait3A_621 = tpu.memref_slice %arg2[%dma_wait3A_619, %dma_wait3A_620] : memref<64x1000000xf32, #tpu.memory_space<hbm>> -> memref<64x128xf32, #tpu.memory_space<hbm>>
      %dma_wait3A_622 = arith.constant 0 : i32
      %dma_wait3A_623 = arith.constant 0 : i32
      %dma_wait3A_624 = tpu.memref_slice %arg2[%dma_wait3A_622, %dma_wait3A_623] : memref<64x1000000xf32, #tpu.memory_space<hbm>> -> memref<64x128xf32, #tpu.memory_space<hbm>>
      tpu.wait_dma2 semaphore(%arg20 : memref<!tpu.dma_semaphore, #tpu.memory_space<semaphore_mem>>) src(%dma_wait3A_624 : memref<64x128xf32, #tpu.memory_space<hbm>>) dst(%arg11 : memref<64x128xf32, #tpu.memory_space<vmem>>)
      %slice3A_625 = vector.extract_strided_slice %sub3A_241 {offsets = [5], sizes = [1], strides = [1]} : vector<16xi32> to vector<1xi32>
      %squeeze3A_626 = vector.extract %slice3A_625[0] : i32 from vector<1xi32>
      %broadcast_in_dim3A_627 = vector.broadcast %squeeze3A_626 : i32 to vector<16xi32>
      %jit3A_628 = arith.constant 16 : i32
      %eq3A_629 = arith.constant 0 : i32
      %eq3A_630 = arith.cmpi eq, %jit3A_628, %eq3A_629 : i32
      %jit3A_631 = arith.constant 1 : i32
      %select_n3A_632 = arith.select %eq3A_630, %jit3A_631, %jit3A_628 : i32
      %rem3A_633 = arith.remsi %scan3A_148, %select_n3A_632 : i32
      %ne3A_634 = arith.constant 0 : i32
      %ne3A_635 = arith.cmpi ne, %rem3A_633, %ne3A_634 : i32
      %lt3A_636 = arith.constant 0 : i32
      %lt3A_637 = arith.cmpi slt, %rem3A_633, %lt3A_636 : i32
      %lt3A_638 = arith.constant 0 : i32
      %lt3A_639 = arith.cmpi slt, %select_n3A_632, %lt3A_638 : i32
      %ne3A_640 = arith.xori %lt3A_637, %lt3A_639 : i1
      %and3A_641 = arith.andi %ne3A_640, %ne3A_635 : i1
      %add3A_642 = arith.addi %rem3A_633, %select_n3A_632 : i32
      %select_n3A_643 = arith.select %and3A_641, %add3A_642, %rem3A_633 : i32
      %mul3A_644 = arith.constant 16 : i32
      %mul3A_645 = arith.muli %select_n3A_643, %mul3A_644 : i32
      %add3A_646 = arith.constant 5 : i32
      %add3A_647 = arith.addi %mul3A_645, %add3A_646 : i32
      %add3A_648 = arith.constant 0 : i32
      %add3A_649 = vector.broadcast %add3A_648 : i32 to vector<16xi32>
      %add3A_650 = arith.addi %iota3A, %add3A_649 : vector<16xi32>
      %gather3A_651 = tpu.vector_load_idx %arg11[%add3A_650, %broadcast_in_dim3A_627] : memref<64x128xf32, #tpu.memory_space<vmem>>[vector<16xi32>, vector<16xi32>], vector<16xf32>,
      %mul3A_652 = arith.constant 64 : i32
      %mul3A_653 = arith.muli %add3A_647, %mul3A_652 : i32
      %add3A_654 = arith.constant 0 : i32
      %add3A_655 = arith.addi %mul3A_653, %add3A_654 : i32
      %swap3A_656 = arith.index_cast %add3A_655 : i32 to index
      %swap3A_657 = tpu.vector_load %arg14[%swap3A_656] {strides = array<i32>} : memref<16384xf32, #tpu.memory_space<vmem>>, vector<16xf32>,
      tpu.vector_store %arg14[%swap3A_656], %gather3A_651 {strides = array<i32>} : memref<16384xf32, #tpu.memory_space<vmem>>, vector<16xf32>,
      %add3A_658 = arith.constant 16 : i32
      %add3A_659 = vector.broadcast %add3A_658 : i32 to vector<16xi32>
      %add3A_660 = arith.addi %iota3A, %add3A_659 : vector<16xi32>
      %gather3A_661 = tpu.vector_load_idx %arg11[%add3A_660, %broadcast_in_dim3A_627] : memref<64x128xf32, #tpu.memory_space<vmem>>[vector<16xi32>, vector<16xi32>], vector<16xf32>,
      %mul3A_662 = arith.constant 64 : i32
      %mul3A_663 = arith.muli %add3A_647, %mul3A_662 : i32
      %add3A_664 = arith.constant 16 : i32
      %add3A_665 = arith.addi %mul3A_663, %add3A_664 : i32
      %swap3A_666 = arith.index_cast %add3A_665 : i32 to index
      %swap3A_667 = tpu.vector_load %arg14[%swap3A_666] {strides = array<i32>} : memref<16384xf32, #tpu.memory_space<vmem>>, vector<16xf32>,
      tpu.vector_store %arg14[%swap3A_666], %gather3A_661 {strides = array<i32>} : memref<16384xf32, #tpu.memory_space<vmem>>, vector<16xf32>,
      %add3A_668 = arith.constant 32 : i32
      %add3A_669 = vector.broadcast %add3A_668 : i32 to vector<16xi32>
      %add3A_670 = arith.addi %iota3A, %add3A_669 : vector<16xi32>
      %gather3A_671 = tpu.vector_load_idx %arg11[%add3A_670, %broadcast_in_dim3A_627] : memref<64x128xf32, #tpu.memory_space<vmem>>[vector<16xi32>, vector<16xi32>], vector<16xf32>,
      %mul3A_672 = arith.constant 64 : i32
      %mul3A_673 = arith.muli %add3A_647, %mul3A_672 : i32
      %add3A_674 = arith.constant 32 : i32
      %add3A_675 = arith.addi %mul3A_673, %add3A_674 : i32
      %swap3A_676 = arith.index_cast %add3A_675 : i32 to index
      %swap3A_677 = tpu.vector_load %arg14[%swap3A_676] {strides = array<i32>} : memref<16384xf32, #tpu.memory_space<vmem>>, vector<16xf32>,
      tpu.vector_store %arg14[%swap3A_676], %gather3A_671 {strides = array<i32>} : memref<16384xf32, #tpu.memory_space<vmem>>, vector<16xf32>,
      %add3A_678 = arith.constant 48 : i32
      %add3A_679 = vector.broadcast %add3A_678 : i32 to vector<16xi32>
      %add3A_680 = arith.addi %iota3A, %add3A_679 : vector<16xi32>
      %gather3A_681 = tpu.vector_load_idx %arg11[%add3A_680, %broadcast_in_dim3A_627] : memref<64x128xf32, #tpu.memory_space<vmem>>[vector<16xi32>, vector<16xi32>], vector<16xf32>,
      %mul3A_682 = arith.constant 64 : i32
      %mul3A_683 = arith.muli %add3A_647, %mul3A_682 : i32
      %add3A_684 = arith.constant 48 : i32
      %add3A_685 = arith.addi %mul3A_683, %add3A_684 : i32
      %swap3A_686 = arith.index_cast %add3A_685 : i32 to index
      %swap3A_687 = tpu.vector_load %arg14[%swap3A_686] {strides = array<i32>} : memref<16384xf32, #tpu.memory_space<vmem>>, vector<16xf32>,
      tpu.vector_store %arg14[%swap3A_686], %gather3A_681 {strides = array<i32>} : memref<16384xf32, #tpu.memory_space<vmem>>, vector<16xf32>,
      %slice3A_688 = vector.extract_strided_slice %mul3A_206 {offsets = [13], sizes = [1], strides = [1]} : vector<16xi32> to vector<1xi32>
      %squeeze3A_689 = vector.extract %slice3A_688[0] : i32 from vector<1xi32>
      %multiple_of3A_690 = tpu.assume_multiple %squeeze3A_689, 128 : i32
      %dma_start3A_691 = arith.constant 0 : i32
      %dma_start3A_692 = tpu.memref_slice %arg2[%dma_start3A_691, %multiple_of3A_690] : memref<64x1000000xf32, #tpu.memory_space<hbm>> -> memref<64x128xf32, #tpu.memory_space<hbm>>
      %dma_start3A_693 = arith.constant 0 : i32
      %dma_start3A_694 = tpu.memref_slice %arg2[%dma_start3A_693, %multiple_of3A_690] : memref<64x1000000xf32, #tpu.memory_space<hbm>> -> memref<64x128xf32, #tpu.memory_space<hbm>>
      tpu.enqueue_dma source(%dma_start3A_694 : memref<64x128xf32, #tpu.memory_space<hbm>>) target(%arg11 : memref<64x128xf32, #tpu.memory_space<vmem>>) target_semaphore(%arg20 : memref<!tpu.dma_semaphore, #tpu.memory_space<semaphore_mem>>)
      %dma_wait3A_695 = arith.constant 0 : i32
      %dma_wait3A_696 = arith.constant 0 : i32
      %dma_wait3A_697 = tpu.memref_slice %arg2[%dma_wait3A_695, %dma_wait3A_696] : memref<64x1000000xf32, #tpu.memory_space<hbm>> -> memref<64x128xf32, #tpu.memory_space<hbm>>
      %dma_wait3A_698 = arith.constant 0 : i32
      %dma_wait3A_699 = arith.constant 0 : i32
      %dma_wait3A_700 = tpu.memref_slice %arg2[%dma_wait3A_698, %dma_wait3A_699] : memref<64x1000000xf32, #tpu.memory_space<hbm>> -> memref<64x128xf32, #tpu.memory_space<hbm>>
      tpu.wait_dma2 semaphore(%arg21 : memref<!tpu.dma_semaphore, #tpu.memory_space<semaphore_mem>>) src(%dma_wait3A_700 : memref<64x128xf32, #tpu.memory_space<hbm>>) dst(%arg12 : memref<64x128xf32, #tpu.memory_space<vmem>>)
      %slice3A_701 = vector.extract_strided_slice %sub3A_241 {offsets = [6], sizes = [1], strides = [1]} : vector<16xi32> to vector<1xi32>
      %squeeze3A_702 = vector.extract %slice3A_701[0] : i32 from vector<1xi32>
      %broadcast_in_dim3A_703 = vector.broadcast %squeeze3A_702 : i32 to vector<16xi32>
      %jit3A_704 = arith.constant 16 : i32
      %eq3A_705 = arith.constant 0 : i32
      %eq3A_706 = arith.cmpi eq, %jit3A_704, %eq3A_705 : i32
      %jit3A_707 = arith.constant 1 : i32
      %select_n3A_708 = arith.select %eq3A_706, %jit3A_707, %jit3A_704 : i32
      %rem3A_709 = arith.remsi %scan3A_148, %select_n3A_708 : i32
      %ne3A_710 = arith.constant 0 : i32
      %ne3A_711 = arith.cmpi ne, %rem3A_709, %ne3A_710 : i32
      %lt3A_712 = arith.constant 0 : i32
      %lt3A_713 = arith.cmpi slt, %rem3A_709, %lt3A_712 : i32
      %lt3A_714 = arith.constant 0 : i32
      %lt3A_715 = arith.cmpi slt, %select_n3A_708, %lt3A_714 : i32
      %ne3A_716 = arith.xori %lt3A_713, %lt3A_715 : i1
      %and3A_717 = arith.andi %ne3A_716, %ne3A_711 : i1
      %add3A_718 = arith.addi %rem3A_709, %select_n3A_708 : i32
      %select_n3A_719 = arith.select %and3A_717, %add3A_718, %rem3A_709 : i32
      %mul3A_720 = arith.constant 16 : i32
      %mul3A_721 = arith.muli %select_n3A_719, %mul3A_720 : i32
      %add3A_722 = arith.constant 6 : i32
      %add3A_723 = arith.addi %mul3A_721, %add3A_722 : i32
      %add3A_724 = arith.constant 0 : i32
      %add3A_725 = vector.broadcast %add3A_724 : i32 to vector<16xi32>
      %add3A_726 = arith.addi %iota3A, %add3A_725 : vector<16xi32>
      %gather3A_727 = tpu.vector_load_idx %arg12[%add3A_726, %broadcast_in_dim3A_703] : memref<64x128xf32, #tpu.memory_space<vmem>>[vector<16xi32>, vector<16xi32>], vector<16xf32>,
      %mul3A_728 = arith.constant 64 : i32
      %mul3A_729 = arith.muli %add3A_723, %mul3A_728 : i32
      %add3A_730 = arith.constant 0 : i32
      %add3A_731 = arith.addi %mul3A_729, %add3A_730 : i32
      %swap3A_732 = arith.index_cast %add3A_731 : i32 to index
      %swap3A_733 = tpu.vector_load %arg14[%swap3A_732] {strides = array<i32>} : memref<16384xf32, #tpu.memory_space<vmem>>, vector<16xf32>,
      tpu.vector_store %arg14[%swap3A_732], %gather3A_727 {strides = array<i32>} : memref<16384xf32, #tpu.memory_space<vmem>>, vector<16xf32>,
      %add3A_734 = arith.constant 16 : i32
      %add3A_735 = vector.broadcast %add3A_734 : i32 to vector<16xi32>
      %add3A_736 = arith.addi %iota3A, %add3A_735 : vector<16xi32>
      %gather3A_737 = tpu.vector_load_idx %arg12[%add3A_736, %broadcast_in_dim3A_703] : memref<64x128xf32, #tpu.memory_space<vmem>>[vector<16xi32>, vector<16xi32>], vector<16xf32>,
      %mul3A_738 = arith.constant 64 : i32
      %mul3A_739 = arith.muli %add3A_723, %mul3A_738 : i32
      %add3A_740 = arith.constant 16 : i32
      %add3A_741 = arith.addi %mul3A_739, %add3A_740 : i32
      %swap3A_742 = arith.index_cast %add3A_741 : i32 to index
      %swap3A_743 = tpu.vector_load %arg14[%swap3A_742] {strides = array<i32>} : memref<16384xf32, #tpu.memory_space<vmem>>, vector<16xf32>,
      tpu.vector_store %arg14[%swap3A_742], %gather3A_737 {strides = array<i32>} : memref<16384xf32, #tpu.memory_space<vmem>>, vector<16xf32>,
      %add3A_744 = arith.constant 32 : i32
      %add3A_745 = vector.broadcast %add3A_744 : i32 to vector<16xi32>
      %add3A_746 = arith.addi %iota3A, %add3A_745 : vector<16xi32>
      %gather3A_747 = tpu.vector_load_idx %arg12[%add3A_746, %broadcast_in_dim3A_703] : memref<64x128xf32, #tpu.memory_space<vmem>>[vector<16xi32>, vector<16xi32>], vector<16xf32>,
      %mul3A_748 = arith.constant 64 : i32
      %mul3A_749 = arith.muli %add3A_723, %mul3A_748 : i32
      %add3A_750 = arith.constant 32 : i32
      %add3A_751 = arith.addi %mul3A_749, %add3A_750 : i32
      %swap3A_752 = arith.index_cast %add3A_751 : i32 to index
      %swap3A_753 = tpu.vector_load %arg14[%swap3A_752] {strides = array<i32>} : memref<16384xf32, #tpu.memory_space<vmem>>, vector<16xf32>,
      tpu.vector_store %arg14[%swap3A_752], %gather3A_747 {strides = array<i32>} : memref<16384xf32, #tpu.memory_space<vmem>>, vector<16xf32>,
      %add3A_754 = arith.constant 48 : i32
      %add3A_755 = vector.broadcast %add3A_754 : i32 to vector<16xi32>
      %add3A_756 = arith.addi %iota3A, %add3A_755 : vector<16xi32>
      %gather3A_757 = tpu.vector_load_idx %arg12[%add3A_756, %broadcast_in_dim3A_703] : memref<64x128xf32, #tpu.memory_space<vmem>>[vector<16xi32>, vector<16xi32>], vector<16xf32>,
      %mul3A_758 = arith.constant 64 : i32
      %mul3A_759 = arith.muli %add3A_723, %mul3A_758 : i32
      %add3A_760 = arith.constant 48 : i32
      %add3A_761 = arith.addi %mul3A_759, %add3A_760 : i32
      %swap3A_762 = arith.index_cast %add3A_761 : i32 to index
      %swap3A_763 = tpu.vector_load %arg14[%swap3A_762] {strides = array<i32>} : memref<16384xf32, #tpu.memory_space<vmem>>, vector<16xf32>,
      tpu.vector_store %arg14[%swap3A_762], %gather3A_757 {strides = array<i32>} : memref<16384xf32, #tpu.memory_space<vmem>>, vector<16xf32>,
      %slice3A_764 = vector.extract_strided_slice %mul3A_206 {offsets = [14], sizes = [1], strides = [1]} : vector<16xi32> to vector<1xi32>
      %squeeze3A_765 = vector.extract %slice3A_764[0] : i32 from vector<1xi32>
      %multiple_of3A_766 = tpu.assume_multiple %squeeze3A_765, 128 : i32
      %dma_start3A_767 = arith.constant 0 : i32
      %dma_start3A_768 = tpu.memref_slice %arg2[%dma_start3A_767, %multiple_of3A_766] : memref<64x1000000xf32, #tpu.memory_space<hbm>> -> memref<64x128xf32, #tpu.memory_space<hbm>>
      %dma_start3A_769 = arith.constant 0 : i32
      %dma_start3A_770 = tpu.memref_slice %arg2[%dma_start3A_769, %multiple_of3A_766] : memref<64x1000000xf32, #tpu.memory_space<hbm>> -> memref<64x128xf32, #tpu.memory_space<hbm>>
      tpu.enqueue_dma source(%dma_start3A_770 : memref<64x128xf32, #tpu.memory_space<hbm>>) target(%arg12 : memref<64x128xf32, #tpu.memory_space<vmem>>) target_semaphore(%arg21 : memref<!tpu.dma_semaphore, #tpu.memory_space<semaphore_mem>>)
      %dma_wait3A_771 = arith.constant 0 : i32
      %dma_wait3A_772 = arith.constant 0 : i32
      %dma_wait3A_773 = tpu.memref_slice %arg2[%dma_wait3A_771, %dma_wait3A_772] : memref<64x1000000xf32, #tpu.memory_space<hbm>> -> memref<64x128xf32, #tpu.memory_space<hbm>>
      %dma_wait3A_774 = arith.constant 0 : i32
      %dma_wait3A_775 = arith.constant 0 : i32
      %dma_wait3A_776 = tpu.memref_slice %arg2[%dma_wait3A_774, %dma_wait3A_775] : memref<64x1000000xf32, #tpu.memory_space<hbm>> -> memref<64x128xf32, #tpu.memory_space<hbm>>
      tpu.wait_dma2 semaphore(%arg22 : memref<!tpu.dma_semaphore, #tpu.memory_space<semaphore_mem>>) src(%dma_wait3A_776 : memref<64x128xf32, #tpu.memory_space<hbm>>) dst(%arg13 : memref<64x128xf32, #tpu.memory_space<vmem>>)
      %slice3A_777 = vector.extract_strided_slice %sub3A_241 {offsets = [7], sizes = [1], strides = [1]} : vector<16xi32> to vector<1xi32>
      %squeeze3A_778 = vector.extract %slice3A_777[0] : i32 from vector<1xi32>
      %broadcast_in_dim3A_779 = vector.broadcast %squeeze3A_778 : i32 to vector<16xi32>
      %jit3A_780 = arith.constant 16 : i32
      %eq3A_781 = arith.constant 0 : i32
      %eq3A_782 = arith.cmpi eq, %jit3A_780, %eq3A_781 : i32
      %jit3A_783 = arith.constant 1 : i32
      %select_n3A_784 = arith.select %eq3A_782, %jit3A_783, %jit3A_780 : i32
      %rem3A_785 = arith.remsi %scan3A_148, %select_n3A_784 : i32
      %ne3A_786 = arith.constant 0 : i32
      %ne3A_787 = arith.cmpi ne, %rem3A_785, %ne3A_786 : i32
      %lt3A_788 = arith.constant 0 : i32
      %lt3A_789 = arith.cmpi slt, %rem3A_785, %lt3A_788 : i32
      %lt3A_790 = arith.constant 0 : i32
      %lt3A_791 = arith.cmpi slt, %select_n3A_784, %lt3A_790 : i32
      %ne3A_792 = arith.xori %lt3A_789, %lt3A_791 : i1
      %and3A_793 = arith.andi %ne3A_792, %ne3A_787 : i1
      %add3A_794 = arith.addi %rem3A_785, %select_n3A_784 : i32
      %select_n3A_795 = arith.select %and3A_793, %add3A_794, %rem3A_785 : i32
      %mul3A_796 = arith.constant 16 : i32
      %mul3A_797 = arith.muli %select_n3A_795, %mul3A_796 : i32
      %add3A_798 = arith.constant 7 : i32
      %add3A_799 = arith.addi %mul3A_797, %add3A_798 : i32
      %add3A_800 = arith.constant 0 : i32
      %add3A_801 = vector.broadcast %add3A_800 : i32 to vector<16xi32>
      %add3A_802 = arith.addi %iota3A, %add3A_801 : vector<16xi32>
      %gather3A_803 = tpu.vector_load_idx %arg13[%add3A_802, %broadcast_in_dim3A_779] : memref<64x128xf32, #tpu.memory_space<vmem>>[vector<16xi32>, vector<16xi32>], vector<16xf32>,
      %mul3A_804 = arith.constant 64 : i32
      %mul3A_805 = arith.muli %add3A_799, %mul3A_804 : i32
      %add3A_806 = arith.constant 0 : i32
      %add3A_807 = arith.addi %mul3A_805, %add3A_806 : i32
      %swap3A_808 = arith.index_cast %add3A_807 : i32 to index
      %swap3A_809 = tpu.vector_load %arg14[%swap3A_808] {strides = array<i32>} : memref<16384xf32, #tpu.memory_space<vmem>>, vector<16xf32>,
      tpu.vector_store %arg14[%swap3A_808], %gather3A_803 {strides = array<i32>} : memref<16384xf32, #tpu.memory_space<vmem>>, vector<16xf32>,
      %add3A_810 = arith.constant 16 : i32
      %add3A_811 = vector.broadcast %add3A_810 : i32 to vector<16xi32>
      %add3A_812 = arith.addi %iota3A, %add3A_811 : vector<16xi32>
      %gather3A_813 = tpu.vector_load_idx %arg13[%add3A_812, %broadcast_in_dim3A_779] : memref<64x128xf32, #tpu.memory_space<vmem>>[vector<16xi32>, vector<16xi32>], vector<16xf32>,
      %mul3A_814 = arith.constant 64 : i32
      %mul3A_815 = arith.muli %add3A_799, %mul3A_814 : i32
      %add3A_816 = arith.constant 16 : i32
      %add3A_817 = arith.addi %mul3A_815, %add3A_816 : i32
      %swap3A_818 = arith.index_cast %add3A_817 : i32 to index
      %swap3A_819 = tpu.vector_load %arg14[%swap3A_818] {strides = array<i32>} : memref<16384xf32, #tpu.memory_space<vmem>>, vector<16xf32>,
      tpu.vector_store %arg14[%swap3A_818], %gather3A_813 {strides = array<i32>} : memref<16384xf32, #tpu.memory_space<vmem>>, vector<16xf32>,
      %add3A_820 = arith.constant 32 : i32
      %add3A_821 = vector.broadcast %add3A_820 : i32 to vector<16xi32>
      %add3A_822 = arith.addi %iota3A, %add3A_821 : vector<16xi32>
      %gather3A_823 = tpu.vector_load_idx %arg13[%add3A_822, %broadcast_in_dim3A_779] : memref<64x128xf32, #tpu.memory_space<vmem>>[vector<16xi32>, vector<16xi32>], vector<16xf32>,
      %mul3A_824 = arith.constant 64 : i32
      %mul3A_825 = arith.muli %add3A_799, %mul3A_824 : i32
      %add3A_826 = arith.constant 32 : i32
      %add3A_827 = arith.addi %mul3A_825, %add3A_826 : i32
      %swap3A_828 = arith.index_cast %add3A_827 : i32 to index
      %swap3A_829 = tpu.vector_load %arg14[%swap3A_828] {strides = array<i32>} : memref<16384xf32, #tpu.memory_space<vmem>>, vector<16xf32>,
      tpu.vector_store %arg14[%swap3A_828], %gather3A_823 {strides = array<i32>} : memref<16384xf32, #tpu.memory_space<vmem>>, vector<16xf32>,
      %add3A_830 = arith.constant 48 : i32
      %add3A_831 = vector.broadcast %add3A_830 : i32 to vector<16xi32>
      %add3A_832 = arith.addi %iota3A, %add3A_831 : vector<16xi32>
      %gather3A_833 = tpu.vector_load_idx %arg13[%add3A_832, %broadcast_in_dim3A_779] : memref<64x128xf32, #tpu.memory_space<vmem>>[vector<16xi32>, vector<16xi32>], vector<16xf32>,
      %mul3A_834 = arith.constant 64 : i32
      %mul3A_835 = arith.muli %add3A_799, %mul3A_834 : i32
      %add3A_836 = arith.constant 48 : i32
      %add3A_837 = arith.addi %mul3A_835, %add3A_836 : i32
      %swap3A_838 = arith.index_cast %add3A_837 : i32 to index
      %swap3A_839 = tpu.vector_load %arg14[%swap3A_838] {strides = array<i32>} : memref<16384xf32, #tpu.memory_space<vmem>>, vector<16xf32>,
      tpu.vector_store %arg14[%swap3A_838], %gather3A_833 {strides = array<i32>} : memref<16384xf32, #tpu.memory_space<vmem>>, vector<16xf32>,
      %slice3A_840 = vector.extract_strided_slice %mul3A_206 {offsets = [15], sizes = [1], strides = [1]} : vector<16xi32> to vector<1xi32>
      %squeeze3A_841 = vector.extract %slice3A_840[0] : i32 from vector<1xi32>
      %multiple_of3A_842 = tpu.assume_multiple %squeeze3A_841, 128 : i32
      %dma_start3A_843 = arith.constant 0 : i32
      %dma_start3A_844 = tpu.memref_slice %arg2[%dma_start3A_843, %multiple_of3A_842] : memref<64x1000000xf32, #tpu.memory_space<hbm>> -> memref<64x128xf32, #tpu.memory_space<hbm>>
      %dma_start3A_845 = arith.constant 0 : i32
      %dma_start3A_846 = tpu.memref_slice %arg2[%dma_start3A_845, %multiple_of3A_842] : memref<64x1000000xf32, #tpu.memory_space<hbm>> -> memref<64x128xf32, #tpu.memory_space<hbm>>
      tpu.enqueue_dma source(%dma_start3A_846 : memref<64x128xf32, #tpu.memory_space<hbm>>) target(%arg13 : memref<64x128xf32, #tpu.memory_space<vmem>>) target_semaphore(%arg22 : memref<!tpu.dma_semaphore, #tpu.memory_space<semaphore_mem>>)
      %dma_wait3A_847 = arith.constant 0 : i32
      %dma_wait3A_848 = arith.constant 0 : i32
      %dma_wait3A_849 = tpu.memref_slice %arg2[%dma_wait3A_847, %dma_wait3A_848] : memref<64x1000000xf32, #tpu.memory_space<hbm>> -> memref<64x128xf32, #tpu.memory_space<hbm>>
      %dma_wait3A_850 = arith.constant 0 : i32
      %dma_wait3A_851 = arith.constant 0 : i32
      %dma_wait3A_852 = tpu.memref_slice %arg2[%dma_wait3A_850, %dma_wait3A_851] : memref<64x1000000xf32, #tpu.memory_space<hbm>> -> memref<64x128xf32, #tpu.memory_space<hbm>>
      tpu.wait_dma2 semaphore(%arg15 : memref<!tpu.dma_semaphore, #tpu.memory_space<semaphore_mem>>) src(%dma_wait3A_852 : memref<64x128xf32, #tpu.memory_space<hbm>>) dst(%arg6 : memref<64x128xf32, #tpu.memory_space<vmem>>)
      %slice3A_853 = vector.extract_strided_slice %sub3A_241 {offsets = [8], sizes = [1], strides = [1]} : vector<16xi32> to vector<1xi32>
      %squeeze3A_854 = vector.extract %slice3A_853[0] : i32 from vector<1xi32>
      %broadcast_in_dim3A_855 = vector.broadcast %squeeze3A_854 : i32 to vector<16xi32>
      %jit3A_856 = arith.constant 16 : i32
      %eq3A_857 = arith.constant 0 : i32
      %eq3A_858 = arith.cmpi eq, %jit3A_856, %eq3A_857 : i32
      %jit3A_859 = arith.constant 1 : i32
      %select_n3A_860 = arith.select %eq3A_858, %jit3A_859, %jit3A_856 : i32
      %rem3A_861 = arith.remsi %scan3A_148, %select_n3A_860 : i32
      %ne3A_862 = arith.constant 0 : i32
      %ne3A_863 = arith.cmpi ne, %rem3A_861, %ne3A_862 : i32
      %lt3A_864 = arith.constant 0 : i32
      %lt3A_865 = arith.cmpi slt, %rem3A_861, %lt3A_864 : i32
      %lt3A_866 = arith.constant 0 : i32
      %lt3A_867 = arith.cmpi slt, %select_n3A_860, %lt3A_866 : i32
      %ne3A_868 = arith.xori %lt3A_865, %lt3A_867 : i1
      %and3A_869 = arith.andi %ne3A_868, %ne3A_863 : i1
      %add3A_870 = arith.addi %rem3A_861, %select_n3A_860 : i32
      %select_n3A_871 = arith.select %and3A_869, %add3A_870, %rem3A_861 : i32
      %mul3A_872 = arith.constant 16 : i32
      %mul3A_873 = arith.muli %select_n3A_871, %mul3A_872 : i32
      %add3A_874 = arith.constant 8 : i32
      %add3A_875 = arith.addi %mul3A_873, %add3A_874 : i32
      %add3A_876 = arith.constant 0 : i32
      %add3A_877 = vector.broadcast %add3A_876 : i32 to vector<16xi32>
      %add3A_878 = arith.addi %iota3A, %add3A_877 : vector<16xi32>
      %gather3A_879 = tpu.vector_load_idx %arg6[%add3A_878, %broadcast_in_dim3A_855] : memref<64x128xf32, #tpu.memory_space<vmem>>[vector<16xi32>, vector<16xi32>], vector<16xf32>,
      %mul3A_880 = arith.constant 64 : i32
      %mul3A_881 = arith.muli %add3A_875, %mul3A_880 : i32
      %add3A_882 = arith.constant 0 : i32
      %add3A_883 = arith.addi %mul3A_881, %add3A_882 : i32
      %swap3A_884 = arith.index_cast %add3A_883 : i32 to index
      %swap3A_885 = tpu.vector_load %arg14[%swap3A_884] {strides = array<i32>} : memref<16384xf32, #tpu.memory_space<vmem>>, vector<16xf32>,
      tpu.vector_store %arg14[%swap3A_884], %gather3A_879 {strides = array<i32>} : memref<16384xf32, #tpu.memory_space<vmem>>, vector<16xf32>,
      %add3A_886 = arith.constant 16 : i32
      %add3A_887 = vector.broadcast %add3A_886 : i32 to vector<16xi32>
      %add3A_888 = arith.addi %iota3A, %add3A_887 : vector<16xi32>
      %gather3A_889 = tpu.vector_load_idx %arg6[%add3A_888, %broadcast_in_dim3A_855] : memref<64x128xf32, #tpu.memory_space<vmem>>[vector<16xi32>, vector<16xi32>], vector<16xf32>,
      %mul3A_890 = arith.constant 64 : i32
      %mul3A_891 = arith.muli %add3A_875, %mul3A_890 : i32
      %add3A_892 = arith.constant 16 : i32
      %add3A_893 = arith.addi %mul3A_891, %add3A_892 : i32
      %swap3A_894 = arith.index_cast %add3A_893 : i32 to index
      %swap3A_895 = tpu.vector_load %arg14[%swap3A_894] {strides = array<i32>} : memref<16384xf32, #tpu.memory_space<vmem>>, vector<16xf32>,
      tpu.vector_store %arg14[%swap3A_894], %gather3A_889 {strides = array<i32>} : memref<16384xf32, #tpu.memory_space<vmem>>, vector<16xf32>,
      %add3A_896 = arith.constant 32 : i32
      %add3A_897 = vector.broadcast %add3A_896 : i32 to vector<16xi32>
      %add3A_898 = arith.addi %iota3A, %add3A_897 : vector<16xi32>
      %gather3A_899 = tpu.vector_load_idx %arg6[%add3A_898, %broadcast_in_dim3A_855] : memref<64x128xf32, #tpu.memory_space<vmem>>[vector<16xi32>, vector<16xi32>], vector<16xf32>,
      %mul3A_900 = arith.constant 64 : i32
      %mul3A_901 = arith.muli %add3A_875, %mul3A_900 : i32
      %add3A_902 = arith.constant 32 : i32
      %add3A_903 = arith.addi %mul3A_901, %add3A_902 : i32
      %swap3A_904 = arith.index_cast %add3A_903 : i32 to index
      %swap3A_905 = tpu.vector_load %arg14[%swap3A_904] {strides = array<i32>} : memref<16384xf32, #tpu.memory_space<vmem>>, vector<16xf32>,
      tpu.vector_store %arg14[%swap3A_904], %gather3A_899 {strides = array<i32>} : memref<16384xf32, #tpu.memory_space<vmem>>, vector<16xf32>,
      %add3A_906 = arith.constant 48 : i32
      %add3A_907 = vector.broadcast %add3A_906 : i32 to vector<16xi32>
      %add3A_908 = arith.addi %iota3A, %add3A_907 : vector<16xi32>
      %gather3A_909 = tpu.vector_load_idx %arg6[%add3A_908, %broadcast_in_dim3A_855] : memref<64x128xf32, #tpu.memory_space<vmem>>[vector<16xi32>, vector<16xi32>], vector<16xf32>,
      %mul3A_910 = arith.constant 64 : i32
      %mul3A_911 = arith.muli %add3A_875, %mul3A_910 : i32
      %add3A_912 = arith.constant 48 : i32
      %add3A_913 = arith.addi %mul3A_911, %add3A_912 : i32
      %swap3A_914 = arith.index_cast %add3A_913 : i32 to index
      %swap3A_915 = tpu.vector_load %arg14[%swap3A_914] {strides = array<i32>} : memref<16384xf32, #tpu.memory_space<vmem>>, vector<16xf32>,
      tpu.vector_store %arg14[%swap3A_914], %gather3A_909 {strides = array<i32>} : memref<16384xf32, #tpu.memory_space<vmem>>, vector<16xf32>,
      %slice3A_916 = vector.extract_strided_slice %mul3A_240 {offsets = [0], sizes = [1], strides = [1]} : vector<16xi32> to vector<1xi32>
      %squeeze3A_917 = vector.extract %slice3A_916[0] : i32 from vector<1xi32>
      %multiple_of3A_918 = tpu.assume_multiple %squeeze3A_917, 128 : i32
      %dma_start3A_919 = arith.constant 0 : i32
      %dma_start3A_920 = tpu.memref_slice %arg2[%dma_start3A_919, %multiple_of3A_918] : memref<64x1000000xf32, #tpu.memory_space<hbm>> -> memref<64x128xf32, #tpu.memory_space<hbm>>
      %dma_start3A_921 = arith.constant 0 : i32
      %dma_start3A_922 = tpu.memref_slice %arg2[%dma_start3A_921, %multiple_of3A_918] : memref<64x1000000xf32, #tpu.memory_space<hbm>> -> memref<64x128xf32, #tpu.memory_space<hbm>>
      tpu.enqueue_dma source(%dma_start3A_922 : memref<64x128xf32, #tpu.memory_space<hbm>>) target(%arg6 : memref<64x128xf32, #tpu.memory_space<vmem>>) target_semaphore(%arg15 : memref<!tpu.dma_semaphore, #tpu.memory_space<semaphore_mem>>)
      %dma_wait3A_923 = arith.constant 0 : i32
      %dma_wait3A_924 = arith.constant 0 : i32
      %dma_wait3A_925 = tpu.memref_slice %arg2[%dma_wait3A_923, %dma_wait3A_924] : memref<64x1000000xf32, #tpu.memory_space<hbm>> -> memref<64x128xf32, #tpu.memory_space<hbm>>
      %dma_wait3A_926 = arith.constant 0 : i32
      %dma_wait3A_927 = arith.constant 0 : i32
      %dma_wait3A_928 = tpu.memref_slice %arg2[%dma_wait3A_926, %dma_wait3A_927] : memref<64x1000000xf32, #tpu.memory_space<hbm>> -> memref<64x128xf32, #tpu.memory_space<hbm>>
      tpu.wait_dma2 semaphore(%arg16 : memref<!tpu.dma_semaphore, #tpu.memory_space<semaphore_mem>>) src(%dma_wait3A_928 : memref<64x128xf32, #tpu.memory_space<hbm>>) dst(%arg7 : memref<64x128xf32, #tpu.memory_space<vmem>>)
      %slice3A_929 = vector.extract_strided_slice %sub3A_241 {offsets = [9], sizes = [1], strides = [1]} : vector<16xi32> to vector<1xi32>
      %squeeze3A_930 = vector.extract %slice3A_929[0] : i32 from vector<1xi32>
      %broadcast_in_dim3A_931 = vector.broadcast %squeeze3A_930 : i32 to vector<16xi32>
      %jit3A_932 = arith.constant 16 : i32
      %eq3A_933 = arith.constant 0 : i32
      %eq3A_934 = arith.cmpi eq, %jit3A_932, %eq3A_933 : i32
      %jit3A_935 = arith.constant 1 : i32
      %select_n3A_936 = arith.select %eq3A_934, %jit3A_935, %jit3A_932 : i32
      %rem3A_937 = arith.remsi %scan3A_148, %select_n3A_936 : i32
      %ne3A_938 = arith.constant 0 : i32
      %ne3A_939 = arith.cmpi ne, %rem3A_937, %ne3A_938 : i32
      %lt3A_940 = arith.constant 0 : i32
      %lt3A_941 = arith.cmpi slt, %rem3A_937, %lt3A_940 : i32
      %lt3A_942 = arith.constant 0 : i32
      %lt3A_943 = arith.cmpi slt, %select_n3A_936, %lt3A_942 : i32
      %ne3A_944 = arith.xori %lt3A_941, %lt3A_943 : i1
      %and3A_945 = arith.andi %ne3A_944, %ne3A_939 : i1
      %add3A_946 = arith.addi %rem3A_937, %select_n3A_936 : i32
      %select_n3A_947 = arith.select %and3A_945, %add3A_946, %rem3A_937 : i32
      %mul3A_948 = arith.constant 16 : i32
      %mul3A_949 = arith.muli %select_n3A_947, %mul3A_948 : i32
      %add3A_950 = arith.constant 9 : i32
      %add3A_951 = arith.addi %mul3A_949, %add3A_950 : i32
      %add3A_952 = arith.constant 0 : i32
      %add3A_953 = vector.broadcast %add3A_952 : i32 to vector<16xi32>
      %add3A_954 = arith.addi %iota3A, %add3A_953 : vector<16xi32>
      %gather3A_955 = tpu.vector_load_idx %arg7[%add3A_954, %broadcast_in_dim3A_931] : memref<64x128xf32, #tpu.memory_space<vmem>>[vector<16xi32>, vector<16xi32>], vector<16xf32>,
      %mul3A_956 = arith.constant 64 : i32
      %mul3A_957 = arith.muli %add3A_951, %mul3A_956 : i32
      %add3A_958 = arith.constant 0 : i32
      %add3A_959 = arith.addi %mul3A_957, %add3A_958 : i32
      %swap3A_960 = arith.index_cast %add3A_959 : i32 to index
      %swap3A_961 = tpu.vector_load %arg14[%swap3A_960] {strides = array<i32>} : memref<16384xf32, #tpu.memory_space<vmem>>, vector<16xf32>,
      tpu.vector_store %arg14[%swap3A_960], %gather3A_955 {strides = array<i32>} : memref<16384xf32, #tpu.memory_space<vmem>>, vector<16xf32>,
      %add3A_962 = arith.constant 16 : i32
      %add3A_963 = vector.broadcast %add3A_962 : i32 to vector<16xi32>
      %add3A_964 = arith.addi %iota3A, %add3A_963 : vector<16xi32>
      %gather3A_965 = tpu.vector_load_idx %arg7[%add3A_964, %broadcast_in_dim3A_931] : memref<64x128xf32, #tpu.memory_space<vmem>>[vector<16xi32>, vector<16xi32>], vector<16xf32>,
      %mul3A_966 = arith.constant 64 : i32
      %mul3A_967 = arith.muli %add3A_951, %mul3A_966 : i32
      %add3A_968 = arith.constant 16 : i32
      %add3A_969 = arith.addi %mul3A_967, %add3A_968 : i32
      %swap3A_970 = arith.index_cast %add3A_969 : i32 to index
      %swap3A_971 = tpu.vector_load %arg14[%swap3A_970] {strides = array<i32>} : memref<16384xf32, #tpu.memory_space<vmem>>, vector<16xf32>,
      tpu.vector_store %arg14[%swap3A_970], %gather3A_965 {strides = array<i32>} : memref<16384xf32, #tpu.memory_space<vmem>>, vector<16xf32>,
      %add3A_972 = arith.constant 32 : i32
      %add3A_973 = vector.broadcast %add3A_972 : i32 to vector<16xi32>
      %add3A_974 = arith.addi %iota3A, %add3A_973 : vector<16xi32>
      %gather3A_975 = tpu.vector_load_idx %arg7[%add3A_974, %broadcast_in_dim3A_931] : memref<64x128xf32, #tpu.memory_space<vmem>>[vector<16xi32>, vector<16xi32>], vector<16xf32>,
      %mul3A_976 = arith.constant 64 : i32
      %mul3A_977 = arith.muli %add3A_951, %mul3A_976 : i32
      %add3A_978 = arith.constant 32 : i32
      %add3A_979 = arith.addi %mul3A_977, %add3A_978 : i32
      %swap3A_980 = arith.index_cast %add3A_979 : i32 to index
      %swap3A_981 = tpu.vector_load %arg14[%swap3A_980] {strides = array<i32>} : memref<16384xf32, #tpu.memory_space<vmem>>, vector<16xf32>,
      tpu.vector_store %arg14[%swap3A_980], %gather3A_975 {strides = array<i32>} : memref<16384xf32, #tpu.memory_space<vmem>>, vector<16xf32>,
      %add3A_982 = arith.constant 48 : i32
      %add3A_983 = vector.broadcast %add3A_982 : i32 to vector<16xi32>
      %add3A_984 = arith.addi %iota3A, %add3A_983 : vector<16xi32>
      %gather3A_985 = tpu.vector_load_idx %arg7[%add3A_984, %broadcast_in_dim3A_931] : memref<64x128xf32, #tpu.memory_space<vmem>>[vector<16xi32>, vector<16xi32>], vector<16xf32>,
      %mul3A_986 = arith.constant 64 : i32
      %mul3A_987 = arith.muli %add3A_951, %mul3A_986 : i32
      %add3A_988 = arith.constant 48 : i32
      %add3A_989 = arith.addi %mul3A_987, %add3A_988 : i32
      %swap3A_990 = arith.index_cast %add3A_989 : i32 to index
      %swap3A_991 = tpu.vector_load %arg14[%swap3A_990] {strides = array<i32>} : memref<16384xf32, #tpu.memory_space<vmem>>, vector<16xf32>,
      tpu.vector_store %arg14[%swap3A_990], %gather3A_985 {strides = array<i32>} : memref<16384xf32, #tpu.memory_space<vmem>>, vector<16xf32>,
      %slice3A_992 = vector.extract_strided_slice %mul3A_240 {offsets = [1], sizes = [1], strides = [1]} : vector<16xi32> to vector<1xi32>
      %squeeze3A_993 = vector.extract %slice3A_992[0] : i32 from vector<1xi32>
      %multiple_of3A_994 = tpu.assume_multiple %squeeze3A_993, 128 : i32
      %dma_start3A_995 = arith.constant 0 : i32
      %dma_start3A_996 = tpu.memref_slice %arg2[%dma_start3A_995, %multiple_of3A_994] : memref<64x1000000xf32, #tpu.memory_space<hbm>> -> memref<64x128xf32, #tpu.memory_space<hbm>>
      %dma_start3A_997 = arith.constant 0 : i32
      %dma_start3A_998 = tpu.memref_slice %arg2[%dma_start3A_997, %multiple_of3A_994] : memref<64x1000000xf32, #tpu.memory_space<hbm>> -> memref<64x128xf32, #tpu.memory_space<hbm>>
      tpu.enqueue_dma source(%dma_start3A_998 : memref<64x128xf32, #tpu.memory_space<hbm>>) target(%arg7 : memref<64x128xf32, #tpu.memory_space<vmem>>) target_semaphore(%arg16 : memref<!tpu.dma_semaphore, #tpu.memory_space<semaphore_mem>>)
      %dma_wait3A_999 = arith.constant 0 : i32
      %dma_wait3A_1000 = arith.constant 0 : i32
      %dma_wait3A_1001 = tpu.memref_slice %arg2[%dma_wait3A_999, %dma_wait3A_1000] : memref<64x1000000xf32, #tpu.memory_space<hbm>> -> memref<64x128xf32, #tpu.memory_space<hbm>>
      %dma_wait3A_1002 = arith.constant 0 : i32
      %dma_wait3A_1003 = arith.constant 0 : i32
      %dma_wait3A_1004 = tpu.memref_slice %arg2[%dma_wait3A_1002, %dma_wait3A_1003] : memref<64x1000000xf32, #tpu.memory_space<hbm>> -> memref<64x128xf32, #tpu.memory_space<hbm>>
      tpu.wait_dma2 semaphore(%arg17 : memref<!tpu.dma_semaphore, #tpu.memory_space<semaphore_mem>>) src(%dma_wait3A_1004 : memref<64x128xf32, #tpu.memory_space<hbm>>) dst(%arg8 : memref<64x128xf32, #tpu.memory_space<vmem>>)
      %slice3A_1005 = vector.extract_strided_slice %sub3A_241 {offsets = [10], sizes = [1], strides = [1]} : vector<16xi32> to vector<1xi32>
      %squeeze3A_1006 = vector.extract %slice3A_1005[0] : i32 from vector<1xi32>
      %broadcast_in_dim3A_1007 = vector.broadcast %squeeze3A_1006 : i32 to vector<16xi32>
      %jit3A_1008 = arith.constant 16 : i32
      %eq3A_1009 = arith.constant 0 : i32
      %eq3A_1010 = arith.cmpi eq, %jit3A_1008, %eq3A_1009 : i32
      %jit3A_1011 = arith.constant 1 : i32
      %select_n3A_1012 = arith.select %eq3A_1010, %jit3A_1011, %jit3A_1008 : i32
      %rem3A_1013 = arith.remsi %scan3A_148, %select_n3A_1012 : i32
      %ne3A_1014 = arith.constant 0 : i32
      %ne3A_1015 = arith.cmpi ne, %rem3A_1013, %ne3A_1014 : i32
      %lt3A_1016 = arith.constant 0 : i32
      %lt3A_1017 = arith.cmpi slt, %rem3A_1013, %lt3A_1016 : i32
      %lt3A_1018 = arith.constant 0 : i32
      %lt3A_1019 = arith.cmpi slt, %select_n3A_1012, %lt3A_1018 : i32
      %ne3A_1020 = arith.xori %lt3A_1017, %lt3A_1019 : i1
      %and3A_1021 = arith.andi %ne3A_1020, %ne3A_1015 : i1
      %add3A_1022 = arith.addi %rem3A_1013, %select_n3A_1012 : i32
      %select_n3A_1023 = arith.select %and3A_1021, %add3A_1022, %rem3A_1013 : i32
      %mul3A_1024 = arith.constant 16 : i32
      %mul3A_1025 = arith.muli %select_n3A_1023, %mul3A_1024 : i32
      %add3A_1026 = arith.constant 10 : i32
      %add3A_1027 = arith.addi %mul3A_1025, %add3A_1026 : i32
      %add3A_1028 = arith.constant 0 : i32
      %add3A_1029 = vector.broadcast %add3A_1028 : i32 to vector<16xi32>
      %add3A_1030 = arith.addi %iota3A, %add3A_1029 : vector<16xi32>
      %gather3A_1031 = tpu.vector_load_idx %arg8[%add3A_1030, %broadcast_in_dim3A_1007] : memref<64x128xf32, #tpu.memory_space<vmem>>[vector<16xi32>, vector<16xi32>], vector<16xf32>,
      %mul3A_1032 = arith.constant 64 : i32
      %mul3A_1033 = arith.muli %add3A_1027, %mul3A_1032 : i32
      %add3A_1034 = arith.constant 0 : i32
      %add3A_1035 = arith.addi %mul3A_1033, %add3A_1034 : i32
      %swap3A_1036 = arith.index_cast %add3A_1035 : i32 to index
      %swap3A_1037 = tpu.vector_load %arg14[%swap3A_1036] {strides = array<i32>} : memref<16384xf32, #tpu.memory_space<vmem>>, vector<16xf32>,
      tpu.vector_store %arg14[%swap3A_1036], %gather3A_1031 {strides = array<i32>} : memref<16384xf32, #tpu.memory_space<vmem>>, vector<16xf32>,
      %add3A_1038 = arith.constant 16 : i32
      %add3A_1039 = vector.broadcast %add3A_1038 : i32 to vector<16xi32>
      %add3A_1040 = arith.addi %iota3A, %add3A_1039 : vector<16xi32>
      %gather3A_1041 = tpu.vector_load_idx %arg8[%add3A_1040, %broadcast_in_dim3A_1007] : memref<64x128xf32, #tpu.memory_space<vmem>>[vector<16xi32>, vector<16xi32>], vector<16xf32>,
      %mul3A_1042 = arith.constant 64 : i32
      %mul3A_1043 = arith.muli %add3A_1027, %mul3A_1042 : i32
      %add3A_1044 = arith.constant 16 : i32
      %add3A_1045 = arith.addi %mul3A_1043, %add3A_1044 : i32
      %swap3A_1046 = arith.index_cast %add3A_1045 : i32 to index
      %swap3A_1047 = tpu.vector_load %arg14[%swap3A_1046] {strides = array<i32>} : memref<16384xf32, #tpu.memory_space<vmem>>, vector<16xf32>,
      tpu.vector_store %arg14[%swap3A_1046], %gather3A_1041 {strides = array<i32>} : memref<16384xf32, #tpu.memory_space<vmem>>, vector<16xf32>,
      %add3A_1048 = arith.constant 32 : i32
      %add3A_1049 = vector.broadcast %add3A_1048 : i32 to vector<16xi32>
      %add3A_1050 = arith.addi %iota3A, %add3A_1049 : vector<16xi32>
      %gather3A_1051 = tpu.vector_load_idx %arg8[%add3A_1050, %broadcast_in_dim3A_1007] : memref<64x128xf32, #tpu.memory_space<vmem>>[vector<16xi32>, vector<16xi32>], vector<16xf32>,
      %mul3A_1052 = arith.constant 64 : i32
      %mul3A_1053 = arith.muli %add3A_1027, %mul3A_1052 : i32
      %add3A_1054 = arith.constant 32 : i32
      %add3A_1055 = arith.addi %mul3A_1053, %add3A_1054 : i32
      %swap3A_1056 = arith.index_cast %add3A_1055 : i32 to index
      %swap3A_1057 = tpu.vector_load %arg14[%swap3A_1056] {strides = array<i32>} : memref<16384xf32, #tpu.memory_space<vmem>>, vector<16xf32>,
      tpu.vector_store %arg14[%swap3A_1056], %gather3A_1051 {strides = array<i32>} : memref<16384xf32, #tpu.memory_space<vmem>>, vector<16xf32>,
      %add3A_1058 = arith.constant 48 : i32
      %add3A_1059 = vector.broadcast %add3A_1058 : i32 to vector<16xi32>
      %add3A_1060 = arith.addi %iota3A, %add3A_1059 : vector<16xi32>
      %gather3A_1061 = tpu.vector_load_idx %arg8[%add3A_1060, %broadcast_in_dim3A_1007] : memref<64x128xf32, #tpu.memory_space<vmem>>[vector<16xi32>, vector<16xi32>], vector<16xf32>,
      %mul3A_1062 = arith.constant 64 : i32
      %mul3A_1063 = arith.muli %add3A_1027, %mul3A_1062 : i32
      %add3A_1064 = arith.constant 48 : i32
      %add3A_1065 = arith.addi %mul3A_1063, %add3A_1064 : i32
      %swap3A_1066 = arith.index_cast %add3A_1065 : i32 to index
      %swap3A_1067 = tpu.vector_load %arg14[%swap3A_1066] {strides = array<i32>} : memref<16384xf32, #tpu.memory_space<vmem>>, vector<16xf32>,
      tpu.vector_store %arg14[%swap3A_1066], %gather3A_1061 {strides = array<i32>} : memref<16384xf32, #tpu.memory_space<vmem>>, vector<16xf32>,
      %slice3A_1068 = vector.extract_strided_slice %mul3A_240 {offsets = [2], sizes = [1], strides = [1]} : vector<16xi32> to vector<1xi32>
      %squeeze3A_1069 = vector.extract %slice3A_1068[0] : i32 from vector<1xi32>
      %multiple_of3A_1070 = tpu.assume_multiple %squeeze3A_1069, 128 : i32
      %dma_start3A_1071 = arith.constant 0 : i32
      %dma_start3A_1072 = tpu.memref_slice %arg2[%dma_start3A_1071, %multiple_of3A_1070] : memref<64x1000000xf32, #tpu.memory_space<hbm>> -> memref<64x128xf32, #tpu.memory_space<hbm>>
      %dma_start3A_1073 = arith.constant 0 : i32
      %dma_start3A_1074 = tpu.memref_slice %arg2[%dma_start3A_1073, %multiple_of3A_1070] : memref<64x1000000xf32, #tpu.memory_space<hbm>> -> memref<64x128xf32, #tpu.memory_space<hbm>>
      tpu.enqueue_dma source(%dma_start3A_1074 : memref<64x128xf32, #tpu.memory_space<hbm>>) target(%arg8 : memref<64x128xf32, #tpu.memory_space<vmem>>) target_semaphore(%arg17 : memref<!tpu.dma_semaphore, #tpu.memory_space<semaphore_mem>>)
      %dma_wait3A_1075 = arith.constant 0 : i32
      %dma_wait3A_1076 = arith.constant 0 : i32
      %dma_wait3A_1077 = tpu.memref_slice %arg2[%dma_wait3A_1075, %dma_wait3A_1076] : memref<64x1000000xf32, #tpu.memory_space<hbm>> -> memref<64x128xf32, #tpu.memory_space<hbm>>
      %dma_wait3A_1078 = arith.constant 0 : i32
      %dma_wait3A_1079 = arith.constant 0 : i32
      %dma_wait3A_1080 = tpu.memref_slice %arg2[%dma_wait3A_1078, %dma_wait3A_1079] : memref<64x1000000xf32, #tpu.memory_space<hbm>> -> memref<64x128xf32, #tpu.memory_space<hbm>>
      tpu.wait_dma2 semaphore(%arg18 : memref<!tpu.dma_semaphore, #tpu.memory_space<semaphore_mem>>) src(%dma_wait3A_1080 : memref<64x128xf32, #tpu.memory_space<hbm>>) dst(%arg9 : memref<64x128xf32, #tpu.memory_space<vmem>>)
      %slice3A_1081 = vector.extract_strided_slice %sub3A_241 {offsets = [11], sizes = [1], strides = [1]} : vector<16xi32> to vector<1xi32>
      %squeeze3A_1082 = vector.extract %slice3A_1081[0] : i32 from vector<1xi32>
      %broadcast_in_dim3A_1083 = vector.broadcast %squeeze3A_1082 : i32 to vector<16xi32>
      %jit3A_1084 = arith.constant 16 : i32
      %eq3A_1085 = arith.constant 0 : i32
      %eq3A_1086 = arith.cmpi eq, %jit3A_1084, %eq3A_1085 : i32
      %jit3A_1087 = arith.constant 1 : i32
      %select_n3A_1088 = arith.select %eq3A_1086, %jit3A_1087, %jit3A_1084 : i32
      %rem3A_1089 = arith.remsi %scan3A_148, %select_n3A_1088 : i32
      %ne3A_1090 = arith.constant 0 : i32
      %ne3A_1091 = arith.cmpi ne, %rem3A_1089, %ne3A_1090 : i32
      %lt3A_1092 = arith.constant 0 : i32
      %lt3A_1093 = arith.cmpi slt, %rem3A_1089, %lt3A_1092 : i32
      %lt3A_1094 = arith.constant 0 : i32
      %lt3A_1095 = arith.cmpi slt, %select_n3A_1088, %lt3A_1094 : i32
      %ne3A_1096 = arith.xori %lt3A_1093, %lt3A_1095 : i1
      %and3A_1097 = arith.andi %ne3A_1096, %ne3A_1091 : i1
      %add3A_1098 = arith.addi %rem3A_1089, %select_n3A_1088 : i32
      %select_n3A_1099 = arith.select %and3A_1097, %add3A_1098, %rem3A_1089 : i32
      %mul3A_1100 = arith.constant 16 : i32
      %mul3A_1101 = arith.muli %select_n3A_1099, %mul3A_1100 : i32
      %add3A_1102 = arith.constant 11 : i32
      %add3A_1103 = arith.addi %mul3A_1101, %add3A_1102 : i32
      %add3A_1104 = arith.constant 0 : i32
      %add3A_1105 = vector.broadcast %add3A_1104 : i32 to vector<16xi32>
      %add3A_1106 = arith.addi %iota3A, %add3A_1105 : vector<16xi32>
      %gather3A_1107 = tpu.vector_load_idx %arg9[%add3A_1106, %broadcast_in_dim3A_1083] : memref<64x128xf32, #tpu.memory_space<vmem>>[vector<16xi32>, vector<16xi32>], vector<16xf32>,
      %mul3A_1108 = arith.constant 64 : i32
      %mul3A_1109 = arith.muli %add3A_1103, %mul3A_1108 : i32
      %add3A_1110 = arith.constant 0 : i32
      %add3A_1111 = arith.addi %mul3A_1109, %add3A_1110 : i32
      %swap3A_1112 = arith.index_cast %add3A_1111 : i32 to index
      %swap3A_1113 = tpu.vector_load %arg14[%swap3A_1112] {strides = array<i32>} : memref<16384xf32, #tpu.memory_space<vmem>>, vector<16xf32>,
      tpu.vector_store %arg14[%swap3A_1112], %gather3A_1107 {strides = array<i32>} : memref<16384xf32, #tpu.memory_space<vmem>>, vector<16xf32>,
      %add3A_1114 = arith.constant 16 : i32
      %add3A_1115 = vector.broadcast %add3A_1114 : i32 to vector<16xi32>
      %add3A_1116 = arith.addi %iota3A, %add3A_1115 : vector<16xi32>
      %gather3A_1117 = tpu.vector_load_idx %arg9[%add3A_1116, %broadcast_in_dim3A_1083] : memref<64x128xf32, #tpu.memory_space<vmem>>[vector<16xi32>, vector<16xi32>], vector<16xf32>,
      %mul3A_1118 = arith.constant 64 : i32
      %mul3A_1119 = arith.muli %add3A_1103, %mul3A_1118 : i32
      %add3A_1120 = arith.constant 16 : i32
      %add3A_1121 = arith.addi %mul3A_1119, %add3A_1120 : i32
      %swap3A_1122 = arith.index_cast %add3A_1121 : i32 to index
      %swap3A_1123 = tpu.vector_load %arg14[%swap3A_1122] {strides = array<i32>} : memref<16384xf32, #tpu.memory_space<vmem>>, vector<16xf32>,
      tpu.vector_store %arg14[%swap3A_1122], %gather3A_1117 {strides = array<i32>} : memref<16384xf32, #tpu.memory_space<vmem>>, vector<16xf32>,
      %add3A_1124 = arith.constant 32 : i32
      %add3A_1125 = vector.broadcast %add3A_1124 : i32 to vector<16xi32>
      %add3A_1126 = arith.addi %iota3A, %add3A_1125 : vector<16xi32>
      %gather3A_1127 = tpu.vector_load_idx %arg9[%add3A_1126, %broadcast_in_dim3A_1083] : memref<64x128xf32, #tpu.memory_space<vmem>>[vector<16xi32>, vector<16xi32>], vector<16xf32>,
      %mul3A_1128 = arith.constant 64 : i32
      %mul3A_1129 = arith.muli %add3A_1103, %mul3A_1128 : i32
      %add3A_1130 = arith.constant 32 : i32
      %add3A_1131 = arith.addi %mul3A_1129, %add3A_1130 : i32
      %swap3A_1132 = arith.index_cast %add3A_1131 : i32 to index
      %swap3A_1133 = tpu.vector_load %arg14[%swap3A_1132] {strides = array<i32>} : memref<16384xf32, #tpu.memory_space<vmem>>, vector<16xf32>,
      tpu.vector_store %arg14[%swap3A_1132], %gather3A_1127 {strides = array<i32>} : memref<16384xf32, #tpu.memory_space<vmem>>, vector<16xf32>,
      %add3A_1134 = arith.constant 48 : i32
      %add3A_1135 = vector.broadcast %add3A_1134 : i32 to vector<16xi32>
      %add3A_1136 = arith.addi %iota3A, %add3A_1135 : vector<16xi32>
      %gather3A_1137 = tpu.vector_load_idx %arg9[%add3A_1136, %broadcast_in_dim3A_1083] : memref<64x128xf32, #tpu.memory_space<vmem>>[vector<16xi32>, vector<16xi32>], vector<16xf32>,
      %mul3A_1138 = arith.constant 64 : i32
      %mul3A_1139 = arith.muli %add3A_1103, %mul3A_1138 : i32
      %add3A_1140 = arith.constant 48 : i32
      %add3A_1141 = arith.addi %mul3A_1139, %add3A_1140 : i32
      %swap3A_1142 = arith.index_cast %add3A_1141 : i32 to index
      %swap3A_1143 = tpu.vector_load %arg14[%swap3A_1142] {strides = array<i32>} : memref<16384xf32, #tpu.memory_space<vmem>>, vector<16xf32>,
      tpu.vector_store %arg14[%swap3A_1142], %gather3A_1137 {strides = array<i32>} : memref<16384xf32, #tpu.memory_space<vmem>>, vector<16xf32>,
      %slice3A_1144 = vector.extract_strided_slice %mul3A_240 {offsets = [3], sizes = [1], strides = [1]} : vector<16xi32> to vector<1xi32>
      %squeeze3A_1145 = vector.extract %slice3A_1144[0] : i32 from vector<1xi32>
      %multiple_of3A_1146 = tpu.assume_multiple %squeeze3A_1145, 128 : i32
      %dma_start3A_1147 = arith.constant 0 : i32
      %dma_start3A_1148 = tpu.memref_slice %arg2[%dma_start3A_1147, %multiple_of3A_1146] : memref<64x1000000xf32, #tpu.memory_space<hbm>> -> memref<64x128xf32, #tpu.memory_space<hbm>>
      %dma_start3A_1149 = arith.constant 0 : i32
      %dma_start3A_1150 = tpu.memref_slice %arg2[%dma_start3A_1149, %multiple_of3A_1146] : memref<64x1000000xf32, #tpu.memory_space<hbm>> -> memref<64x128xf32, #tpu.memory_space<hbm>>
      tpu.enqueue_dma source(%dma_start3A_1150 : memref<64x128xf32, #tpu.memory_space<hbm>>) target(%arg9 : memref<64x128xf32, #tpu.memory_space<vmem>>) target_semaphore(%arg18 : memref<!tpu.dma_semaphore, #tpu.memory_space<semaphore_mem>>)
      %dma_wait3A_1151 = arith.constant 0 : i32
      %dma_wait3A_1152 = arith.constant 0 : i32
      %dma_wait3A_1153 = tpu.memref_slice %arg2[%dma_wait3A_1151, %dma_wait3A_1152] : memref<64x1000000xf32, #tpu.memory_space<hbm>> -> memref<64x128xf32, #tpu.memory_space<hbm>>
      %dma_wait3A_1154 = arith.constant 0 : i32
      %dma_wait3A_1155 = arith.constant 0 : i32
      %dma_wait3A_1156 = tpu.memref_slice %arg2[%dma_wait3A_1154, %dma_wait3A_1155] : memref<64x1000000xf32, #tpu.memory_space<hbm>> -> memref<64x128xf32, #tpu.memory_space<hbm>>
      tpu.wait_dma2 semaphore(%arg19 : memref<!tpu.dma_semaphore, #tpu.memory_space<semaphore_mem>>) src(%dma_wait3A_1156 : memref<64x128xf32, #tpu.memory_space<hbm>>) dst(%arg10 : memref<64x128xf32, #tpu.memory_space<vmem>>)
      %slice3A_1157 = vector.extract_strided_slice %sub3A_241 {offsets = [12], sizes = [1], strides = [1]} : vector<16xi32> to vector<1xi32>
      %squeeze3A_1158 = vector.extract %slice3A_1157[0] : i32 from vector<1xi32>
      %broadcast_in_dim3A_1159 = vector.broadcast %squeeze3A_1158 : i32 to vector<16xi32>
      %jit3A_1160 = arith.constant 16 : i32
      %eq3A_1161 = arith.constant 0 : i32
      %eq3A_1162 = arith.cmpi eq, %jit3A_1160, %eq3A_1161 : i32
      %jit3A_1163 = arith.constant 1 : i32
      %select_n3A_1164 = arith.select %eq3A_1162, %jit3A_1163, %jit3A_1160 : i32
      %rem3A_1165 = arith.remsi %scan3A_148, %select_n3A_1164 : i32
      %ne3A_1166 = arith.constant 0 : i32
      %ne3A_1167 = arith.cmpi ne, %rem3A_1165, %ne3A_1166 : i32
      %lt3A_1168 = arith.constant 0 : i32
      %lt3A_1169 = arith.cmpi slt, %rem3A_1165, %lt3A_1168 : i32
      %lt3A_1170 = arith.constant 0 : i32
      %lt3A_1171 = arith.cmpi slt, %select_n3A_1164, %lt3A_1170 : i32
      %ne3A_1172 = arith.xori %lt3A_1169, %lt3A_1171 : i1
      %and3A_1173 = arith.andi %ne3A_1172, %ne3A_1167 : i1
      %add3A_1174 = arith.addi %rem3A_1165, %select_n3A_1164 : i32
      %select_n3A_1175 = arith.select %and3A_1173, %add3A_1174, %rem3A_1165 : i32
      %mul3A_1176 = arith.constant 16 : i32
      %mul3A_1177 = arith.muli %select_n3A_1175, %mul3A_1176 : i32
      %add3A_1178 = arith.constant 12 : i32
      %add3A_1179 = arith.addi %mul3A_1177, %add3A_1178 : i32
      %add3A_1180 = arith.constant 0 : i32
      %add3A_1181 = vector.broadcast %add3A_1180 : i32 to vector<16xi32>
      %add3A_1182 = arith.addi %iota3A, %add3A_1181 : vector<16xi32>
      %gather3A_1183 = tpu.vector_load_idx %arg10[%add3A_1182, %broadcast_in_dim3A_1159] : memref<64x128xf32, #tpu.memory_space<vmem>>[vector<16xi32>, vector<16xi32>], vector<16xf32>,
      %mul3A_1184 = arith.constant 64 : i32
      %mul3A_1185 = arith.muli %add3A_1179, %mul3A_1184 : i32
      %add3A_1186 = arith.constant 0 : i32
      %add3A_1187 = arith.addi %mul3A_1185, %add3A_1186 : i32
      %swap3A_1188 = arith.index_cast %add3A_1187 : i32 to index
      %swap3A_1189 = tpu.vector_load %arg14[%swap3A_1188] {strides = array<i32>} : memref<16384xf32, #tpu.memory_space<vmem>>, vector<16xf32>,
      tpu.vector_store %arg14[%swap3A_1188], %gather3A_1183 {strides = array<i32>} : memref<16384xf32, #tpu.memory_space<vmem>>, vector<16xf32>,
      %add3A_1190 = arith.constant 16 : i32
      %add3A_1191 = vector.broadcast %add3A_1190 : i32 to vector<16xi32>
      %add3A_1192 = arith.addi %iota3A, %add3A_1191 : vector<16xi32>
      %gather3A_1193 = tpu.vector_load_idx %arg10[%add3A_1192, %broadcast_in_dim3A_1159] : memref<64x128xf32, #tpu.memory_space<vmem>>[vector<16xi32>, vector<16xi32>], vector<16xf32>,
      %mul3A_1194 = arith.constant 64 : i32
      %mul3A_1195 = arith.muli %add3A_1179, %mul3A_1194 : i32
      %add3A_1196 = arith.constant 16 : i32
      %add3A_1197 = arith.addi %mul3A_1195, %add3A_1196 : i32
      %swap3A_1198 = arith.index_cast %add3A_1197 : i32 to index
      %swap3A_1199 = tpu.vector_load %arg14[%swap3A_1198] {strides = array<i32>} : memref<16384xf32, #tpu.memory_space<vmem>>, vector<16xf32>,
      tpu.vector_store %arg14[%swap3A_1198], %gather3A_1193 {strides = array<i32>} : memref<16384xf32, #tpu.memory_space<vmem>>, vector<16xf32>,
      %add3A_1200 = arith.constant 32 : i32
      %add3A_1201 = vector.broadcast %add3A_1200 : i32 to vector<16xi32>
      %add3A_1202 = arith.addi %iota3A, %add3A_1201 : vector<16xi32>
      %gather3A_1203 = tpu.vector_load_idx %arg10[%add3A_1202, %broadcast_in_dim3A_1159] : memref<64x128xf32, #tpu.memory_space<vmem>>[vector<16xi32>, vector<16xi32>], vector<16xf32>,
      %mul3A_1204 = arith.constant 64 : i32
      %mul3A_1205 = arith.muli %add3A_1179, %mul3A_1204 : i32
      %add3A_1206 = arith.constant 32 : i32
      %add3A_1207 = arith.addi %mul3A_1205, %add3A_1206 : i32
      %swap3A_1208 = arith.index_cast %add3A_1207 : i32 to index
      %swap3A_1209 = tpu.vector_load %arg14[%swap3A_1208] {strides = array<i32>} : memref<16384xf32, #tpu.memory_space<vmem>>, vector<16xf32>,
      tpu.vector_store %arg14[%swap3A_1208], %gather3A_1203 {strides = array<i32>} : memref<16384xf32, #tpu.memory_space<vmem>>, vector<16xf32>,
      %add3A_1210 = arith.constant 48 : i32
      %add3A_1211 = vector.broadcast %add3A_1210 : i32 to vector<16xi32>
      %add3A_1212 = arith.addi %iota3A, %add3A_1211 : vector<16xi32>
      %gather3A_1213 = tpu.vector_load_idx %arg10[%add3A_1212, %broadcast_in_dim3A_1159] : memref<64x128xf32, #tpu.memory_space<vmem>>[vector<16xi32>, vector<16xi32>], vector<16xf32>,
      %mul3A_1214 = arith.constant 64 : i32
      %mul3A_1215 = arith.muli %add3A_1179, %mul3A_1214 : i32
      %add3A_1216 = arith.constant 48 : i32
      %add3A_1217 = arith.addi %mul3A_1215, %add3A_1216 : i32
      %swap3A_1218 = arith.index_cast %add3A_1217 : i32 to index
      %swap3A_1219 = tpu.vector_load %arg14[%swap3A_1218] {strides = array<i32>} : memref<16384xf32, #tpu.memory_space<vmem>>, vector<16xf32>,
      tpu.vector_store %arg14[%swap3A_1218], %gather3A_1213 {strides = array<i32>} : memref<16384xf32, #tpu.memory_space<vmem>>, vector<16xf32>,
      %slice3A_1220 = vector.extract_strided_slice %mul3A_240 {offsets = [4], sizes = [1], strides = [1]} : vector<16xi32> to vector<1xi32>
      %squeeze3A_1221 = vector.extract %slice3A_1220[0] : i32 from vector<1xi32>
      %multiple_of3A_1222 = tpu.assume_multiple %squeeze3A_1221, 128 : i32
      %dma_start3A_1223 = arith.constant 0 : i32
      %dma_start3A_1224 = tpu.memref_slice %arg2[%dma_start3A_1223, %multiple_of3A_1222] : memref<64x1000000xf32, #tpu.memory_space<hbm>> -> memref<64x128xf32, #tpu.memory_space<hbm>>
      %dma_start3A_1225 = arith.constant 0 : i32
      %dma_start3A_1226 = tpu.memref_slice %arg2[%dma_start3A_1225, %multiple_of3A_1222] : memref<64x1000000xf32, #tpu.memory_space<hbm>> -> memref<64x128xf32, #tpu.memory_space<hbm>>
      tpu.enqueue_dma source(%dma_start3A_1226 : memref<64x128xf32, #tpu.memory_space<hbm>>) target(%arg10 : memref<64x128xf32, #tpu.memory_space<vmem>>) target_semaphore(%arg19 : memref<!tpu.dma_semaphore, #tpu.memory_space<semaphore_mem>>)
      %dma_wait3A_1227 = arith.constant 0 : i32
      %dma_wait3A_1228 = arith.constant 0 : i32
      %dma_wait3A_1229 = tpu.memref_slice %arg2[%dma_wait3A_1227, %dma_wait3A_1228] : memref<64x1000000xf32, #tpu.memory_space<hbm>> -> memref<64x128xf32, #tpu.memory_space<hbm>>
      %dma_wait3A_1230 = arith.constant 0 : i32
      %dma_wait3A_1231 = arith.constant 0 : i32
      %dma_wait3A_1232 = tpu.memref_slice %arg2[%dma_wait3A_1230, %dma_wait3A_1231] : memref<64x1000000xf32, #tpu.memory_space<hbm>> -> memref<64x128xf32, #tpu.memory_space<hbm>>
      tpu.wait_dma2 semaphore(%arg20 : memref<!tpu.dma_semaphore, #tpu.memory_space<semaphore_mem>>) src(%dma_wait3A_1232 : memref<64x128xf32, #tpu.memory_space<hbm>>) dst(%arg11 : memref<64x128xf32, #tpu.memory_space<vmem>>)
      %slice3A_1233 = vector.extract_strided_slice %sub3A_241 {offsets = [13], sizes = [1], strides = [1]} : vector<16xi32> to vector<1xi32>
      %squeeze3A_1234 = vector.extract %slice3A_1233[0] : i32 from vector<1xi32>
      %broadcast_in_dim3A_1235 = vector.broadcast %squeeze3A_1234 : i32 to vector<16xi32>
      %jit3A_1236 = arith.constant 16 : i32
      %eq3A_1237 = arith.constant 0 : i32
      %eq3A_1238 = arith.cmpi eq, %jit3A_1236, %eq3A_1237 : i32
      %jit3A_1239 = arith.constant 1 : i32
      %select_n3A_1240 = arith.select %eq3A_1238, %jit3A_1239, %jit3A_1236 : i32
      %rem3A_1241 = arith.remsi %scan3A_148, %select_n3A_1240 : i32
      %ne3A_1242 = arith.constant 0 : i32
      %ne3A_1243 = arith.cmpi ne, %rem3A_1241, %ne3A_1242 : i32
      %lt3A_1244 = arith.constant 0 : i32
      %lt3A_1245 = arith.cmpi slt, %rem3A_1241, %lt3A_1244 : i32
      %lt3A_1246 = arith.constant 0 : i32
      %lt3A_1247 = arith.cmpi slt, %select_n3A_1240, %lt3A_1246 : i32
      %ne3A_1248 = arith.xori %lt3A_1245, %lt3A_1247 : i1
      %and3A_1249 = arith.andi %ne3A_1248, %ne3A_1243 : i1
      %add3A_1250 = arith.addi %rem3A_1241, %select_n3A_1240 : i32
      %select_n3A_1251 = arith.select %and3A_1249, %add3A_1250, %rem3A_1241 : i32
      %mul3A_1252 = arith.constant 16 : i32
      %mul3A_1253 = arith.muli %select_n3A_1251, %mul3A_1252 : i32
      %add3A_1254 = arith.constant 13 : i32
      %add3A_1255 = arith.addi %mul3A_1253, %add3A_1254 : i32
      %add3A_1256 = arith.constant 0 : i32
      %add3A_1257 = vector.broadcast %add3A_1256 : i32 to vector<16xi32>
      %add3A_1258 = arith.addi %iota3A, %add3A_1257 : vector<16xi32>
      %gather3A_1259 = tpu.vector_load_idx %arg11[%add3A_1258, %broadcast_in_dim3A_1235] : memref<64x128xf32, #tpu.memory_space<vmem>>[vector<16xi32>, vector<16xi32>], vector<16xf32>,
      %mul3A_1260 = arith.constant 64 : i32
      %mul3A_1261 = arith.muli %add3A_1255, %mul3A_1260 : i32
      %add3A_1262 = arith.constant 0 : i32
      %add3A_1263 = arith.addi %mul3A_1261, %add3A_1262 : i32
      %swap3A_1264 = arith.index_cast %add3A_1263 : i32 to index
      %swap3A_1265 = tpu.vector_load %arg14[%swap3A_1264] {strides = array<i32>} : memref<16384xf32, #tpu.memory_space<vmem>>, vector<16xf32>,
      tpu.vector_store %arg14[%swap3A_1264], %gather3A_1259 {strides = array<i32>} : memref<16384xf32, #tpu.memory_space<vmem>>, vector<16xf32>,
      %add3A_1266 = arith.constant 16 : i32
      %add3A_1267 = vector.broadcast %add3A_1266 : i32 to vector<16xi32>
      %add3A_1268 = arith.addi %iota3A, %add3A_1267 : vector<16xi32>
      %gather3A_1269 = tpu.vector_load_idx %arg11[%add3A_1268, %broadcast_in_dim3A_1235] : memref<64x128xf32, #tpu.memory_space<vmem>>[vector<16xi32>, vector<16xi32>], vector<16xf32>,
      %mul3A_1270 = arith.constant 64 : i32
      %mul3A_1271 = arith.muli %add3A_1255, %mul3A_1270 : i32
      %add3A_1272 = arith.constant 16 : i32
      %add3A_1273 = arith.addi %mul3A_1271, %add3A_1272 : i32
      %swap3A_1274 = arith.index_cast %add3A_1273 : i32 to index
      %swap3A_1275 = tpu.vector_load %arg14[%swap3A_1274] {strides = array<i32>} : memref<16384xf32, #tpu.memory_space<vmem>>, vector<16xf32>,
      tpu.vector_store %arg14[%swap3A_1274], %gather3A_1269 {strides = array<i32>} : memref<16384xf32, #tpu.memory_space<vmem>>, vector<16xf32>,
      %add3A_1276 = arith.constant 32 : i32
      %add3A_1277 = vector.broadcast %add3A_1276 : i32 to vector<16xi32>
      %add3A_1278 = arith.addi %iota3A, %add3A_1277 : vector<16xi32>
      %gather3A_1279 = tpu.vector_load_idx %arg11[%add3A_1278, %broadcast_in_dim3A_1235] : memref<64x128xf32, #tpu.memory_space<vmem>>[vector<16xi32>, vector<16xi32>], vector<16xf32>,
      %mul3A_1280 = arith.constant 64 : i32
      %mul3A_1281 = arith.muli %add3A_1255, %mul3A_1280 : i32
      %add3A_1282 = arith.constant 32 : i32
      %add3A_1283 = arith.addi %mul3A_1281, %add3A_1282 : i32
      %swap3A_1284 = arith.index_cast %add3A_1283 : i32 to index
      %swap3A_1285 = tpu.vector_load %arg14[%swap3A_1284] {strides = array<i32>} : memref<16384xf32, #tpu.memory_space<vmem>>, vector<16xf32>,
      tpu.vector_store %arg14[%swap3A_1284], %gather3A_1279 {strides = array<i32>} : memref<16384xf32, #tpu.memory_space<vmem>>, vector<16xf32>,
      %add3A_1286 = arith.constant 48 : i32
      %add3A_1287 = vector.broadcast %add3A_1286 : i32 to vector<16xi32>
      %add3A_1288 = arith.addi %iota3A, %add3A_1287 : vector<16xi32>
      %gather3A_1289 = tpu.vector_load_idx %arg11[%add3A_1288, %broadcast_in_dim3A_1235] : memref<64x128xf32, #tpu.memory_space<vmem>>[vector<16xi32>, vector<16xi32>], vector<16xf32>,
      %mul3A_1290 = arith.constant 64 : i32
      %mul3A_1291 = arith.muli %add3A_1255, %mul3A_1290 : i32
      %add3A_1292 = arith.constant 48 : i32
      %add3A_1293 = arith.addi %mul3A_1291, %add3A_1292 : i32
      %swap3A_1294 = arith.index_cast %add3A_1293 : i32 to index
      %swap3A_1295 = tpu.vector_load %arg14[%swap3A_1294] {strides = array<i32>} : memref<16384xf32, #tpu.memory_space<vmem>>, vector<16xf32>,
      tpu.vector_store %arg14[%swap3A_1294], %gather3A_1289 {strides = array<i32>} : memref<16384xf32, #tpu.memory_space<vmem>>, vector<16xf32>,
      %slice3A_1296 = vector.extract_strided_slice %mul3A_240 {offsets = [5], sizes = [1], strides = [1]} : vector<16xi32> to vector<1xi32>
      %squeeze3A_1297 = vector.extract %slice3A_1296[0] : i32 from vector<1xi32>
      %multiple_of3A_1298 = tpu.assume_multiple %squeeze3A_1297, 128 : i32
      %dma_start3A_1299 = arith.constant 0 : i32
      %dma_start3A_1300 = tpu.memref_slice %arg2[%dma_start3A_1299, %multiple_of3A_1298] : memref<64x1000000xf32, #tpu.memory_space<hbm>> -> memref<64x128xf32, #tpu.memory_space<hbm>>
      %dma_start3A_1301 = arith.constant 0 : i32
      %dma_start3A_1302 = tpu.memref_slice %arg2[%dma_start3A_1301, %multiple_of3A_1298] : memref<64x1000000xf32, #tpu.memory_space<hbm>> -> memref<64x128xf32, #tpu.memory_space<hbm>>
      tpu.enqueue_dma source(%dma_start3A_1302 : memref<64x128xf32, #tpu.memory_space<hbm>>) target(%arg11 : memref<64x128xf32, #tpu.memory_space<vmem>>) target_semaphore(%arg20 : memref<!tpu.dma_semaphore, #tpu.memory_space<semaphore_mem>>)
      %dma_wait3A_1303 = arith.constant 0 : i32
      %dma_wait3A_1304 = arith.constant 0 : i32
      %dma_wait3A_1305 = tpu.memref_slice %arg2[%dma_wait3A_1303, %dma_wait3A_1304] : memref<64x1000000xf32, #tpu.memory_space<hbm>> -> memref<64x128xf32, #tpu.memory_space<hbm>>
      %dma_wait3A_1306 = arith.constant 0 : i32
      %dma_wait3A_1307 = arith.constant 0 : i32
      %dma_wait3A_1308 = tpu.memref_slice %arg2[%dma_wait3A_1306, %dma_wait3A_1307] : memref<64x1000000xf32, #tpu.memory_space<hbm>> -> memref<64x128xf32, #tpu.memory_space<hbm>>
      tpu.wait_dma2 semaphore(%arg21 : memref<!tpu.dma_semaphore, #tpu.memory_space<semaphore_mem>>) src(%dma_wait3A_1308 : memref<64x128xf32, #tpu.memory_space<hbm>>) dst(%arg12 : memref<64x128xf32, #tpu.memory_space<vmem>>)
      %slice3A_1309 = vector.extract_strided_slice %sub3A_241 {offsets = [14], sizes = [1], strides = [1]} : vector<16xi32> to vector<1xi32>
      %squeeze3A_1310 = vector.extract %slice3A_1309[0] : i32 from vector<1xi32>
      %broadcast_in_dim3A_1311 = vector.broadcast %squeeze3A_1310 : i32 to vector<16xi32>
      %jit3A_1312 = arith.constant 16 : i32
      %eq3A_1313 = arith.constant 0 : i32
      %eq3A_1314 = arith.cmpi eq, %jit3A_1312, %eq3A_1313 : i32
      %jit3A_1315 = arith.constant 1 : i32
      %select_n3A_1316 = arith.select %eq3A_1314, %jit3A_1315, %jit3A_1312 : i32
      %rem3A_1317 = arith.remsi %scan3A_148, %select_n3A_1316 : i32
      %ne3A_1318 = arith.constant 0 : i32
      %ne3A_1319 = arith.cmpi ne, %rem3A_1317, %ne3A_1318 : i32
      %lt3A_1320 = arith.constant 0 : i32
      %lt3A_1321 = arith.cmpi slt, %rem3A_1317, %lt3A_1320 : i32
      %lt3A_1322 = arith.constant 0 : i32
      %lt3A_1323 = arith.cmpi slt, %select_n3A_1316, %lt3A_1322 : i32
      %ne3A_1324 = arith.xori %lt3A_1321, %lt3A_1323 : i1
      %and3A_1325 = arith.andi %ne3A_1324, %ne3A_1319 : i1
      %add3A_1326 = arith.addi %rem3A_1317, %select_n3A_1316 : i32
      %select_n3A_1327 = arith.select %and3A_1325, %add3A_1326, %rem3A_1317 : i32
      %mul3A_1328 = arith.constant 16 : i32
      %mul3A_1329 = arith.muli %select_n3A_1327, %mul3A_1328 : i32
      %add3A_1330 = arith.constant 14 : i32
      %add3A_1331 = arith.addi %mul3A_1329, %add3A_1330 : i32
      %add3A_1332 = arith.constant 0 : i32
      %add3A_1333 = vector.broadcast %add3A_1332 : i32 to vector<16xi32>
      %add3A_1334 = arith.addi %iota3A, %add3A_1333 : vector<16xi32>
      %gather3A_1335 = tpu.vector_load_idx %arg12[%add3A_1334, %broadcast_in_dim3A_1311] : memref<64x128xf32, #tpu.memory_space<vmem>>[vector<16xi32>, vector<16xi32>], vector<16xf32>,
      %mul3A_1336 = arith.constant 64 : i32
      %mul3A_1337 = arith.muli %add3A_1331, %mul3A_1336 : i32
      %add3A_1338 = arith.constant 0 : i32
      %add3A_1339 = arith.addi %mul3A_1337, %add3A_1338 : i32
      %swap3A_1340 = arith.index_cast %add3A_1339 : i32 to index
      %swap3A_1341 = tpu.vector_load %arg14[%swap3A_1340] {strides = array<i32>} : memref<16384xf32, #tpu.memory_space<vmem>>, vector<16xf32>,
      tpu.vector_store %arg14[%swap3A_1340], %gather3A_1335 {strides = array<i32>} : memref<16384xf32, #tpu.memory_space<vmem>>, vector<16xf32>,
      %add3A_1342 = arith.constant 16 : i32
      %add3A_1343 = vector.broadcast %add3A_1342 : i32 to vector<16xi32>
      %add3A_1344 = arith.addi %iota3A, %add3A_1343 : vector<16xi32>
      %gather3A_1345 = tpu.vector_load_idx %arg12[%add3A_1344, %broadcast_in_dim3A_1311] : memref<64x128xf32, #tpu.memory_space<vmem>>[vector<16xi32>, vector<16xi32>], vector<16xf32>,
      %mul3A_1346 = arith.constant 64 : i32
      %mul3A_1347 = arith.muli %add3A_1331, %mul3A_1346 : i32
      %add3A_1348 = arith.constant 16 : i32
      %add3A_1349 = arith.addi %mul3A_1347, %add3A_1348 : i32
      %swap3A_1350 = arith.index_cast %add3A_1349 : i32 to index
      %swap3A_1351 = tpu.vector_load %arg14[%swap3A_1350] {strides = array<i32>} : memref<16384xf32, #tpu.memory_space<vmem>>, vector<16xf32>,
      tpu.vector_store %arg14[%swap3A_1350], %gather3A_1345 {strides = array<i32>} : memref<16384xf32, #tpu.memory_space<vmem>>, vector<16xf32>,
      %add3A_1352 = arith.constant 32 : i32
      %add3A_1353 = vector.broadcast %add3A_1352 : i32 to vector<16xi32>
      %add3A_1354 = arith.addi %iota3A, %add3A_1353 : vector<16xi32>
      %gather3A_1355 = tpu.vector_load_idx %arg12[%add3A_1354, %broadcast_in_dim3A_1311] : memref<64x128xf32, #tpu.memory_space<vmem>>[vector<16xi32>, vector<16xi32>], vector<16xf32>,
      %mul3A_1356 = arith.constant 64 : i32
      %mul3A_1357 = arith.muli %add3A_1331, %mul3A_1356 : i32
      %add3A_1358 = arith.constant 32 : i32
      %add3A_1359 = arith.addi %mul3A_1357, %add3A_1358 : i32
      %swap3A_1360 = arith.index_cast %add3A_1359 : i32 to index
      %swap3A_1361 = tpu.vector_load %arg14[%swap3A_1360] {strides = array<i32>} : memref<16384xf32, #tpu.memory_space<vmem>>, vector<16xf32>,
      tpu.vector_store %arg14[%swap3A_1360], %gather3A_1355 {strides = array<i32>} : memref<16384xf32, #tpu.memory_space<vmem>>, vector<16xf32>,
      %add3A_1362 = arith.constant 48 : i32
      %add3A_1363 = vector.broadcast %add3A_1362 : i32 to vector<16xi32>
      %add3A_1364 = arith.addi %iota3A, %add3A_1363 : vector<16xi32>
      %gather3A_1365 = tpu.vector_load_idx %arg12[%add3A_1364, %broadcast_in_dim3A_1311] : memref<64x128xf32, #tpu.memory_space<vmem>>[vector<16xi32>, vector<16xi32>], vector<16xf32>,
      %mul3A_1366 = arith.constant 64 : i32
      %mul3A_1367 = arith.muli %add3A_1331, %mul3A_1366 : i32
      %add3A_1368 = arith.constant 48 : i32
      %add3A_1369 = arith.addi %mul3A_1367, %add3A_1368 : i32
      %swap3A_1370 = arith.index_cast %add3A_1369 : i32 to index
      %swap3A_1371 = tpu.vector_load %arg14[%swap3A_1370] {strides = array<i32>} : memref<16384xf32, #tpu.memory_space<vmem>>, vector<16xf32>,
      tpu.vector_store %arg14[%swap3A_1370], %gather3A_1365 {strides = array<i32>} : memref<16384xf32, #tpu.memory_space<vmem>>, vector<16xf32>,
      %slice3A_1372 = vector.extract_strided_slice %mul3A_240 {offsets = [6], sizes = [1], strides = [1]} : vector<16xi32> to vector<1xi32>
      %squeeze3A_1373 = vector.extract %slice3A_1372[0] : i32 from vector<1xi32>
      %multiple_of3A_1374 = tpu.assume_multiple %squeeze3A_1373, 128 : i32
      %dma_start3A_1375 = arith.constant 0 : i32
      %dma_start3A_1376 = tpu.memref_slice %arg2[%dma_start3A_1375, %multiple_of3A_1374] : memref<64x1000000xf32, #tpu.memory_space<hbm>> -> memref<64x128xf32, #tpu.memory_space<hbm>>
      %dma_start3A_1377 = arith.constant 0 : i32
      %dma_start3A_1378 = tpu.memref_slice %arg2[%dma_start3A_1377, %multiple_of3A_1374] : memref<64x1000000xf32, #tpu.memory_space<hbm>> -> memref<64x128xf32, #tpu.memory_space<hbm>>
      tpu.enqueue_dma source(%dma_start3A_1378 : memref<64x128xf32, #tpu.memory_space<hbm>>) target(%arg12 : memref<64x128xf32, #tpu.memory_space<vmem>>) target_semaphore(%arg21 : memref<!tpu.dma_semaphore, #tpu.memory_space<semaphore_mem>>)
      %dma_wait3A_1379 = arith.constant 0 : i32
      %dma_wait3A_1380 = arith.constant 0 : i32
      %dma_wait3A_1381 = tpu.memref_slice %arg2[%dma_wait3A_1379, %dma_wait3A_1380] : memref<64x1000000xf32, #tpu.memory_space<hbm>> -> memref<64x128xf32, #tpu.memory_space<hbm>>
      %dma_wait3A_1382 = arith.constant 0 : i32
      %dma_wait3A_1383 = arith.constant 0 : i32
      %dma_wait3A_1384 = tpu.memref_slice %arg2[%dma_wait3A_1382, %dma_wait3A_1383] : memref<64x1000000xf32, #tpu.memory_space<hbm>> -> memref<64x128xf32, #tpu.memory_space<hbm>>
      tpu.wait_dma2 semaphore(%arg22 : memref<!tpu.dma_semaphore, #tpu.memory_space<semaphore_mem>>) src(%dma_wait3A_1384 : memref<64x128xf32, #tpu.memory_space<hbm>>) dst(%arg13 : memref<64x128xf32, #tpu.memory_space<vmem>>)
      %slice3A_1385 = vector.extract_strided_slice %sub3A_241 {offsets = [15], sizes = [1], strides = [1]} : vector<16xi32> to vector<1xi32>
      %squeeze3A_1386 = vector.extract %slice3A_1385[0] : i32 from vector<1xi32>
      %broadcast_in_dim3A_1387 = vector.broadcast %squeeze3A_1386 : i32 to vector<16xi32>
      %jit3A_1388 = arith.constant 16 : i32
      %eq3A_1389 = arith.constant 0 : i32
      %eq3A_1390 = arith.cmpi eq, %jit3A_1388, %eq3A_1389 : i32
      %jit3A_1391 = arith.constant 1 : i32
      %select_n3A_1392 = arith.select %eq3A_1390, %jit3A_1391, %jit3A_1388 : i32
      %rem3A_1393 = arith.remsi %scan3A_148, %select_n3A_1392 : i32
      %ne3A_1394 = arith.constant 0 : i32
      %ne3A_1395 = arith.cmpi ne, %rem3A_1393, %ne3A_1394 : i32
      %lt3A_1396 = arith.constant 0 : i32
      %lt3A_1397 = arith.cmpi slt, %rem3A_1393, %lt3A_1396 : i32
      %lt3A_1398 = arith.constant 0 : i32
      %lt3A_1399 = arith.cmpi slt, %select_n3A_1392, %lt3A_1398 : i32
      %ne3A_1400 = arith.xori %lt3A_1397, %lt3A_1399 : i1
      %and3A_1401 = arith.andi %ne3A_1400, %ne3A_1395 : i1
      %add3A_1402 = arith.addi %rem3A_1393, %select_n3A_1392 : i32
      %select_n3A_1403 = arith.select %and3A_1401, %add3A_1402, %rem3A_1393 : i32
      %mul3A_1404 = arith.constant 16 : i32
      %mul3A_1405 = arith.muli %select_n3A_1403, %mul3A_1404 : i32
      %add3A_1406 = arith.constant 15 : i32
      %add3A_1407 = arith.addi %mul3A_1405, %add3A_1406 : i32
      %add3A_1408 = arith.constant 0 : i32
      %add3A_1409 = vector.broadcast %add3A_1408 : i32 to vector<16xi32>
      %add3A_1410 = arith.addi %iota3A, %add3A_1409 : vector<16xi32>
      %gather3A_1411 = tpu.vector_load_idx %arg13[%add3A_1410, %broadcast_in_dim3A_1387] : memref<64x128xf32, #tpu.memory_space<vmem>>[vector<16xi32>, vector<16xi32>], vector<16xf32>,
      %mul3A_1412 = arith.constant 64 : i32
      %mul3A_1413 = arith.muli %add3A_1407, %mul3A_1412 : i32
      %add3A_1414 = arith.constant 0 : i32
      %add3A_1415 = arith.addi %mul3A_1413, %add3A_1414 : i32
      %swap3A_1416 = arith.index_cast %add3A_1415 : i32 to index
      %swap3A_1417 = tpu.vector_load %arg14[%swap3A_1416] {strides = array<i32>} : memref<16384xf32, #tpu.memory_space<vmem>>, vector<16xf32>,
      tpu.vector_store %arg14[%swap3A_1416], %gather3A_1411 {strides = array<i32>} : memref<16384xf32, #tpu.memory_space<vmem>>, vector<16xf32>,
      %add3A_1418 = arith.constant 16 : i32
      %add3A_1419 = vector.broadcast %add3A_1418 : i32 to vector<16xi32>
      %add3A_1420 = arith.addi %iota3A, %add3A_1419 : vector<16xi32>
      %gather3A_1421 = tpu.vector_load_idx %arg13[%add3A_1420, %broadcast_in_dim3A_1387] : memref<64x128xf32, #tpu.memory_space<vmem>>[vector<16xi32>, vector<16xi32>], vector<16xf32>,
      %mul3A_1422 = arith.constant 64 : i32
      %mul3A_1423 = arith.muli %add3A_1407, %mul3A_1422 : i32
      %add3A_1424 = arith.constant 16 : i32
      %add3A_1425 = arith.addi %mul3A_1423, %add3A_1424 : i32
      %swap3A_1426 = arith.index_cast %add3A_1425 : i32 to index
      %swap3A_1427 = tpu.vector_load %arg14[%swap3A_1426] {strides = array<i32>} : memref<16384xf32, #tpu.memory_space<vmem>>, vector<16xf32>,
      tpu.vector_store %arg14[%swap3A_1426], %gather3A_1421 {strides = array<i32>} : memref<16384xf32, #tpu.memory_space<vmem>>, vector<16xf32>,
      %add3A_1428 = arith.constant 32 : i32
      %add3A_1429 = vector.broadcast %add3A_1428 : i32 to vector<16xi32>
      %add3A_1430 = arith.addi %iota3A, %add3A_1429 : vector<16xi32>
      %gather3A_1431 = tpu.vector_load_idx %arg13[%add3A_1430, %broadcast_in_dim3A_1387] : memref<64x128xf32, #tpu.memory_space<vmem>>[vector<16xi32>, vector<16xi32>], vector<16xf32>,
      %mul3A_1432 = arith.constant 64 : i32
      %mul3A_1433 = arith.muli %add3A_1407, %mul3A_1432 : i32
      %add3A_1434 = arith.constant 32 : i32
      %add3A_1435 = arith.addi %mul3A_1433, %add3A_1434 : i32
      %swap3A_1436 = arith.index_cast %add3A_1435 : i32 to index
      %swap3A_1437 = tpu.vector_load %arg14[%swap3A_1436] {strides = array<i32>} : memref<16384xf32, #tpu.memory_space<vmem>>, vector<16xf32>,
      tpu.vector_store %arg14[%swap3A_1436], %gather3A_1431 {strides = array<i32>} : memref<16384xf32, #tpu.memory_space<vmem>>, vector<16xf32>,
      %add3A_1438 = arith.constant 48 : i32
      %add3A_1439 = vector.broadcast %add3A_1438 : i32 to vector<16xi32>
      %add3A_1440 = arith.addi %iota3A, %add3A_1439 : vector<16xi32>
      %gather3A_1441 = tpu.vector_load_idx %arg13[%add3A_1440, %broadcast_in_dim3A_1387] : memref<64x128xf32, #tpu.memory_space<vmem>>[vector<16xi32>, vector<16xi32>], vector<16xf32>,
      %mul3A_1442 = arith.constant 64 : i32
      %mul3A_1443 = arith.muli %add3A_1407, %mul3A_1442 : i32
      %add3A_1444 = arith.constant 48 : i32
      %add3A_1445 = arith.addi %mul3A_1443, %add3A_1444 : i32
      %swap3A_1446 = arith.index_cast %add3A_1445 : i32 to index
      %swap3A_1447 = tpu.vector_load %arg14[%swap3A_1446] {strides = array<i32>} : memref<16384xf32, #tpu.memory_space<vmem>>, vector<16xf32>,
      tpu.vector_store %arg14[%swap3A_1446], %gather3A_1441 {strides = array<i32>} : memref<16384xf32, #tpu.memory_space<vmem>>, vector<16xf32>,
      %slice3A_1448 = vector.extract_strided_slice %mul3A_240 {offsets = [7], sizes = [1], strides = [1]} : vector<16xi32> to vector<1xi32>
      %squeeze3A_1449 = vector.extract %slice3A_1448[0] : i32 from vector<1xi32>
      %multiple_of3A_1450 = tpu.assume_multiple %squeeze3A_1449, 128 : i32
      %dma_start3A_1451 = arith.constant 0 : i32
      %dma_start3A_1452 = tpu.memref_slice %arg2[%dma_start3A_1451, %multiple_of3A_1450] : memref<64x1000000xf32, #tpu.memory_space<hbm>> -> memref<64x128xf32, #tpu.memory_space<hbm>>
      %dma_start3A_1453 = arith.constant 0 : i32
      %dma_start3A_1454 = tpu.memref_slice %arg2[%dma_start3A_1453, %multiple_of3A_1450] : memref<64x1000000xf32, #tpu.memory_space<hbm>> -> memref<64x128xf32, #tpu.memory_space<hbm>>
      tpu.enqueue_dma source(%dma_start3A_1454 : memref<64x128xf32, #tpu.memory_space<hbm>>) target(%arg13 : memref<64x128xf32, #tpu.memory_space<vmem>>) target_semaphore(%arg22 : memref<!tpu.dma_semaphore, #tpu.memory_space<semaphore_mem>>)
    }
    %scan3A_96 = arith.constant 16 : i32
    %add3A_97 = arith.constant 256 : i32
    %add3A_98 = arith.addi %mul3A_2, %add3A_97 : i32
    %mul3A_99 = arith.constant 64 : i32
    %mul3A_100 = arith.muli %add3A_98, %mul3A_99 : i32
    "tpu.region"() ({
      %run_scoped3A = tpu.sem_alloc : memref<!tpu.dma_semaphore, #tpu.memory_space<semaphore_mem>>
      %dma_start3A_148 = tpu.memref_slice %arg4[%mul3A_100] : memref<1048576xf32, #tpu.memory_space<hbm>> -> memref<16384xf32, #tpu.memory_space<hbm>>
      %dma_start3A_149 = tpu.memref_slice %arg4[%mul3A_100] : memref<1048576xf32, #tpu.memory_space<hbm>> -> memref<16384xf32, #tpu.memory_space<hbm>>
      tpu.enqueue_dma source(%arg14 : memref<16384xf32, #tpu.memory_space<vmem>>) target(%dma_start3A_149 : memref<16384xf32, #tpu.memory_space<hbm>>) target_semaphore(%run_scoped3A : memref<!tpu.dma_semaphore, #tpu.memory_space<semaphore_mem>>)
      %dma_wait3A_150 = tpu.memref_slice %arg4[%mul3A_100] : memref<1048576xf32, #tpu.memory_space<hbm>> -> memref<16384xf32, #tpu.memory_space<hbm>>
      %dma_wait3A_151 = tpu.memref_slice %arg4[%mul3A_100] : memref<1048576xf32, #tpu.memory_space<hbm>> -> memref<16384xf32, #tpu.memory_space<hbm>>
      tpu.wait_dma2 semaphore(%run_scoped3A : memref<!tpu.dma_semaphore, #tpu.memory_space<semaphore_mem>>) src(%arg14 : memref<16384xf32, #tpu.memory_space<vmem>>) dst(%dma_wait3A_151 : memref<16384xf32, #tpu.memory_space<hbm>>)
      tpu.yield
    }) : () -> ()
    %dma_wait3A = arith.constant 0 : i32
    %dma_wait3A_101 = arith.constant 0 : i32
    %dma_wait3A_102 = tpu.memref_slice %arg2[%dma_wait3A, %dma_wait3A_101] : memref<64x1000000xf32, #tpu.memory_space<hbm>> -> memref<64x128xf32, #tpu.memory_space<hbm>>
    %dma_wait3A_103 = arith.constant 0 : i32
    %dma_wait3A_104 = arith.constant 0 : i32
    %dma_wait3A_105 = tpu.memref_slice %arg2[%dma_wait3A_103, %dma_wait3A_104] : memref<64x1000000xf32, #tpu.memory_space<hbm>> -> memref<64x128xf32, #tpu.memory_space<hbm>>
    tpu.wait_dma2 semaphore(%arg15 : memref<!tpu.dma_semaphore, #tpu.memory_space<semaphore_mem>>) src(%dma_wait3A_105 : memref<64x128xf32, #tpu.memory_space<hbm>>) dst(%arg6 : memref<64x128xf32, #tpu.memory_space<vmem>>)
    %dma_wait3A_106 = arith.constant 0 : i32
    %dma_wait3A_107 = arith.constant 0 : i32
    %dma_wait3A_108 = tpu.memref_slice %arg2[%dma_wait3A_106, %dma_wait3A_107] : memref<64x1000000xf32, #tpu.memory_space<hbm>> -> memref<64x128xf32, #tpu.memory_space<hbm>>
    %dma_wait3A_109 = arith.constant 0 : i32
    %dma_wait3A_110 = arith.constant 0 : i32
    %dma_wait3A_111 = tpu.memref_slice %arg2[%dma_wait3A_109, %dma_wait3A_110] : memref<64x1000000xf32, #tpu.memory_space<hbm>> -> memref<64x128xf32, #tpu.memory_space<hbm>>
    tpu.wait_dma2 semaphore(%arg16 : memref<!tpu.dma_semaphore, #tpu.memory_space<semaphore_mem>>) src(%dma_wait3A_111 : memref<64x128xf32, #tpu.memory_space<hbm>>) dst(%arg7 : memref<64x128xf32, #tpu.memory_space<vmem>>)
    %dma_wait3A_112 = arith.constant 0 : i32
    %dma_wait3A_113 = arith.constant 0 : i32
    %dma_wait3A_114 = tpu.memref_slice %arg2[%dma_wait3A_112, %dma_wait3A_113] : memref<64x1000000xf32, #tpu.memory_space<hbm>> -> memref<64x128xf32, #tpu.memory_space<hbm>>
    %dma_wait3A_115 = arith.constant 0 : i32
    %dma_wait3A_116 = arith.constant 0 : i32
    %dma_wait3A_117 = tpu.memref_slice %arg2[%dma_wait3A_115, %dma_wait3A_116] : memref<64x1000000xf32, #tpu.memory_space<hbm>> -> memref<64x128xf32, #tpu.memory_space<hbm>>
    tpu.wait_dma2 semaphore(%arg17 : memref<!tpu.dma_semaphore, #tpu.memory_space<semaphore_mem>>) src(%dma_wait3A_117 : memref<64x128xf32, #tpu.memory_space<hbm>>) dst(%arg8 : memref<64x128xf32, #tpu.memory_space<vmem>>)
    %dma_wait3A_118 = arith.constant 0 : i32
    %dma_wait3A_119 = arith.constant 0 : i32
    %dma_wait3A_120 = tpu.memref_slice %arg2[%dma_wait3A_118, %dma_wait3A_119] : memref<64x1000000xf32, #tpu.memory_space<hbm>> -> memref<64x128xf32, #tpu.memory_space<hbm>>
    %dma_wait3A_121 = arith.constant 0 : i32
    %dma_wait3A_122 = arith.constant 0 : i32
    %dma_wait3A_123 = tpu.memref_slice %arg2[%dma_wait3A_121, %dma_wait3A_122] : memref<64x1000000xf32, #tpu.memory_space<hbm>> -> memref<64x128xf32, #tpu.memory_space<hbm>>
    tpu.wait_dma2 semaphore(%arg18 : memref<!tpu.dma_semaphore, #tpu.memory_space<semaphore_mem>>) src(%dma_wait3A_123 : memref<64x128xf32, #tpu.memory_space<hbm>>) dst(%arg9 : memref<64x128xf32, #tpu.memory_space<vmem>>)
    %dma_wait3A_124 = arith.constant 0 : i32
    %dma_wait3A_125 = arith.constant 0 : i32
    %dma_wait3A_126 = tpu.memref_slice %arg2[%dma_wait3A_124, %dma_wait3A_125] : memref<64x1000000xf32, #tpu.memory_space<hbm>> -> memref<64x128xf32, #tpu.memory_space<hbm>>
    %dma_wait3A_127 = arith.constant 0 : i32
    %dma_wait3A_128 = arith.constant 0 : i32
    %dma_wait3A_129 = tpu.memref_slice %arg2[%dma_wait3A_127, %dma_wait3A_128] : memref<64x1000000xf32, #tpu.memory_space<hbm>> -> memref<64x128xf32, #tpu.memory_space<hbm>>
    tpu.wait_dma2 semaphore(%arg19 : memref<!tpu.dma_semaphore, #tpu.memory_space<semaphore_mem>>) src(%dma_wait3A_129 : memref<64x128xf32, #tpu.memory_space<hbm>>) dst(%arg10 : memref<64x128xf32, #tpu.memory_space<vmem>>)
    %dma_wait3A_130 = arith.constant 0 : i32
    %dma_wait3A_131 = arith.constant 0 : i32
    %dma_wait3A_132 = tpu.memref_slice %arg2[%dma_wait3A_130, %dma_wait3A_131] : memref<64x1000000xf32, #tpu.memory_space<hbm>> -> memref<64x128xf32, #tpu.memory_space<hbm>>
    %dma_wait3A_133 = arith.constant 0 : i32
    %dma_wait3A_134 = arith.constant 0 : i32
    %dma_wait3A_135 = tpu.memref_slice %arg2[%dma_wait3A_133, %dma_wait3A_134] : memref<64x1000000xf32, #tpu.memory_space<hbm>> -> memref<64x128xf32, #tpu.memory_space<hbm>>
    tpu.wait_dma2 semaphore(%arg20 : memref<!tpu.dma_semaphore, #tpu.memory_space<semaphore_mem>>) src(%dma_wait3A_135 : memref<64x128xf32, #tpu.memory_space<hbm>>) dst(%arg11 : memref<64x128xf32, #tpu.memory_space<vmem>>)
    %dma_wait3A_136 = arith.constant 0 : i32
    %dma_wait3A_137 = arith.constant 0 : i32
    %dma_wait3A_138 = tpu.memref_slice %arg2[%dma_wait3A_136, %dma_wait3A_137] : memref<64x1000000xf32, #tpu.memory_space<hbm>> -> memref<64x128xf32, #tpu.memory_space<hbm>>
    %dma_wait3A_139 = arith.constant 0 : i32
    %dma_wait3A_140 = arith.constant 0 : i32
    %dma_wait3A_141 = tpu.memref_slice %arg2[%dma_wait3A_139, %dma_wait3A_140] : memref<64x1000000xf32, #tpu.memory_space<hbm>> -> memref<64x128xf32, #tpu.memory_space<hbm>>
    tpu.wait_dma2 semaphore(%arg21 : memref<!tpu.dma_semaphore, #tpu.memory_space<semaphore_mem>>) src(%dma_wait3A_141 : memref<64x128xf32, #tpu.memory_space<hbm>>) dst(%arg12 : memref<64x128xf32, #tpu.memory_space<vmem>>)
    %dma_wait3A_142 = arith.constant 0 : i32
    %dma_wait3A_143 = arith.constant 0 : i32
    %dma_wait3A_144 = tpu.memref_slice %arg2[%dma_wait3A_142, %dma_wait3A_143] : memref<64x1000000xf32, #tpu.memory_space<hbm>> -> memref<64x128xf32, #tpu.memory_space<hbm>>
    %dma_wait3A_145 = arith.constant 0 : i32
    %dma_wait3A_146 = arith.constant 0 : i32
    %dma_wait3A_147 = tpu.memref_slice %arg2[%dma_wait3A_145, %dma_wait3A_146] : memref<64x1000000xf32, #tpu.memory_space<hbm>> -> memref<64x128xf32, #tpu.memory_space<hbm>>
    tpu.wait_dma2 semaphore(%arg22 : memref<!tpu.dma_semaphore, #tpu.memory_space<semaphore_mem>>) src(%dma_wait3A_147 : memref<64x128xf32, #tpu.memory_space<hbm>>) dst(%arg13 : memref<64x128xf32, #tpu.memory_space<vmem>>)
    return
  }
}

</mosaic_0001>

<sc_bundles>
// kernel: kernel.3.cloned.1.call-start
scs
__scs_entry_jumppad:
0x0: {  	(pc) =	sbr.rel $0x88, $3  }
0x1: {  	(tag) =	ssettag $0x0;
	lr =	simm.s32 $0x1  }
0x2: {  	[smem:$0x3F9F] =	sst lr;
	_ =	strace $0xD0000000  }
0x3: {  	_ = 	snop  }
0x4: {  	_ = 	snop  }
0x5: {  	_ = 	snop  }
0x6: {  	_ = 	snop  }
0x7: {  	_ = 	snop  }
__scs_overlays_trampoline_lowered:
0x8: {  	[smem:$0x3FAE] =	sst s0  }
0x9: {  	[smem:$0x3FAF] =	sst s1  }
0xa: {  	[smem:$0x3FB0] =	sst s2  }
0xb: {  	[smem:$0x3FB1] =	sst s3  }
0xc: {  	[smem:$0x3FB2] =	sst s4  }
0xd: {  	[smem:$0x3FB3] =	sst s5  }
0xe: {  	[smem:$0x3FB4] =	sst s6  }
0xf: {  	[smem:$0x3FB5] =	sst s7  }
0x10: {  	[smem:$0x3FB6] =	sst s8  }
0x11: {  	[smem:$0x3FB7] =	sst s9;
	s0 =	simm.s32 @!p0 $0x0  }
0x12: {  	s1 =	sld [smem:$0x3F9D];
	s0 =	simm.s32 @p0 $0x1  }
0x13: {  	[smem:$0x3FB8] =	sst s0;
	s0 =	simm.s32 @!p1 $0x0  }
0x14: {  	s2 =	sld [smem:$0x3F9C];
	s0 =	simm.s32 @p1 $0x1  }
0x15: {  	[smem:$0x3FB9] =	sst s0;
	s0 =	simm.s32 @!p2 $0x0  }
0x16: {  	s3 =	sld [smem:$0x3FDB];
	s0 =	simm.s32 @p2 $0x1  }
0x17: {  	s4 =	simm.s32 $0x1BF5;
	[smem:$0x3FBB] =	sst s0  }
0x18: {  	s0 =	sld [smem:$0x3F9E];
	_ =	swait.ge [sflag:s4], $0x0  }
0x19: {  	s7 =	sld [smem:$0x3F9F]  }
0x1a: {  	s8 =	sadd.s32 $0xFFFFE003, lr  }
0x1b: {  	s9 =	sadd.s32 $0xFFFFFEF7, lr;
	s5 =	simm.s32 $0xFFFFFFFF;
	p2 =	slt.u32 s8, $0xFFFFF086  }
0x1c: {  	p1 =	slt.u32 s9, $0xF7A;
	s5 =	simm.s32 @!p2 $0x0  }
0x1d: {  	s5 =	simm.s32 @p1 $0x1;
	p0 =	seq.s32 s7, s2  }
0x1e: {  	s7 =	smul.u32 @!p0 $0xF7A, s2;
	p2 =	seq.s32 @!p0 s5, $0x0  }
0x1f: {  	s9 =	smul.u32 $0xF7A, s1;
	s8 =	simm.s32 @!p0 $0x1BF5;
	p2 =	por !p2, p0  }
0x20: {  	[sflag:s8] =	ssyncset.s32 @!p0 $0xFFFFF086;
	s6 =	sadd.s32 @!p0 s3, s7;
	s7 =	simm.s32 @!p0 $0x108  }
0x21: {  	s3 =	sadd.s32 s3, s9;
	s6 =	sadd.s32 @!p0 $0x88, s6;
	s7 =	simm.s32 @p2 $0x1082  }
0x22: {  	[simem:s7], [sflag:s8] =	dma.local @!p0 [hbm:s6], $0xF7A  }
0x23: {  	s9 =	sor.u32 $0xD0000000, s2;
	s6 =	simm.s32 $0x108;
	_ =	swait.ge @!p0 [sflag:s8], $0x0  }
0x24: {  	s3 =	sadd.s32 $0x88, s3;
	s6 =	simm.s32 @!p1 $0x1082;
	[sflag:s4] =	ssyncset.s32 $0xFFFFF086  }
0x25: {  	[simem:s6], [sflag:s4] =	dma.local [hbm:s3], $0xF7A  }
0x26: {  	[smem:$0x3F9F] =	sst s1;
	(tag) =	ssettag s2;
	_ =	strace s9  }
0x27: {  	s1 =	sld [smem:$0x3FAF]  }
0x28: {  	s2 =	sld [smem:$0x3FB0]  }
0x29: {  	s4 =	sld [smem:$0x3FB2]  }
0x2a: {  	p0 =	seq.s32 s5, $0x0;
	s5 =	sld [smem:$0x3FB3]  }
0x2b: {  	s6 =	sld [smem:$0x3FB4]  }
0x2c: {  	s7 =	sld [smem:$0x3FB5]  }
0x2d: {  	s3 =	simm.s32 $0x108;
	s8 =	sld [smem:$0x3FB6]  }
0x2e: {  	s3 =	simm.s32 @!p0 $0x1082;
	s9 =	sld [smem:$0x3FB7]  }
0x2f: {  	lr =	sadd.s32 s0, s3;
	s0 =	sld [smem:$0x3FAE]  }
0x30: {  	s3 =	sld [smem:$0x3FB1]  }
0x31: {  	[smem:$0x3FBA] =	sst s10  }
0x32: {  	s10 =	sld [smem:$0x3FB8];
	_ =	sdelay $0x3  }
0x33: {  	p0 =	seq.s32 s10, $0x1;
	s10 =	sld [smem:$0x3FBA];
	_ =	sdelay $0x3  }
0x34: {  	[smem:$0x3FBA] =	sst s10  }
0x35: {  	s10 =	sld [smem:$0x3FB9];
	_ =	sdelay $0x3  }
0x36: {  	p1 =	seq.s32 s10, $0x1;
	s10 =	sld [smem:$0x3FBA];
	_ =	sdelay $0x3  }
0x37: {  	[smem:$0x3FBA] =	sst s10  }
0x38: {  	s10 =	sld [smem:$0x3FBB]  }
0x39: {  	_ = 	snop;
	(pc) =	sbr.ind lr, $3  }
0x3a: {  	_ = 	snop  }
0x3b: {  	_ = 	snop  }
0x3c: {  	p2 =	seq.s32 s10, $0x1;
	s10 =	sld [smem:$0x3FBA]  }
0x3d: {  	_ =	shalt  }
0x3e: {  	_ =	shalt  }
0x3f: {  	_ =	shalt  }
0x40: {  	_ =	shalt  }
0x41: {  	_ =	shalt  }
0x42: {  	_ =	shalt  }
0x43: {  	_ =	shalt  }
0x44: {  	_ =	shalt  }
0x45: {  	_ =	shalt  }
0x46: {  	_ =	shalt  }
0x47: {  	_ =	shalt  }
0x48: {  	_ =	shalt  }
0x49: {  	_ =	shalt  }
0x4a: {  	_ =	shalt  }
0x4b: {  	_ =	shalt  }
0x4c: {  	_ =	shalt  }
0x4d: {  	_ =	shalt  }
0x4e: {  	_ =	shalt  }
0x4f: {  	_ =	shalt  }
0x50: {  	_ =	shalt  }
0x51: {  	_ =	shalt  }
0x52: {  	_ =	shalt  }
0x53: {  	_ =	shalt  }
0x54: {  	_ =	shalt  }
0x55: {  	_ =	shalt  }
0x56: {  	_ =	shalt  }
0x57: {  	_ =	shalt  }
0x58: {  	_ =	shalt  }
0x59: {  	_ =	shalt  }
0x5a: {  	_ =	shalt  }
0x5b: {  	_ =	shalt  }
0x5c: {  	_ =	shalt  }
0x5d: {  	_ =	shalt  }
0x5e: {  	_ =	shalt  }
0x5f: {  	_ =	shalt  }
0x60: {  	_ =	shalt  }
0x61: {  	_ =	shalt  }
0x62: {  	_ =	shalt  }
0x63: {  	_ =	shalt  }
0x64: {  	_ =	shalt  }
0x65: {  	_ =	shalt  }
0x66: {  	_ =	shalt  }
0x67: {  	_ =	shalt  }
0x68: {  	_ =	shalt  }
0x69: {  	_ =	shalt  }
0x6a: {  	_ =	shalt  }
0x6b: {  	_ =	shalt  }
0x6c: {  	_ =	shalt  }
0x6d: {  	_ =	shalt  }
0x6e: {  	_ =	shalt  }
0x6f: {  	_ =	shalt  }
0x70: {  	_ =	shalt  }
0x71: {  	_ =	shalt  }
0x72: {  	_ =	shalt  }
0x73: {  	_ =	shalt  }
0x74: {  	_ =	shalt  }
0x75: {  	_ =	shalt  }
0x76: {  	_ =	shalt  }
0x77: {  	_ =	shalt  }
0x78: {  	_ =	shalt  }
0x79: {  	_ =	shalt  }
0x7a: {  	_ =	shalt  }
0x7b: {  	_ =	shalt  }
0x7c: {  	_ =	shalt  }
0x7d: {  	_ =	shalt  }
0x7e: {  	_ =	shalt  }
0x7f: {  	_ =	shalt  }
0x80: {  	_ =	shalt  }
0x81: {  	_ =	shalt  }
0x82: {  	_ =	shalt  }
0x83: {  	_ =	shalt  }
0x84: {  	_ =	shalt  }
0x85: {  	_ =	shalt  }
0x86: {  	_ =	shalt  }
0x87: {  	_ =	shalt  }
.Lfunc_end0:
.L_simem_size_0:
called_computation_lowered:
.L_overlay_start_0:
0x88: {  	s2 =	sld [smem:$0x3FD9]  }
0x89: {  	s3 =	sld [smem:$0x3FFE];
	_ =	sdelay $0x1  }
0x8a: {  	s1 =	srdreg.scid  }
0x8b: {  	s0 =	sand.u32 $0x1, s1  }
0x8c: {  	s18 =	sshll.u32 s0, $0xA;
	s2 =	sadd.s32 s3, s2  }
0x8d: {  	s2 =	sadd.s32 s2, s18  }
0x8e: {  	[smem:$0x3FC6] =	sst s2  }
0x8f: {  	_ = 	snop  }
0x90: {  	s2 =	sld [smem:$0x3FC9]  }
0x91: {  	s19 =	sld [smem:$0x3FC8]  }
0x92: {  	s4 =	sld [smem:$0x3FD0];
	(tm) =	ssettm $0x1  }
0x93: {  	s5 =	sld [smem:$0x3FFB];
	_ =	sdelay $0x3  }
0x94: {  	_ =	strace s5  }
0x95: {  	s5 =	sld [smem:$0x3FFC];
	_ =	sdelay $0x3  }
0x96: {  	_ =	strace s5  }
0x97: {  	s5 =	sld [smem:$0x3FFD];
	_ =	sdelay $0x3  }
0x98: {  	_ =	strace s5  }
0x99: {  	_ =	strace $0x8FFFFFFF  }
0x9a: {  	s20 =	sld [smem:$0x3FDB];
	_ =	sdelay $0x1  }
0x9b: {  	s6 =	simm.s32 $_scs_section_size  }
0x9c: {  	s7 =	simm.s32 $_size__tile_overlayer_lowered;
	s8 =	simm.s32 $_tile_overlayer_lowered  }
0x9d: {  	s23 =	simm.s32 $0x1BFF;
	s22 =	sshll.u32 s8, $0x1;
	s5 =	sadd.s32 s6, s20  }
0x9e: {  	s9 =	simm.s32 $0x0;
	s21 =	sshll.u32 s7, $0x1;
	s7 =	sadd.s32 s22, s5  }
0x9f: {  	[timem:s9], [sflag:s23] =	dma.local [hbm:s7], s21  }
0xa0: {  	_ =	swait.ge [sflag:s23], s21  }
0xa1: {  	s6 =	ssub.s32 $0x0, s21;
	[sflag:s23] =	ssyncset.done $0x0  }
0xa2: {  	[sflag:s23] =	ssyncadd.s32 s6;
	_ =	sdelay $0x1  }
0xa3: {  	s24 =	simm.s32 $0x1B8B  }
0xa4: {  	_ =	swait.ge [sflag:s24], $0x1  }
0xa5: {  	[sflag:s24] =	ssyncset.done $0x0  }
0xa6: {  	s25 =	simm.s32 $0x1B8E;
	[sflag:s24] =	ssyncadd.s32 $0xFFFFFFFF  }
0xa7: {  	s26 =	simm.s32 $execute0_lowered;
	[smem:$0x3FD2] =	sst s25  }
0xa8: {  	s6 =	sshll.u32 s26, $0x1;
	_ =	strace $0x80000046;
	[dreg:$0x1] =	wrdreg $0xFFFFFFFF  }
0xa9: {  	s28 =	simm.s32 $_size_execute0_lowered;
	s5 =	sadd.s32 s5, s6;
	[dreg:$0x0] =	wrdreg $0x0  }
0xaa: {  	s6 =	sshll.u32 s28, $0x1;
	[dreg:$0x2] =	wrdreg s5  }
0xab: {  	[dreg:$0x3] =	wrdreg s6  }
0xac: {  	[dreg:$0x4] =	wrdreg $0xC0  }
0xad: {  	_ =	task [dreg:s9], $0x5FFFF  }
0xae: {  	[dreg:$0x1] =	wrdreg $0xFFFFFFFF  }
0xaf: {  	[dreg:$0x0] =	wrdreg $0x60  }
0xb0: {  	[dreg:$0x2] =	wrdreg s19  }
0xb1: {  	[dreg:$0x3] =	wrdreg s2  }
0xb2: {  	[dreg:$0x4] =	wrdreg s4  }
0xb3: {  	[dreg:$0x5] =	wrdreg $0x9  }
0xb4: {  	_ =	task.clear_ibuf [dreg:s9], $0x6FFFF;
	_ =	strace $0x90000046  }
0xb5: {  	s29 =	simm.s32 $0x9;
	_ =	strace $0x80000048  }
0xb6: {  	_ =	swait.ge [sflag:s29], $0x1  }
0xb7: {  	[sflag:s29] =	ssyncadd.s32 $0xFFFFFFFF  }
0xb8: {  	_ =	strace $0x90000048  }
0xb9: {  	_ =	sfence  }
0xba: {  	s30 =	sld [smem:$0x0];
	_ =	sdelay $0x2  }
0xbb: {  	s31 =	sshll.u32 s1, $0xD;
	s1 =	sshrl.u32 s1, $0x2  }
0xbc: {  	s3 =	sand.u32 $0x4000, s31;
	s1 =	sadd.s32 s1, s30  }
0xbd: {  	s0 =	sor.u32 s3, s0;
	s1 =	sshll.u32 s1, $0x11  }
0xbe: {  	s0 =	sor.u32 s1, s0  }
0xbf: {  	s0 =	sadd.s32 $0x8F2B, s0  }
0xc0: {  	[sflag:s0] =	ssyncadd.remote.s32 $0x1  }
0xc1: {  	_ =	sfence.sel $0xFFFF  }
0xc2: {  	[dreg:$0x0] =	wrdreg $0xFFFFFFFF;
	(pc) =	sbr.abs _section_cstart, $3  }
0xc3: {  	[dreg:$0x1] =	wrdreg $0xFFFFFFFF  }
0xc4: {  	_ =	task.clear_ibuf [dreg:s9], $0x2FFFF;
	_ =	strace $0x9FFFFFFF  }
0xc5: {  	(tm) =	ssettm $0x7FFFFFFF  }
tec
execute0_lowered:
.L_overlay_start_1:
0x0: {  	(tag) =	ssettag $0x1  }
0x1: {  	s1 =	rddreg [dreg:$0x0]  }
0x2: {  	s0 =	rddreg [dreg:$0x1]  }
0x3: {  	s4 =	rddreg [dreg:$0x2]  }
0x4: {  	s5 =	srdreg.scid;
	s2 =	stileid.u32  }
0x5: {  	s3 =	simm.s32 $0x0;
	s9 =	simm.s32 $0x400;
	s10 =	simm.s32 $0x7A1400  }
0x6: {  	s11 =	simm.s32 $0x200;
	s12 =	simm.s32 $0x2200;
	s13 =	simm.s32 $0x4200  }
0x7: {  	s14 =	simm.s32 $0x6200;
	s15 =	simm.s32 $0x8200;
	s16 =	simm.s32 $0xA200  }
0x8: {  	s17 =	simm.s32 $0xC200;
	s18 =	simm.s32 $0xE200;
	s19 =	simm.s32 $0x1  }
0x9: {  	s20 =	simm.s32 $0x2;
	s21 =	simm.s32 $0x3;
	s22 =	simm.s32 $0x4  }
0xa: {  	s23 =	simm.s32 $0x5;
	s24 =	simm.s32 $0x6;
	s25 =	simm.s32 $0x7  }
0xb: {  	s26 =	simm.s32 $0x8;
	s28 =	simm.s32 $0x10200;
	s29 =	simm.s32 $0x0  }
0xc: {  	s5 =	sand.u32 $0x1, s5;
	s6 =	sshll.u32 s2, $0x1;
	[smem:$0x7FF] =	sst s3  }
0xd: {  	v0 =	vlaneseq.u32;
	s7 =	ssub.s32 $0x2, s5;
	s5 =	sor.u32 s5, s6;
	_ =	strace $0x80000047  }
0xe: {  	v0 =	vmul.u32 $0x80, v0;
	s31 =	sshrl.u32 s7, $0x1;
	s8 =	sshll.u32 s5, $0xC;
	s5 =	sshll.u32 s5, $0x6  }
0xf: {  	v1 =	vimm.s32 $0x0;
	s7 =	ssub.s32 s7, s31;
	s4 =	sadd.s32 s4, s8;
	s5 =	sadd.s32 s0, s5  }
0x10: {  	v2 =	vor.u32 $0x800, v0;
	v3 =	vor.u32 $0x1000, v0;
	v4 =	vor.u32 $0x1800, v0;
	s8 =	simm.s32 $0x9;
	s6 =	sadd.s32 $0x800, s4;
	s7 =	smax.u32 s7, $0x1  }
.LBB2_1:
0x11: {  	[tilespmem:s3], [sflag:$0x9] =	stream.linear.gather [hbm4b:s5+s3], $0x200, $0x38;
	[tilespmem:$0x14200] =	vst v63  }
0x12: {  	_ =	swait.ge [sflag:s8], $0x200  }
0x13: {  	[sflag:s8] =	ssyncset.done $0x0  }
0x14: {  	[sflag:s8] =	ssyncadd.s32 $0xFFFFFE00  }
0x15: {  	v5 =	vld [tilespmem:$0x0];
	_ =	sdelay $0x4  }
0x16: {  	v6 =	vshra.s32 v5, $0x1F;
	v7 =	vand.u32 $0x7F, v5  }
0x17: {  	vm1 =	vlt.s32 v5, $0x1;
	vm0 =	vne.s32 v7, $0x0;
	v6 =	vshrl.u32 v6, $0x19  }
0x18: {  	v5 =	vadd.s32 v6, v5;
	vm0 =	vmand vm1, vm0  }
0x19: {  	v5 =	vshrl.u32 v5, $0x7;
	v6 =	vsel vm0, $0xFFFFFFFF, v1  }
0x1a: {  	v5 =	vadd.s32 v6, v5  }
0x1b: {  	v5 =	vshll.u32 v5, $0x7  }
0x1c: {  	v5 =	vadd.s32 s1, v5  }
0x1d: {  	(v2sf) =	vpush v5, $0x0;
	_ =	sdelay $0x1  }
0x1e: {  	(v2sf) =	vpush v5, $0x1;
	_ =	sdelay $0x1  }
0x1f: {  	(v2sf) =	vpush v5, $0x2;
	_ =	sdelay $0x1  }
0x20: {  	(v2sf) =	vpush v5, $0x3;
	_ =	sdelay $0x1  }
0x21: {  	(v2sf) =	vpush v5, $0x4;
	_ =	sdelay $0x1  }
0x22: {  	(v2sf) =	vpush v5, $0x5;
	_ =	sdelay $0x1  }
0x23: {  	(v2sf) =	vpush v5, $0x6;
	_ =	sdelay $0x1  }
0x24: {  	(v2sf) =	vpush v5, $0x7  }
0x25: {  	s0 =	spop (v2sf)  }
0x26: {  	[tilespmem:s11], [sflag:$0x1] =	stream.strided.gather [hbm4b:s0+s9], $0x2000, s10, s9, $0x38;
	[tilespmem:$0x14200] =	vst v63  }
0x27: {  	s31 =	spop (v2sf)  }
0x28: {  	[tilespmem:s12], [sflag:$0x2] =	stream.strided.gather [hbm4b:s31+s9], $0x2000, s10, s9, $0x38;
	[tilespmem:$0x14200] =	vst v63  }
0x29: {  	s2 =	spop (v2sf)  }
0x2a: {  	[tilespmem:s13], [sflag:$0x3] =	stream.strided.gather [hbm4b:s2+s9], $0x2000, s10, s9, $0x38;
	[tilespmem:$0x14200] =	vst v63  }
0x2b: {  	s31 =	spop (v2sf)  }
0x2c: {  	[tilespmem:s14], [sflag:$0x4] =	stream.strided.gather [hbm4b:s31+s9], $0x2000, s10, s9, $0x38;
	[tilespmem:$0x14200] =	vst v63  }
0x2d: {  	s2 =	spop (v2sf)  }
0x2e: {  	[tilespmem:s15], [sflag:$0x5] =	stream.strided.gather [hbm4b:s2+s9], $0x2000, s10, s9, $0x38;
	[tilespmem:$0x14200] =	vst v63  }
0x2f: {  	s31 =	spop (v2sf)  }
0x30: {  	[tilespmem:s16], [sflag:$0x6] =	stream.strided.gather [hbm4b:s31+s9], $0x2000, s10, s9, $0x38;
	[tilespmem:$0x14200] =	vst v63  }
0x31: {  	s2 =	spop (v2sf)  }
0x32: {  	[tilespmem:s17], [sflag:$0x7] =	stream.strided.gather [hbm4b:s2+s9], $0x2000, s10, s9, $0x38;
	[tilespmem:$0x14200] =	vst v63  }
0x33: {  	s30 =	simm.s32 $0x10400;
	s0 =	simm.s32 $0x0;
	s31 =	spop (v2sf)  }
0x34: {  	[tilespmem:s18], [sflag:$0x8] =	stream.strided.gather [hbm4b:s31+s9], $0x2000, s10, s9, $0x38;
	[tilespmem:$0x14200] =	vst v63  }
.LBB2_2:
0x35: {  	s31 =	sshra.s32 s0, $0x2  }
0x36: {  	v5 =	vld [tilespmem:s31+$0x0];
	_ =	sdelay $0x4  }
0x37: {  	v6 =	vshra.s32 v5, $0x1F;
	v7 =	vand.u32 $0x7F, v5  }
0x38: {  	vm0 =	vlt.s32 v5, $0x1;
	v6 =	vshrl.u32 v6, $0x19;
	vm1 =	vne.s32 v7, $0x0  }
0x39: {  	v6 =	vadd.s32 v6, v5;
	vm0 =	vmand vm0, vm1  }
0x3a: {  	v6 =	vshrl.u32 v6, $0x7;
	v7 =	vsel vm0, $0xFFFFFFFF, v1  }
0x3b: {  	v6 =	vadd.s32 v7, v6  }
0x3c: {  	v7 =	vshll.u32 v6, $0x7  }
0x3d: {  	v5 =	vsub.s32 v5, v7  }
0x3e: {  	v8 =	vbroadcast v5, $0x0;
	_ =	sdelay $0x1  }
0x3f: {  	v9 =	vadd.s32 v0, v8;
	_ =	sdelay $0x1  }
0x40: {  	v6 =	vld [tilespmem:s31+$0x10];
	_ =	swait.ge [sflag:s19], $0x2000  }
0x41: {  	[sflag:s19] =	ssyncset.done $0x0  }
0x42: {  	[sflag:s19] =	ssyncadd.s32 $0xFFFFE000  }
0x43: {  	v9 =	vld.idx.msk [tilespmem:v9+s11+$0x0], $0xffff  }
0x44: {  	v10 =	vadd.s32 v2, v8;
	_ =	sdelay $0x3  }
0x45: {  	[tilespmem:s30+$0xFFFFFE00] =	vst v9  }
0x46: {  	v9 =	vld.idx.msk [tilespmem:v10+s11+$0x0], $0xffff  }
0x47: {  	v7 =	vadd.s32 s1, v7;
	v61 =	vadd.s32 v3, v8  }
0x48: {  	(v2sf) =	vpush v7, $0x8;
	_ =	sdelay $0x2  }
0x49: {  	[tilespmem:s30+$0xFFFFFE10] =	vst v9  }
0x4a: {  	v9 =	vld.idx.msk [tilespmem:v61+s11+$0x0], $0xffff  }
0x4b: {  	v8 =	vadd.s32 v4, v8;
	_ =	sdelay $0x3  }
0x4c: {  	[tilespmem:s30+$0xFFFFFE20] =	vst v9  }
0x4d: {  	v8 =	vld.idx.msk [tilespmem:v8+s11+$0x0], $0xffff;
	_ =	sdelay $0x2  }
0x4e: {  	v62 =	vbroadcast v5, $0x1;
	_ =	sdelay $0x1  }
0x4f: {  	v63 =	vadd.s32 v0, v62;
	s2 =	spop (v2sf);
	[tilespmem:s30+$0xFFFFFE30] =	vst v8  }
0x50: {  	[tilespmem:s11], [sflag:$0x1] =	stream.strided.gather [hbm4b:s2+s9], $0x2000, s10, s9, $0x38;
	[tilespmem:$0x14200] =	vst v63  }
0x51: {  	_ =	swait.ge [sflag:s20], $0x2000  }
0x52: {  	[sflag:s20] =	ssyncset.done $0x0  }
0x53: {  	[sflag:s20] =	ssyncadd.s32 $0xFFFFE000  }
0x54: {  	v8 =	vld.idx.msk [tilespmem:v63+s12+$0x0], $0xffff  }
0x55: {  	v12 =	vadd.s32 v2, v62;
	_ =	sdelay $0x3  }
0x56: {  	[tilespmem:s30+$0xFFFFFE40] =	vst v8  }
0x57: {  	v8 =	vld.idx.msk [tilespmem:v12+s12+$0x0], $0xffff  }
0x58: {  	v13 =	vadd.s32 v3, v62  }
0x59: {  	(v2sf) =	vpush v7, $0x9;
	_ =	sdelay $0x2  }
0x5a: {  	[tilespmem:s30+$0xFFFFFE50] =	vst v8  }
0x5b: {  	v8 =	vld.idx.msk [tilespmem:v13+s12+$0x0], $0xffff  }
0x5c: {  	v9 =	vadd.s32 v4, v62;
	_ =	sdelay $0x3  }
0x5d: {  	[tilespmem:s30+$0xFFFFFE60] =	vst v8  }
0x5e: {  	v8 =	vld.idx.msk [tilespmem:v9+s12+$0x0], $0xffff;
	_ =	sdelay $0x2  }
0x5f: {  	v14 =	vbroadcast v5, $0x2;
	_ =	sdelay $0x1  }
0x60: {  	v15 =	vadd.s32 v0, v14;
	s2 =	spop (v2sf);
	[tilespmem:s30+$0xFFFFFE70] =	vst v8  }
0x61: {  	[tilespmem:s12], [sflag:$0x2] =	stream.strided.gather [hbm4b:s2+s9], $0x2000, s10, s9, $0x38;
	[tilespmem:$0x14200] =	vst v63  }
0x62: {  	_ =	swait.ge [sflag:s21], $0x2000  }
0x63: {  	[sflag:s21] =	ssyncset.done $0x0  }
0x64: {  	[sflag:s21] =	ssyncadd.s32 $0xFFFFE000  }
0x65: {  	v8 =	vld.idx.msk [tilespmem:v15+s13+$0x0], $0xffff  }
0x66: {  	v16 =	vadd.s32 v2, v14;
	_ =	sdelay $0x3  }
0x67: {  	[tilespmem:s30+$0xFFFFFE80] =	vst v8  }
0x68: {  	v8 =	vld.idx.msk [tilespmem:v16+s13+$0x0], $0xffff  }
0x69: {  	v17 =	vadd.s32 v3, v14  }
0x6a: {  	(v2sf) =	vpush v7, $0xA;
	_ =	sdelay $0x2  }
0x6b: {  	[tilespmem:s30+$0xFFFFFE90] =	vst v8  }
0x6c: {  	v8 =	vld.idx.msk [tilespmem:v17+s13+$0x0], $0xffff  }
0x6d: {  	v9 =	vadd.s32 v4, v14;
	_ =	sdelay $0x3  }
0x6e: {  	[tilespmem:s30+$0xFFFFFEA0] =	vst v8  }
0x6f: {  	v8 =	vld.idx.msk [tilespmem:v9+s13+$0x0], $0xffff;
	_ =	sdelay $0x2  }
0x70: {  	v18 =	vbroadcast v5, $0x3;
	_ =	sdelay $0x1  }
0x71: {  	v19 =	vadd.s32 v0, v18;
	s2 =	spop (v2sf);
	[tilespmem:s30+$0xFFFFFEB0] =	vst v8  }
0x72: {  	[tilespmem:s13], [sflag:$0x3] =	stream.strided.gather [hbm4b:s2+s9], $0x2000, s10, s9, $0x38;
	[tilespmem:$0x14200] =	vst v63  }
0x73: {  	_ =	swait.ge [sflag:s22], $0x2000  }
0x74: {  	[sflag:s22] =	ssyncset.done $0x0  }
0x75: {  	[sflag:s22] =	ssyncadd.s32 $0xFFFFE000  }
0x76: {  	v8 =	vld.idx.msk [tilespmem:v19+s14+$0x0], $0xffff  }
0x77: {  	v20 =	vadd.s32 v2, v18;
	_ =	sdelay $0x3  }
0x78: {  	[tilespmem:s30+$0xFFFFFEC0] =	vst v8  }
0x79: {  	v8 =	vld.idx.msk [tilespmem:v20+s14+$0x0], $0xffff  }
0x7a: {  	v21 =	vadd.s32 v3, v18  }
0x7b: {  	(v2sf) =	vpush v7, $0xB;
	_ =	sdelay $0x2  }
0x7c: {  	[tilespmem:s30+$0xFFFFFED0] =	vst v8  }
0x7d: {  	v8 =	vld.idx.msk [tilespmem:v21+s14+$0x0], $0xffff  }
0x7e: {  	v9 =	vadd.s32 v4, v18;
	_ =	sdelay $0x3  }
0x7f: {  	[tilespmem:s30+$0xFFFFFEE0] =	vst v8  }
0x80: {  	v8 =	vld.idx.msk [tilespmem:v9+s14+$0x0], $0xffff;
	_ =	sdelay $0x2  }
0x81: {  	v22 =	vbroadcast v5, $0x4;
	_ =	sdelay $0x1  }
0x82: {  	v23 =	vadd.s32 v0, v22;
	s2 =	spop (v2sf);
	[tilespmem:s30+$0xFFFFFEF0] =	vst v8  }
0x83: {  	[tilespmem:s14], [sflag:$0x4] =	stream.strided.gather [hbm4b:s2+s9], $0x2000, s10, s9, $0x38;
	[tilespmem:$0x14200] =	vst v63  }
0x84: {  	_ =	swait.ge [sflag:s23], $0x2000  }
0x85: {  	[sflag:s23] =	ssyncset.done $0x0  }
0x86: {  	[sflag:s23] =	ssyncadd.s32 $0xFFFFE000  }
0x87: {  	v8 =	vld.idx.msk [tilespmem:v23+s15+$0x0], $0xffff  }
0x88: {  	v24 =	vadd.s32 v2, v22;
	_ =	sdelay $0x3  }
0x89: {  	[tilespmem:s30+$0xFFFFFF00] =	vst v8  }
0x8a: {  	v8 =	vld.idx.msk [tilespmem:v24+s15+$0x0], $0xffff  }
0x8b: {  	v25 =	vadd.s32 v3, v22  }
0x8c: {  	(v2sf) =	vpush v7, $0xC;
	_ =	sdelay $0x2  }
0x8d: {  	[tilespmem:s30+$0xFFFFFF10] =	vst v8  }
0x8e: {  	v8 =	vld.idx.msk [tilespmem:v25+s15+$0x0], $0xffff  }
0x8f: {  	v9 =	vadd.s32 v4, v22;
	_ =	sdelay $0x3  }
0x90: {  	[tilespmem:s30+$0xFFFFFF20] =	vst v8  }
0x91: {  	v8 =	vld.idx.msk [tilespmem:v9+s15+$0x0], $0xffff;
	_ =	sdelay $0x2  }
0x92: {  	v26 =	vbroadcast v5, $0x5;
	_ =	sdelay $0x1  }
0x93: {  	v27 =	vadd.s32 v0, v26;
	s2 =	spop (v2sf);
	[tilespmem:s30+$0xFFFFFF30] =	vst v8  }
0x94: {  	[tilespmem:s15], [sflag:$0x5] =	stream.strided.gather [hbm4b:s2+s9], $0x2000, s10, s9, $0x38;
	[tilespmem:$0x14200] =	vst v63  }
0x95: {  	_ =	swait.ge [sflag:s24], $0x2000  }
0x96: {  	[sflag:s24] =	ssyncset.done $0x0  }
0x97: {  	[sflag:s24] =	ssyncadd.s32 $0xFFFFE000  }
0x98: {  	v8 =	vld.idx.msk [tilespmem:v27+s16+$0x0], $0xffff  }
0x99: {  	v28 =	vadd.s32 v2, v26;
	_ =	sdelay $0x3  }
0x9a: {  	[tilespmem:s30+$0xFFFFFF40] =	vst v8  }
0x9b: {  	v8 =	vld.idx.msk [tilespmem:v28+s16+$0x0], $0xffff  }
0x9c: {  	v29 =	vadd.s32 v3, v26  }
0x9d: {  	(v2sf) =	vpush v7, $0xD;
	_ =	sdelay $0x2  }
0x9e: {  	[tilespmem:s30+$0xFFFFFF50] =	vst v8  }
0x9f: {  	v8 =	vld.idx.msk [tilespmem:v29+s16+$0x0], $0xffff  }
0xa0: {  	v9 =	vadd.s32 v4, v26;
	_ =	sdelay $0x3  }
0xa1: {  	[tilespmem:s30+$0xFFFFFF60] =	vst v8  }
0xa2: {  	v8 =	vld.idx.msk [tilespmem:v9+s16+$0x0], $0xffff;
	_ =	sdelay $0x2  }
0xa3: {  	v30 =	vbroadcast v5, $0x6;
	_ =	sdelay $0x1  }
0xa4: {  	v31 =	vadd.s32 v0, v30;
	s2 =	spop (v2sf);
	[tilespmem:s30+$0xFFFFFF70] =	vst v8  }
0xa5: {  	[tilespmem:s16], [sflag:$0x6] =	stream.strided.gather [hbm4b:s2+s9], $0x2000, s10, s9, $0x38;
	[tilespmem:$0x14200] =	vst v63  }
0xa6: {  	_ =	swait.ge [sflag:s25], $0x2000  }
0xa7: {  	[sflag:s25] =	ssyncset.done $0x0  }
0xa8: {  	[sflag:s25] =	ssyncadd.s32 $0xFFFFE000  }
0xa9: {  	v8 =	vld.idx.msk [tilespmem:v31+s17+$0x0], $0xffff  }
0xaa: {  	v32 =	vadd.s32 v2, v30;
	_ =	sdelay $0x3  }
0xab: {  	[tilespmem:s30+$0xFFFFFF80] =	vst v8  }
0xac: {  	v8 =	vld.idx.msk [tilespmem:v32+s17+$0x0], $0xffff  }
0xad: {  	v33 =	vadd.s32 v3, v30  }
0xae: {  	(v2sf) =	vpush v7, $0xE;
	_ =	sdelay $0x2  }
0xaf: {  	[tilespmem:s30+$0xFFFFFF90] =	vst v8  }
0xb0: {  	v8 =	vld.idx.msk [tilespmem:v33+s17+$0x0], $0xffff  }
0xb1: {  	v9 =	vadd.s32 v4, v30;
	_ =	sdelay $0x3  }
0xb2: {  	[tilespmem:s30+$0xFFFFFFA0] =	vst v8  }
0xb3: {  	v8 =	vld.idx.msk [tilespmem:v9+s17+$0x0], $0xffff;
	_ =	sdelay $0x2  }
0xb4: {  	v34 =	vbroadcast v5, $0x7;
	_ =	sdelay $0x1  }
0xb5: {  	v35 =	vadd.s32 v0, v34;
	s2 =	spop (v2sf);
	[tilespmem:s30+$0xFFFFFFB0] =	vst v8  }
0xb6: {  	[tilespmem:s17], [sflag:$0x7] =	stream.strided.gather [hbm4b:s2+s9], $0x2000, s10, s9, $0x38;
	[tilespmem:$0x14200] =	vst v63  }
0xb7: {  	_ =	swait.ge [sflag:s26], $0x2000  }
0xb8: {  	[sflag:s26] =	ssyncset.done $0x0  }
0xb9: {  	[sflag:s26] =	ssyncadd.s32 $0xFFFFE000  }
0xba: {  	v8 =	vld.idx.msk [tilespmem:v35+s18+$0x0], $0xffff  }
0xbb: {  	v36 =	vadd.s32 v2, v34;
	_ =	sdelay $0x3  }
0xbc: {  	[tilespmem:s30+$0xFFFFFFC0] =	vst v8  }
0xbd: {  	v8 =	vld.idx.msk [tilespmem:v36+s18+$0x0], $0xffff  }
0xbe: {  	v37 =	vadd.s32 v3, v34  }
0xbf: {  	(v2sf) =	vpush v7, $0xF;
	_ =	sdelay $0x2  }
0xc0: {  	[tilespmem:s30+$0xFFFFFFD0] =	vst v8  }
0xc1: {  	v7 =	vld.idx.msk [tilespmem:v37+s18+$0x0], $0xffff  }
0xc2: {  	v38 =	vadd.s32 v4, v34;
	_ =	sdelay $0x3  }
0xc3: {  	[tilespmem:s30+$0xFFFFFFE0] =	vst v7  }
0xc4: {  	v7 =	vld.idx.msk [tilespmem:v38+s18+$0x0], $0xffff;
	_ =	sdelay $0x2  }
0xc5: {  	v39 =	vbroadcast v5, $0x8;
	_ =	sdelay $0x1  }
0xc6: {  	s2 =	spop (v2sf);
	[tilespmem:s30+$0xFFFFFFF0] =	vst v7;
	v7 =	vadd.s32 v0, v39  }
0xc7: {  	[tilespmem:s18], [sflag:$0x8] =	stream.strided.gather [hbm4b:s2+s9], $0x2000, s10, s9, $0x38;
	[tilespmem:$0x14200] =	vst v63  }
0xc8: {  	_ =	swait.ge [sflag:s19], $0x2000  }
0xc9: {  	[sflag:s19] =	ssyncset.done $0x0  }
0xca: {  	[sflag:s19] =	ssyncadd.s32 $0xFFFFE000  }
0xcb: {  	v7 =	vld.idx.msk [tilespmem:v7+s11+$0x0], $0xffff  }
0xcc: {  	v11 =	vadd.s32 v2, v39;
	v40 =	vshra.s32 v6, $0x1F;
	v41 =	vand.u32 $0x7F, v6  }
0xcd: {  	vm15 =	vlt.s32 v6, $0x1;
	vm14 =	vne.s32 v41, $0x0;
	v9 =	vshrl.u32 v40, $0x19  }
0xce: {  	vm0 =	vmand vm15, vm14;
	v6 =	vadd.s32 v9, v6  }
0xcf: {  	v42 =	vsel vm0, $0xFFFFFFFF, v1;
	v6 =	vshrl.u32 v6, $0x7  }
0xd0: {  	v6 =	vadd.s32 v42, v6;
	[tilespmem:s30+$0x0] =	vst v7  }
0xd1: {  	v6 =	vshll.u32 v6, $0x7;
	v7 =	vld.idx.msk [tilespmem:v11+s11+$0x0], $0xffff  }
0xd2: {  	v43 =	vadd.s32 v3, v39;
	v6 =	vadd.s32 s1, v6  }
0xd3: {  	(v2sf) =	vpush v6, $0x0;
	_ =	sdelay $0x2  }
0xd4: {  	[tilespmem:s30+$0x10] =	vst v7  }
0xd5: {  	v7 =	vld.idx.msk [tilespmem:v43+s11+$0x0], $0xffff  }
0xd6: {  	v8 =	vadd.s32 v4, v39;
	_ =	sdelay $0x3  }
0xd7: {  	[tilespmem:s30+$0x20] =	vst v7  }
0xd8: {  	v7 =	vld.idx.msk [tilespmem:v8+s11+$0x0], $0xffff;
	_ =	sdelay $0x2  }
0xd9: {  	v44 =	vbroadcast v5, $0x9;
	_ =	sdelay $0x1  }
0xda: {  	s2 =	spop (v2sf);
	[tilespmem:s30+$0x30] =	vst v7;
	v7 =	vadd.s32 v0, v44  }
0xdb: {  	[tilespmem:s11], [sflag:$0x1] =	stream.strided.gather [hbm4b:s2+s9], $0x2000, s10, s9, $0x38;
	[tilespmem:$0x14200] =	vst v63  }
0xdc: {  	_ =	swait.ge [sflag:s20], $0x2000  }
0xdd: {  	[sflag:s20] =	ssyncset.done $0x0  }
0xde: {  	[sflag:s20] =	ssyncadd.s32 $0xFFFFE000  }
0xdf: {  	v7 =	vld.idx.msk [tilespmem:v7+s12+$0x0], $0xffff  }
0xe0: {  	v45 =	vadd.s32 v2, v44;
	_ =	sdelay $0x3  }
0xe1: {  	[tilespmem:s30+$0x40] =	vst v7  }
0xe2: {  	v7 =	vld.idx.msk [tilespmem:v45+s12+$0x0], $0xffff  }
0xe3: {  	v46 =	vadd.s32 v3, v44  }
0xe4: {  	(v2sf) =	vpush v6, $0x1;
	_ =	sdelay $0x2  }
0xe5: {  	[tilespmem:s30+$0x50] =	vst v7  }
0xe6: {  	v7 =	vld.idx.msk [tilespmem:v46+s12+$0x0], $0xffff  }
0xe7: {  	v8 =	vadd.s32 v4, v44;
	_ =	sdelay $0x3  }
0xe8: {  	[tilespmem:s30+$0x60] =	vst v7  }
0xe9: {  	v7 =	vld.idx.msk [tilespmem:v8+s12+$0x0], $0xffff;
	_ =	sdelay $0x2  }
0xea: {  	v47 =	vbroadcast v5, $0xA;
	_ =	sdelay $0x1  }
0xeb: {  	s2 =	spop (v2sf);
	[tilespmem:s30+$0x70] =	vst v7;
	v7 =	vadd.s32 v0, v47  }
0xec: {  	[tilespmem:s12], [sflag:$0x2] =	stream.strided.gather [hbm4b:s2+s9], $0x2000, s10, s9, $0x38;
	[tilespmem:$0x14200] =	vst v63  }
0xed: {  	_ =	swait.ge [sflag:s21], $0x2000  }
0xee: {  	[sflag:s21] =	ssyncset.done $0x0  }
0xef: {  	[sflag:s21] =	ssyncadd.s32 $0xFFFFE000  }
0xf0: {  	v7 =	vld.idx.msk [tilespmem:v7+s13+$0x0], $0xffff  }
0xf1: {  	v48 =	vadd.s32 v2, v47;
	_ =	sdelay $0x3  }
0xf2: {  	[tilespmem:s30+$0x80] =	vst v7  }
0xf3: {  	v7 =	vld.idx.msk [tilespmem:v48+s13+$0x0], $0xffff  }
0xf4: {  	v49 =	vadd.s32 v3, v47  }
0xf5: {  	(v2sf) =	vpush v6, $0x2;
	_ =	sdelay $0x2  }
0xf6: {  	[tilespmem:s30+$0x90] =	vst v7  }
0xf7: {  	v7 =	vld.idx.msk [tilespmem:v49+s13+$0x0], $0xffff  }
0xf8: {  	v8 =	vadd.s32 v4, v47;
	_ =	sdelay $0x3  }
0xf9: {  	[tilespmem:s30+$0xA0] =	vst v7  }
0xfa: {  	v7 =	vld.idx.msk [tilespmem:v8+s13+$0x0], $0xffff;
	_ =	sdelay $0x2  }
0xfb: {  	v50 =	vbroadcast v5, $0xB;
	_ =	sdelay $0x1  }
0xfc: {  	s2 =	spop (v2sf);
	[tilespmem:s30+$0xB0] =	vst v7;
	v7 =	vadd.s32 v0, v50  }
0xfd: {  	[tilespmem:s13], [sflag:$0x3] =	stream.strided.gather [hbm4b:s2+s9], $0x2000, s10, s9, $0x38;
	[tilespmem:$0x14200] =	vst v63  }
0xfe: {  	_ =	swait.ge [sflag:s22], $0x2000  }
0xff: {  	[sflag:s22] =	ssyncset.done $0x0  }
0x100: {  	[sflag:s22] =	ssyncadd.s32 $0xFFFFE000  }
0x101: {  	v7 =	vld.idx.msk [tilespmem:v7+s14+$0x0], $0xffff  }
0x102: {  	v51 =	vadd.s32 v2, v50;
	_ =	sdelay $0x3  }
0x103: {  	[tilespmem:s30+$0xC0] =	vst v7  }
0x104: {  	v7 =	vld.idx.msk [tilespmem:v51+s14+$0x0], $0xffff  }
0x105: {  	v52 =	vadd.s32 v3, v50  }
0x106: {  	(v2sf) =	vpush v6, $0x3;
	_ =	sdelay $0x2  }
0x107: {  	[tilespmem:s30+$0xD0] =	vst v7  }
0x108: {  	v7 =	vld.idx.msk [tilespmem:v52+s14+$0x0], $0xffff  }
0x109: {  	v8 =	vadd.s32 v4, v50;
	_ =	sdelay $0x3  }
0x10a: {  	[tilespmem:s30+$0xE0] =	vst v7  }
0x10b: {  	v7 =	vld.idx.msk [tilespmem:v8+s14+$0x0], $0xffff;
	_ =	sdelay $0x2  }
0x10c: {  	v53 =	vbroadcast v5, $0xC;
	_ =	sdelay $0x1  }
0x10d: {  	s2 =	spop (v2sf);
	[tilespmem:s30+$0xF0] =	vst v7;
	v7 =	vadd.s32 v0, v53  }
0x10e: {  	[tilespmem:s14], [sflag:$0x4] =	stream.strided.gather [hbm4b:s2+s9], $0x2000, s10, s9, $0x38;
	[tilespmem:$0x14200] =	vst v63  }
0x10f: {  	_ =	swait.ge [sflag:s23], $0x2000  }
0x110: {  	[sflag:s23] =	ssyncset.done $0x0  }
0x111: {  	[sflag:s23] =	ssyncadd.s32 $0xFFFFE000  }
0x112: {  	v7 =	vld.idx.msk [tilespmem:v7+s15+$0x0], $0xffff  }
0x113: {  	v54 =	vadd.s32 v2, v53;
	_ =	sdelay $0x3  }
0x114: {  	[tilespmem:s30+$0x100] =	vst v7  }
0x115: {  	v7 =	vld.idx.msk [tilespmem:v54+s15+$0x0], $0xffff  }
0x116: {  	v55 =	vadd.s32 v3, v53  }
0x117: {  	(v2sf) =	vpush v6, $0x4;
	_ =	sdelay $0x2  }
0x118: {  	[tilespmem:s30+$0x110] =	vst v7  }
0x119: {  	v7 =	vld.idx.msk [tilespmem:v55+s15+$0x0], $0xffff  }
0x11a: {  	v8 =	vadd.s32 v4, v53;
	_ =	sdelay $0x3  }
0x11b: {  	[tilespmem:s30+$0x120] =	vst v7  }
0x11c: {  	v7 =	vld.idx.msk [tilespmem:v8+s15+$0x0], $0xffff;
	_ =	sdelay $0x2  }
0x11d: {  	v56 =	vbroadcast v5, $0xD;
	_ =	sdelay $0x1  }
0x11e: {  	s2 =	spop (v2sf);
	[tilespmem:s30+$0x130] =	vst v7;
	v7 =	vadd.s32 v0, v56  }
0x11f: {  	[tilespmem:s15], [sflag:$0x5] =	stream.strided.gather [hbm4b:s2+s9], $0x2000, s10, s9, $0x38;
	[tilespmem:$0x14200] =	vst v63  }
0x120: {  	_ =	swait.ge [sflag:s24], $0x2000  }
0x121: {  	[sflag:s24] =	ssyncset.done $0x0  }
0x122: {  	[sflag:s24] =	ssyncadd.s32 $0xFFFFE000  }
0x123: {  	v7 =	vld.idx.msk [tilespmem:v7+s16+$0x0], $0xffff  }
0x124: {  	v57 =	vadd.s32 v2, v56;
	_ =	sdelay $0x3  }
0x125: {  	[tilespmem:s30+$0x140] =	vst v7  }
0x126: {  	v7 =	vld.idx.msk [tilespmem:v57+s16+$0x0], $0xffff  }
0x127: {  	v58 =	vadd.s32 v3, v56  }
0x128: {  	(v2sf) =	vpush v6, $0x5;
	_ =	sdelay $0x2  }
0x129: {  	[tilespmem:s30+$0x150] =	vst v7  }
0x12a: {  	v7 =	vld.idx.msk [tilespmem:v58+s16+$0x0], $0xffff  }
0x12b: {  	v8 =	vadd.s32 v4, v56;
	_ =	sdelay $0x3  }
0x12c: {  	[tilespmem:s30+$0x160] =	vst v7  }
0x12d: {  	v7 =	vld.idx.msk [tilespmem:v8+s16+$0x0], $0xffff;
	_ =	sdelay $0x2  }
0x12e: {  	v59 =	vbroadcast v5, $0xE;
	_ =	sdelay $0x1  }
0x12f: {  	s2 =	spop (v2sf);
	[tilespmem:s30+$0x170] =	vst v7;
	v7 =	vadd.s32 v0, v59  }
0x130: {  	[tilespmem:s16], [sflag:$0x6] =	stream.strided.gather [hbm4b:s2+s9], $0x2000, s10, s9, $0x38;
	[tilespmem:$0x14200] =	vst v63  }
0x131: {  	_ =	swait.ge [sflag:s25], $0x2000  }
0x132: {  	[sflag:s25] =	ssyncset.done $0x0  }
0x133: {  	[sflag:s25] =	ssyncadd.s32 $0xFFFFE000  }
0x134: {  	v7 =	vld.idx.msk [tilespmem:v7+s17+$0x0], $0xffff  }
0x135: {  	v60 =	vadd.s32 v2, v59;
	_ =	sdelay $0x3  }
0x136: {  	[tilespmem:s30+$0x180] =	vst v7  }
0x137: {  	v7 =	vld.idx.msk [tilespmem:v60+s17+$0x0], $0xffff  }
0x138: {  	v61 =	vadd.s32 v3, v59  }
0x139: {  	(v2sf) =	vpush v6, $0x6;
	_ =	sdelay $0x2  }
0x13a: {  	[tilespmem:s30+$0x190] =	vst v7  }
0x13b: {  	v7 =	vld.idx.msk [tilespmem:v61+s17+$0x0], $0xffff  }
0x13c: {  	v8 =	vadd.s32 v4, v59;
	_ =	sdelay $0x3  }
0x13d: {  	[tilespmem:s30+$0x1A0] =	vst v7  }
0x13e: {  	v7 =	vld.idx.msk [tilespmem:v8+s17+$0x0], $0xffff;
	_ =	sdelay $0x2  }
0x13f: {  	v5 =	vbroadcast v5, $0xF;
	_ =	sdelay $0x1  }
0x140: {  	s2 =	spop (v2sf);
	[tilespmem:s30+$0x1B0] =	vst v7;
	v7 =	vadd.s32 v0, v5  }
0x141: {  	[tilespmem:s17], [sflag:$0x7] =	stream.strided.gather [hbm4b:s2+s9], $0x2000, s10, s9, $0x38;
	[tilespmem:$0x14200] =	vst v63  }
0x142: {  	_ =	swait.ge [sflag:s26], $0x2000  }
0x143: {  	[sflag:s26] =	ssyncset.done $0x0  }
0x144: {  	[sflag:s26] =	ssyncadd.s32 $0xFFFFE000  }
0x145: {  	v7 =	vld.idx.msk [tilespmem:v7+s18+$0x0], $0xffff  }
0x146: {  	v62 =	vadd.s32 v2, v5;
	_ =	sdelay $0x3  }
0x147: {  	[tilespmem:s30+$0x1C0] =	vst v7  }
0x148: {  	v7 =	vld.idx.msk [tilespmem:v62+s18+$0x0], $0xffff  }
0x149: {  	v63 =	vadd.s32 v3, v5  }
0x14a: {  	(v2sf) =	vpush v6, $0x7;
	_ =	sdelay $0x2  }
0x14b: {  	[tilespmem:s30+$0x1D0] =	vst v7  }
0x14c: {  	v6 =	vld.idx.msk [tilespmem:v63+s18+$0x0], $0xffff  }
0x14d: {  	v5 =	vadd.s32 v4, v5;
	_ =	sdelay $0x3  }
0x14e: {  	[tilespmem:s30+$0x1E0] =	vst v6  }
0x14f: {  	v5 =	vld.idx.msk [tilespmem:v5+s18+$0x0], $0xffff  }
0x150: {  	p0 =	sne.s32 s0, $0x3C0  }
.Ltmp0:
0x151: {  	_ = 	snop;
	(pc) =	sbr.rel @p0 .LBB2_2-.Ltmp0, $3  }
0x152: {  	_ =	sdelay $0x1  }
0x153: {  	s0 =	sadd.s32 $0x40, s0;
	s2 =	spop (v2sf);
	[tilespmem:s30+$0x1F0] =	vst v5;
	s30 =	sadd.s32 $0x400, s30  }
0x154: {  	[tilespmem:s18], [sflag:$0x8] =	stream.strided.gather [hbm4b:s2+s9], $0x2000, s10, s9, $0x38;
	[tilespmem:$0x14200] =	vst v63  }
0x155: {  	[hbm4b:s4+s3] =	stream.linear.scatter [tilespmem:s28], [sflag:$0x9], $0x4000, $0x38;
	[tilespmem:$0x14200] =	vst v63  }
0x156: {  	_ =	swait.ge [sflag:s8], $0x4000  }
0x157: {  	s30 =	simm.s32 $0x110;
	[sflag:s8] =	ssyncset.done $0x0  }
0x158: {  	s31 =	simm.s32 $0x100;
	s0 =	simm.s32 $0x10400;
	[sflag:s8] =	ssyncadd.s32 $0xFFFFC000  }
.LBB2_4:
0x159: {  	v5 =	vld [tilespmem:s31+$0x0];
	_ =	sdelay $0x4  }
0x15a: {  	v6 =	vshra.s32 v5, $0x1F;
	v7 =	vand.u32 $0x7F, v5  }
0x15b: {  	vm0 =	vlt.s32 v5, $0x1;
	v6 =	vshrl.u32 v6, $0x19;
	vm1 =	vne.s32 v7, $0x0  }
0x15c: {  	v6 =	vadd.s32 v6, v5;
	vm0 =	vmand vm0, vm1  }
0x15d: {  	v6 =	vshrl.u32 v6, $0x7;
	v7 =	vsel vm0, $0xFFFFFFFF, v1  }
0x15e: {  	v6 =	vadd.s32 v7, v6  }
0x15f: {  	v7 =	vshll.u32 v6, $0x7  }
0x160: {  	v5 =	vsub.s32 v5, v7  }
0x161: {  	v8 =	vbroadcast v5, $0x0;
	_ =	sdelay $0x1  }
0x162: {  	v9 =	vadd.s32 v0, v8  }
0x163: {  	s2 =	sand.u32 $0x1F0, s30  }
0x164: {  	v6 =	vld [tilespmem:s2+$0x0];
	_ =	swait.ge [sflag:s19], $0x2000  }
0x165: {  	[sflag:s19] =	ssyncset.done $0x0  }
0x166: {  	[sflag:s19] =	ssyncadd.s32 $0xFFFFE000  }
0x167: {  	v9 =	vld.idx.msk [tilespmem:v9+s11+$0x0], $0xffff  }
0x168: {  	v10 =	vadd.s32 v2, v8;
	_ =	sdelay $0x3  }
0x169: {  	[tilespmem:s0+$0xFFFFFE00] =	vst v9  }
0x16a: {  	v9 =	vld.idx.msk [tilespmem:v10+s11+$0x0], $0xffff  }
0x16b: {  	v7 =	vadd.s32 s1, v7;
	v61 =	vadd.s32 v3, v8  }
0x16c: {  	(v2sf) =	vpush v7, $0x8;
	_ =	sdelay $0x2  }
0x16d: {  	[tilespmem:s0+$0xFFFFFE10] =	vst v9  }
0x16e: {  	v9 =	vld.idx.msk [tilespmem:v61+s11+$0x0], $0xffff  }
0x16f: {  	v8 =	vadd.s32 v4, v8;
	_ =	sdelay $0x3  }
0x170: {  	[tilespmem:s0+$0xFFFFFE20] =	vst v9  }
0x171: {  	v8 =	vld.idx.msk [tilespmem:v8+s11+$0x0], $0xffff;
	_ =	sdelay $0x2  }
0x172: {  	v62 =	vbroadcast v5, $0x1;
	_ =	sdelay $0x1  }
0x173: {  	v63 =	vadd.s32 v0, v62;
	s2 =	spop (v2sf);
	[tilespmem:s0+$0xFFFFFE30] =	vst v8  }
0x174: {  	[tilespmem:s11], [sflag:$0x1] =	stream.strided.gather [hbm4b:s2+s9], $0x2000, s10, s9, $0x38;
	[tilespmem:$0x14200] =	vst v63  }
0x175: {  	_ =	swait.ge [sflag:s20], $0x2000  }
0x176: {  	[sflag:s20] =	ssyncset.done $0x0  }
0x177: {  	[sflag:s20] =	ssyncadd.s32 $0xFFFFE000  }
0x178: {  	v8 =	vld.idx.msk [tilespmem:v63+s12+$0x0], $0xffff  }
0x179: {  	v12 =	vadd.s32 v2, v62;
	_ =	sdelay $0x3  }
0x17a: {  	[tilespmem:s0+$0xFFFFFE40] =	vst v8  }
0x17b: {  	v8 =	vld.idx.msk [tilespmem:v12+s12+$0x0], $0xffff  }
0x17c: {  	v13 =	vadd.s32 v3, v62  }
0x17d: {  	(v2sf) =	vpush v7, $0x9;
	_ =	sdelay $0x2  }
0x17e: {  	[tilespmem:s0+$0xFFFFFE50] =	vst v8  }
0x17f: {  	v8 =	vld.idx.msk [tilespmem:v13+s12+$0x0], $0xffff  }
0x180: {  	v9 =	vadd.s32 v4, v62;
	_ =	sdelay $0x3  }
0x181: {  	[tilespmem:s0+$0xFFFFFE60] =	vst v8  }
0x182: {  	v8 =	vld.idx.msk [tilespmem:v9+s12+$0x0], $0xffff;
	_ =	sdelay $0x2  }
0x183: {  	v14 =	vbroadcast v5, $0x2;
	_ =	sdelay $0x1  }
0x184: {  	v15 =	vadd.s32 v0, v14;
	s2 =	spop (v2sf);
	[tilespmem:s0+$0xFFFFFE70] =	vst v8  }
0x185: {  	[tilespmem:s12], [sflag:$0x2] =	stream.strided.gather [hbm4b:s2+s9], $0x2000, s10, s9, $0x38;
	[tilespmem:$0x14200] =	vst v63  }
0x186: {  	_ =	swait.ge [sflag:s21], $0x2000  }
0x187: {  	[sflag:s21] =	ssyncset.done $0x0  }
0x188: {  	[sflag:s21] =	ssyncadd.s32 $0xFFFFE000  }
0x189: {  	v8 =	vld.idx.msk [tilespmem:v15+s13+$0x0], $0xffff  }
0x18a: {  	v16 =	vadd.s32 v2, v14;
	_ =	sdelay $0x3  }
0x18b: {  	[tilespmem:s0+$0xFFFFFE80] =	vst v8  }
0x18c: {  	v8 =	vld.idx.msk [tilespmem:v16+s13+$0x0], $0xffff  }
0x18d: {  	v17 =	vadd.s32 v3, v14  }
0x18e: {  	(v2sf) =	vpush v7, $0xA;
	_ =	sdelay $0x2  }
0x18f: {  	[tilespmem:s0+$0xFFFFFE90] =	vst v8  }
0x190: {  	v8 =	vld.idx.msk [tilespmem:v17+s13+$0x0], $0xffff  }
0x191: {  	v9 =	vadd.s32 v4, v14;
	_ =	sdelay $0x3  }
0x192: {  	[tilespmem:s0+$0xFFFFFEA0] =	vst v8  }
0x193: {  	v8 =	vld.idx.msk [tilespmem:v9+s13+$0x0], $0xffff;
	_ =	sdelay $0x2  }
0x194: {  	v18 =	vbroadcast v5, $0x3;
	_ =	sdelay $0x1  }
0x195: {  	v19 =	vadd.s32 v0, v18;
	s2 =	spop (v2sf);
	[tilespmem:s0+$0xFFFFFEB0] =	vst v8  }
0x196: {  	[tilespmem:s13], [sflag:$0x3] =	stream.strided.gather [hbm4b:s2+s9], $0x2000, s10, s9, $0x38;
	[tilespmem:$0x14200] =	vst v63  }
0x197: {  	_ =	swait.ge [sflag:s22], $0x2000  }
0x198: {  	[sflag:s22] =	ssyncset.done $0x0  }
0x199: {  	[sflag:s22] =	ssyncadd.s32 $0xFFFFE000  }
0x19a: {  	v8 =	vld.idx.msk [tilespmem:v19+s14+$0x0], $0xffff  }
0x19b: {  	v20 =	vadd.s32 v2, v18;
	_ =	sdelay $0x3  }
0x19c: {  	[tilespmem:s0+$0xFFFFFEC0] =	vst v8  }
0x19d: {  	v8 =	vld.idx.msk [tilespmem:v20+s14+$0x0], $0xffff  }
0x19e: {  	v21 =	vadd.s32 v3, v18  }
0x19f: {  	(v2sf) =	vpush v7, $0xB;
	_ =	sdelay $0x2  }
0x1a0: {  	[tilespmem:s0+$0xFFFFFED0] =	vst v8  }
0x1a1: {  	v8 =	vld.idx.msk [tilespmem:v21+s14+$0x0], $0xffff  }
0x1a2: {  	v9 =	vadd.s32 v4, v18;
	_ =	sdelay $0x3  }
0x1a3: {  	[tilespmem:s0+$0xFFFFFEE0] =	vst v8  }
0x1a4: {  	v8 =	vld.idx.msk [tilespmem:v9+s14+$0x0], $0xffff;
	_ =	sdelay $0x2  }
0x1a5: {  	v22 =	vbroadcast v5, $0x4;
	_ =	sdelay $0x1  }
0x1a6: {  	v23 =	vadd.s32 v0, v22;
	s2 =	spop (v2sf);
	[tilespmem:s0+$0xFFFFFEF0] =	vst v8  }
0x1a7: {  	[tilespmem:s14], [sflag:$0x4] =	stream.strided.gather [hbm4b:s2+s9], $0x2000, s10, s9, $0x38;
	[tilespmem:$0x14200] =	vst v63  }
0x1a8: {  	_ =	swait.ge [sflag:s23], $0x2000  }
0x1a9: {  	[sflag:s23] =	ssyncset.done $0x0  }
0x1aa: {  	[sflag:s23] =	ssyncadd.s32 $0xFFFFE000  }
0x1ab: {  	v8 =	vld.idx.msk [tilespmem:v23+s15+$0x0], $0xffff  }
0x1ac: {  	v24 =	vadd.s32 v2, v22;
	_ =	sdelay $0x3  }
0x1ad: {  	[tilespmem:s0+$0xFFFFFF00] =	vst v8  }
0x1ae: {  	v8 =	vld.idx.msk [tilespmem:v24+s15+$0x0], $0xffff  }
0x1af: {  	v25 =	vadd.s32 v3, v22  }
0x1b0: {  	(v2sf) =	vpush v7, $0xC;
	_ =	sdelay $0x2  }
0x1b1: {  	[tilespmem:s0+$0xFFFFFF10] =	vst v8  }
0x1b2: {  	v8 =	vld.idx.msk [tilespmem:v25+s15+$0x0], $0xffff  }
0x1b3: {  	v9 =	vadd.s32 v4, v22;
	_ =	sdelay $0x3  }
0x1b4: {  	[tilespmem:s0+$0xFFFFFF20] =	vst v8  }
0x1b5: {  	v8 =	vld.idx.msk [tilespmem:v9+s15+$0x0], $0xffff;
	_ =	sdelay $0x2  }
0x1b6: {  	v26 =	vbroadcast v5, $0x5;
	_ =	sdelay $0x1  }
0x1b7: {  	v27 =	vadd.s32 v0, v26;
	s2 =	spop (v2sf);
	[tilespmem:s0+$0xFFFFFF30] =	vst v8  }
0x1b8: {  	[tilespmem:s15], [sflag:$0x5] =	stream.strided.gather [hbm4b:s2+s9], $0x2000, s10, s9, $0x38;
	[tilespmem:$0x14200] =	vst v63  }
0x1b9: {  	_ =	swait.ge [sflag:s24], $0x2000  }
0x1ba: {  	[sflag:s24] =	ssyncset.done $0x0  }
0x1bb: {  	[sflag:s24] =	ssyncadd.s32 $0xFFFFE000  }
0x1bc: {  	v8 =	vld.idx.msk [tilespmem:v27+s16+$0x0], $0xffff  }
0x1bd: {  	v28 =	vadd.s32 v2, v26;
	_ =	sdelay $0x3  }
0x1be: {  	[tilespmem:s0+$0xFFFFFF40] =	vst v8  }
0x1bf: {  	v8 =	vld.idx.msk [tilespmem:v28+s16+$0x0], $0xffff  }
0x1c0: {  	v29 =	vadd.s32 v3, v26  }
0x1c1: {  	(v2sf) =	vpush v7, $0xD;
	_ =	sdelay $0x2  }
0x1c2: {  	[tilespmem:s0+$0xFFFFFF50] =	vst v8  }
0x1c3: {  	v8 =	vld.idx.msk [tilespmem:v29+s16+$0x0], $0xffff  }
0x1c4: {  	v9 =	vadd.s32 v4, v26;
	_ =	sdelay $0x3  }
0x1c5: {  	[tilespmem:s0+$0xFFFFFF60] =	vst v8  }
0x1c6: {  	v8 =	vld.idx.msk [tilespmem:v9+s16+$0x0], $0xffff;
	_ =	sdelay $0x2  }
0x1c7: {  	v30 =	vbroadcast v5, $0x6;
	_ =	sdelay $0x1  }
0x1c8: {  	v31 =	vadd.s32 v0, v30;
	s2 =	spop (v2sf);
	[tilespmem:s0+$0xFFFFFF70] =	vst v8  }
0x1c9: {  	[tilespmem:s16], [sflag:$0x6] =	stream.strided.gather [hbm4b:s2+s9], $0x2000, s10, s9, $0x38;
	[tilespmem:$0x14200] =	vst v63  }
0x1ca: {  	_ =	swait.ge [sflag:s25], $0x2000  }
0x1cb: {  	[sflag:s25] =	ssyncset.done $0x0  }
0x1cc: {  	[sflag:s25] =	ssyncadd.s32 $0xFFFFE000  }
0x1cd: {  	v8 =	vld.idx.msk [tilespmem:v31+s17+$0x0], $0xffff  }
0x1ce: {  	v32 =	vadd.s32 v2, v30;
	_ =	sdelay $0x3  }
0x1cf: {  	[tilespmem:s0+$0xFFFFFF80] =	vst v8  }
0x1d0: {  	v8 =	vld.idx.msk [tilespmem:v32+s17+$0x0], $0xffff  }
0x1d1: {  	v33 =	vadd.s32 v3, v30  }
0x1d2: {  	(v2sf) =	vpush v7, $0xE;
	_ =	sdelay $0x2  }
0x1d3: {  	[tilespmem:s0+$0xFFFFFF90] =	vst v8  }
0x1d4: {  	v8 =	vld.idx.msk [tilespmem:v33+s17+$0x0], $0xffff  }
0x1d5: {  	v9 =	vadd.s32 v4, v30;
	_ =	sdelay $0x3  }
0x1d6: {  	[tilespmem:s0+$0xFFFFFFA0] =	vst v8  }
0x1d7: {  	v8 =	vld.idx.msk [tilespmem:v9+s17+$0x0], $0xffff;
	_ =	sdelay $0x2  }
0x1d8: {  	v34 =	vbroadcast v5, $0x7;
	_ =	sdelay $0x1  }
0x1d9: {  	v35 =	vadd.s32 v0, v34;
	s2 =	spop (v2sf);
	[tilespmem:s0+$0xFFFFFFB0] =	vst v8  }
0x1da: {  	[tilespmem:s17], [sflag:$0x7] =	stream.strided.gather [hbm4b:s2+s9], $0x2000, s10, s9, $0x38;
	[tilespmem:$0x14200] =	vst v63  }
0x1db: {  	_ =	swait.ge [sflag:s26], $0x2000  }
0x1dc: {  	[sflag:s26] =	ssyncset.done $0x0  }
0x1dd: {  	[sflag:s26] =	ssyncadd.s32 $0xFFFFE000  }
0x1de: {  	v8 =	vld.idx.msk [tilespmem:v35+s18+$0x0], $0xffff  }
0x1df: {  	v36 =	vadd.s32 v2, v34;
	_ =	sdelay $0x3  }
0x1e0: {  	[tilespmem:s0+$0xFFFFFFC0] =	vst v8  }
0x1e1: {  	v8 =	vld.idx.msk [tilespmem:v36+s18+$0x0], $0xffff  }
0x1e2: {  	v37 =	vadd.s32 v3, v34  }
0x1e3: {  	(v2sf) =	vpush v7, $0xF;
	_ =	sdelay $0x2  }
0x1e4: {  	[tilespmem:s0+$0xFFFFFFD0] =	vst v8  }
0x1e5: {  	v7 =	vld.idx.msk [tilespmem:v37+s18+$0x0], $0xffff  }
0x1e6: {  	v38 =	vadd.s32 v4, v34;
	_ =	sdelay $0x3  }
0x1e7: {  	[tilespmem:s0+$0xFFFFFFE0] =	vst v7  }
0x1e8: {  	v7 =	vld.idx.msk [tilespmem:v38+s18+$0x0], $0xffff;
	_ =	sdelay $0x2  }
0x1e9: {  	v39 =	vbroadcast v5, $0x8;
	_ =	sdelay $0x1  }
0x1ea: {  	s2 =	spop (v2sf);
	[tilespmem:s0+$0xFFFFFFF0] =	vst v7;
	v7 =	vadd.s32 v0, v39  }
0x1eb: {  	[tilespmem:s18], [sflag:$0x8] =	stream.strided.gather [hbm4b:s2+s9], $0x2000, s10, s9, $0x38;
	[tilespmem:$0x14200] =	vst v63  }
0x1ec: {  	_ =	swait.ge [sflag:s19], $0x2000  }
0x1ed: {  	[sflag:s19] =	ssyncset.done $0x0  }
0x1ee: {  	[sflag:s19] =	ssyncadd.s32 $0xFFFFE000  }
0x1ef: {  	v7 =	vld.idx.msk [tilespmem:v7+s11+$0x0], $0xffff  }
0x1f0: {  	v11 =	vadd.s32 v2, v39;
	v40 =	vshra.s32 v6, $0x1F;
	v41 =	vand.u32 $0x7F, v6  }
0x1f1: {  	vm15 =	vlt.s32 v6, $0x1;
	vm14 =	vne.s32 v41, $0x0;
	v9 =	vshrl.u32 v40, $0x19  }
0x1f2: {  	vm0 =	vmand vm15, vm14;
	v6 =	vadd.s32 v9, v6  }
0x1f3: {  	v42 =	vsel vm0, $0xFFFFFFFF, v1;
	v6 =	vshrl.u32 v6, $0x7  }
0x1f4: {  	v6 =	vadd.s32 v42, v6;
	[tilespmem:s0+$0x0] =	vst v7  }
0x1f5: {  	v6 =	vshll.u32 v6, $0x7;
	v7 =	vld.idx.msk [tilespmem:v11+s11+$0x0], $0xffff  }
0x1f6: {  	v43 =	vadd.s32 v3, v39;
	v6 =	vadd.s32 s1, v6  }
0x1f7: {  	(v2sf) =	vpush v6, $0x0;
	_ =	sdelay $0x2  }
0x1f8: {  	[tilespmem:s0+$0x10] =	vst v7  }
0x1f9: {  	v7 =	vld.idx.msk [tilespmem:v43+s11+$0x0], $0xffff  }
0x1fa: {  	v8 =	vadd.s32 v4, v39;
	_ =	sdelay $0x3  }
0x1fb: {  	[tilespmem:s0+$0x20] =	vst v7  }
0x1fc: {  	v7 =	vld.idx.msk [tilespmem:v8+s11+$0x0], $0xffff;
	_ =	sdelay $0x2  }
0x1fd: {  	v44 =	vbroadcast v5, $0x9;
	_ =	sdelay $0x1  }
0x1fe: {  	s2 =	spop (v2sf);
	[tilespmem:s0+$0x30] =	vst v7;
	v7 =	vadd.s32 v0, v44  }
0x1ff: {  	[tilespmem:s11], [sflag:$0x1] =	stream.strided.gather [hbm4b:s2+s9], $0x2000, s10, s9, $0x38;
	[tilespmem:$0x14200] =	vst v63  }
0x200: {  	_ =	swait.ge [sflag:s20], $0x2000  }
0x201: {  	[sflag:s20] =	ssyncset.done $0x0  }
0x202: {  	[sflag:s20] =	ssyncadd.s32 $0xFFFFE000  }
0x203: {  	v7 =	vld.idx.msk [tilespmem:v7+s12+$0x0], $0xffff  }
0x204: {  	v45 =	vadd.s32 v2, v44;
	_ =	sdelay $0x3  }
0x205: {  	[tilespmem:s0+$0x40] =	vst v7  }
0x206: {  	v7 =	vld.idx.msk [tilespmem:v45+s12+$0x0], $0xffff  }
0x207: {  	v46 =	vadd.s32 v3, v44  }
0x208: {  	(v2sf) =	vpush v6, $0x1;
	_ =	sdelay $0x2  }
0x209: {  	[tilespmem:s0+$0x50] =	vst v7  }
0x20a: {  	v7 =	vld.idx.msk [tilespmem:v46+s12+$0x0], $0xffff  }
0x20b: {  	v8 =	vadd.s32 v4, v44;
	_ =	sdelay $0x3  }
0x20c: {  	[tilespmem:s0+$0x60] =	vst v7  }
0x20d: {  	v7 =	vld.idx.msk [tilespmem:v8+s12+$0x0], $0xffff;
	_ =	sdelay $0x2  }
0x20e: {  	v47 =	vbroadcast v5, $0xA;
	_ =	sdelay $0x1  }
0x20f: {  	s2 =	spop (v2sf);
	[tilespmem:s0+$0x70] =	vst v7;
	v7 =	vadd.s32 v0, v47  }
0x210: {  	[tilespmem:s12], [sflag:$0x2] =	stream.strided.gather [hbm4b:s2+s9], $0x2000, s10, s9, $0x38;
	[tilespmem:$0x14200] =	vst v63  }
0x211: {  	_ =	swait.ge [sflag:s21], $0x2000  }
0x212: {  	[sflag:s21] =	ssyncset.done $0x0  }
0x213: {  	[sflag:s21] =	ssyncadd.s32 $0xFFFFE000  }
0x214: {  	v7 =	vld.idx.msk [tilespmem:v7+s13+$0x0], $0xffff  }
0x215: {  	v48 =	vadd.s32 v2, v47;
	_ =	sdelay $0x3  }
0x216: {  	[tilespmem:s0+$0x80] =	vst v7  }
0x217: {  	v7 =	vld.idx.msk [tilespmem:v48+s13+$0x0], $0xffff  }
0x218: {  	v49 =	vadd.s32 v3, v47  }
0x219: {  	(v2sf) =	vpush v6, $0x2;
	_ =	sdelay $0x2  }
0x21a: {  	[tilespmem:s0+$0x90] =	vst v7  }
0x21b: {  	v7 =	vld.idx.msk [tilespmem:v49+s13+$0x0], $0xffff  }
0x21c: {  	v8 =	vadd.s32 v4, v47;
	_ =	sdelay $0x3  }
0x21d: {  	[tilespmem:s0+$0xA0] =	vst v7  }
0x21e: {  	v7 =	vld.idx.msk [tilespmem:v8+s13+$0x0], $0xffff;
	_ =	sdelay $0x2  }
0x21f: {  	v50 =	vbroadcast v5, $0xB;
	_ =	sdelay $0x1  }
0x220: {  	s2 =	spop (v2sf);
	[tilespmem:s0+$0xB0] =	vst v7;
	v7 =	vadd.s32 v0, v50  }
0x221: {  	[tilespmem:s13], [sflag:$0x3] =	stream.strided.gather [hbm4b:s2+s9], $0x2000, s10, s9, $0x38;
	[tilespmem:$0x14200] =	vst v63  }
0x222: {  	_ =	swait.ge [sflag:s22], $0x2000  }
0x223: {  	[sflag:s22] =	ssyncset.done $0x0  }
0x224: {  	[sflag:s22] =	ssyncadd.s32 $0xFFFFE000  }
0x225: {  	v7 =	vld.idx.msk [tilespmem:v7+s14+$0x0], $0xffff  }
0x226: {  	v51 =	vadd.s32 v2, v50;
	_ =	sdelay $0x3  }
0x227: {  	[tilespmem:s0+$0xC0] =	vst v7  }
0x228: {  	v7 =	vld.idx.msk [tilespmem:v51+s14+$0x0], $0xffff  }
0x229: {  	v52 =	vadd.s32 v3, v50  }
0x22a: {  	(v2sf) =	vpush v6, $0x3;
	_ =	sdelay $0x2  }
0x22b: {  	[tilespmem:s0+$0xD0] =	vst v7  }
0x22c: {  	v7 =	vld.idx.msk [tilespmem:v52+s14+$0x0], $0xffff  }
0x22d: {  	v8 =	vadd.s32 v4, v50;
	_ =	sdelay $0x3  }
0x22e: {  	[tilespmem:s0+$0xE0] =	vst v7  }
0x22f: {  	v7 =	vld.idx.msk [tilespmem:v8+s14+$0x0], $0xffff;
	_ =	sdelay $0x2  }
0x230: {  	v53 =	vbroadcast v5, $0xC;
	_ =	sdelay $0x1  }
0x231: {  	s2 =	spop (v2sf);
	[tilespmem:s0+$0xF0] =	vst v7;
	v7 =	vadd.s32 v0, v53  }
0x232: {  	[tilespmem:s14], [sflag:$0x4] =	stream.strided.gather [hbm4b:s2+s9], $0x2000, s10, s9, $0x38;
	[tilespmem:$0x14200] =	vst v63  }
0x233: {  	_ =	swait.ge [sflag:s23], $0x2000  }
0x234: {  	[sflag:s23] =	ssyncset.done $0x0  }
0x235: {  	[sflag:s23] =	ssyncadd.s32 $0xFFFFE000  }
0x236: {  	v7 =	vld.idx.msk [tilespmem:v7+s15+$0x0], $0xffff  }
0x237: {  	v54 =	vadd.s32 v2, v53;
	_ =	sdelay $0x3  }
0x238: {  	[tilespmem:s0+$0x100] =	vst v7  }
0x239: {  	v7 =	vld.idx.msk [tilespmem:v54+s15+$0x0], $0xffff  }
0x23a: {  	v55 =	vadd.s32 v3, v53  }
0x23b: {  	(v2sf) =	vpush v6, $0x4;
	_ =	sdelay $0x2  }
0x23c: {  	[tilespmem:s0+$0x110] =	vst v7  }
0x23d: {  	v7 =	vld.idx.msk [tilespmem:v55+s15+$0x0], $0xffff  }
0x23e: {  	v8 =	vadd.s32 v4, v53;
	_ =	sdelay $0x3  }
0x23f: {  	[tilespmem:s0+$0x120] =	vst v7  }
0x240: {  	v7 =	vld.idx.msk [tilespmem:v8+s15+$0x0], $0xffff;
	_ =	sdelay $0x2  }
0x241: {  	v56 =	vbroadcast v5, $0xD;
	_ =	sdelay $0x1  }
0x242: {  	s2 =	spop (v2sf);
	[tilespmem:s0+$0x130] =	vst v7;
	v7 =	vadd.s32 v0, v56  }
0x243: {  	[tilespmem:s15], [sflag:$0x5] =	stream.strided.gather [hbm4b:s2+s9], $0x2000, s10, s9, $0x38;
	[tilespmem:$0x14200] =	vst v63  }
0x244: {  	_ =	swait.ge [sflag:s24], $0x2000  }
0x245: {  	[sflag:s24] =	ssyncset.done $0x0  }
0x246: {  	[sflag:s24] =	ssyncadd.s32 $0xFFFFE000  }
0x247: {  	v7 =	vld.idx.msk [tilespmem:v7+s16+$0x0], $0xffff  }
0x248: {  	v57 =	vadd.s32 v2, v56;
	_ =	sdelay $0x3  }
0x249: {  	[tilespmem:s0+$0x140] =	vst v7  }
0x24a: {  	v7 =	vld.idx.msk [tilespmem:v57+s16+$0x0], $0xffff  }
0x24b: {  	v58 =	vadd.s32 v3, v56  }
0x24c: {  	(v2sf) =	vpush v6, $0x5;
	_ =	sdelay $0x2  }
0x24d: {  	[tilespmem:s0+$0x150] =	vst v7  }
0x24e: {  	v7 =	vld.idx.msk [tilespmem:v58+s16+$0x0], $0xffff  }
0x24f: {  	v8 =	vadd.s32 v4, v56;
	_ =	sdelay $0x3  }
0x250: {  	[tilespmem:s0+$0x160] =	vst v7  }
0x251: {  	v7 =	vld.idx.msk [tilespmem:v8+s16+$0x0], $0xffff;
	_ =	sdelay $0x2  }
0x252: {  	v59 =	vbroadcast v5, $0xE;
	_ =	sdelay $0x1  }
0x253: {  	s2 =	spop (v2sf);
	[tilespmem:s0+$0x170] =	vst v7;
	v7 =	vadd.s32 v0, v59  }
0x254: {  	[tilespmem:s16], [sflag:$0x6] =	stream.strided.gather [hbm4b:s2+s9], $0x2000, s10, s9, $0x38;
	[tilespmem:$0x14200] =	vst v63  }
0x255: {  	_ =	swait.ge [sflag:s25], $0x2000  }
0x256: {  	[sflag:s25] =	ssyncset.done $0x0  }
0x257: {  	[sflag:s25] =	ssyncadd.s32 $0xFFFFE000  }
0x258: {  	v7 =	vld.idx.msk [tilespmem:v7+s17+$0x0], $0xffff  }
0x259: {  	v60 =	vadd.s32 v2, v59;
	_ =	sdelay $0x3  }
0x25a: {  	[tilespmem:s0+$0x180] =	vst v7  }
0x25b: {  	v7 =	vld.idx.msk [tilespmem:v60+s17+$0x0], $0xffff  }
0x25c: {  	v61 =	vadd.s32 v3, v59  }
0x25d: {  	(v2sf) =	vpush v6, $0x6;
	_ =	sdelay $0x2  }
0x25e: {  	[tilespmem:s0+$0x190] =	vst v7  }
0x25f: {  	v7 =	vld.idx.msk [tilespmem:v61+s17+$0x0], $0xffff  }
0x260: {  	v8 =	vadd.s32 v4, v59;
	_ =	sdelay $0x3  }
0x261: {  	[tilespmem:s0+$0x1A0] =	vst v7  }
0x262: {  	v7 =	vld.idx.msk [tilespmem:v8+s17+$0x0], $0xffff;
	_ =	sdelay $0x2  }
0x263: {  	v5 =	vbroadcast v5, $0xF;
	_ =	sdelay $0x1  }
0x264: {  	s2 =	spop (v2sf);
	[tilespmem:s0+$0x1B0] =	vst v7;
	v7 =	vadd.s32 v0, v5  }
0x265: {  	[tilespmem:s17], [sflag:$0x7] =	stream.strided.gather [hbm4b:s2+s9], $0x2000, s10, s9, $0x38;
	[tilespmem:$0x14200] =	vst v63  }
0x266: {  	_ =	swait.ge [sflag:s26], $0x2000  }
0x267: {  	[sflag:s26] =	ssyncset.done $0x0  }
0x268: {  	[sflag:s26] =	ssyncadd.s32 $0xFFFFE000  }
0x269: {  	v7 =	vld.idx.msk [tilespmem:v7+s18+$0x0], $0xffff  }
0x26a: {  	v62 =	vadd.s32 v2, v5;
	_ =	sdelay $0x3  }
0x26b: {  	[tilespmem:s0+$0x1C0] =	vst v7  }
0x26c: {  	v7 =	vld.idx.msk [tilespmem:v62+s18+$0x0], $0xffff  }
0x26d: {  	v63 =	vadd.s32 v3, v5  }
0x26e: {  	(v2sf) =	vpush v6, $0x7;
	_ =	sdelay $0x2  }
0x26f: {  	[tilespmem:s0+$0x1D0] =	vst v7  }
0x270: {  	v6 =	vld.idx.msk [tilespmem:v63+s18+$0x0], $0xffff  }
0x271: {  	v5 =	vadd.s32 v4, v5;
	_ =	sdelay $0x3  }
0x272: {  	[tilespmem:s0+$0x1E0] =	vst v6  }
0x273: {  	v5 =	vld.idx.msk [tilespmem:v5+s18+$0x0], $0xffff  }
0x274: {  	p0 =	sne.s32 s30, $0x200  }
.Ltmp1:
0x275: {  	_ = 	snop;
	(pc) =	sbr.rel @p0 .LBB2_4-.Ltmp1, $4  }
0x276: {  	_ = 	snop  }
0x277: {  	s31 =	sadd.s32 $0x10, s31  }
0x278: {  	s30 =	sadd.s32 $0x10, s30;
	s2 =	spop (v2sf);
	[tilespmem:s0+$0x1F0] =	vst v5;
	s0 =	sadd.s32 $0x400, s0  }
0x279: {  	[tilespmem:s18], [sflag:$0x8] =	stream.strided.gather [hbm4b:s2+s9], $0x2000, s10, s9, $0x38;
	[tilespmem:$0x14200] =	vst v63  }
0x27a: {  	[hbm4b:s6+s3] =	stream.linear.scatter [tilespmem:s28], [sflag:$0x9], $0x4000, $0x38;
	[tilespmem:$0x14200] =	vst v63  }
0x27b: {  	_ =	swait.ge [sflag:s8], $0x4000  }
0x27c: {  	[sflag:s8] =	ssyncset.done $0x0  }
0x27d: {  	[sflag:s8] =	ssyncadd.s32 $0xFFFFC000  }
0x27e: {  	_ =	swait.ge [sflag:s19], $0x2000  }
0x27f: {  	[sflag:s19] =	ssyncset.done $0x0  }
0x280: {  	[sflag:s19] =	ssyncadd.s32 $0xFFFFE000  }
0x281: {  	_ =	swait.ge [sflag:s20], $0x2000  }
0x282: {  	[sflag:s20] =	ssyncset.done $0x0  }
0x283: {  	[sflag:s20] =	ssyncadd.s32 $0xFFFFE000  }
0x284: {  	_ =	swait.ge [sflag:s21], $0x2000  }
0x285: {  	[sflag:s21] =	ssyncset.done $0x0  }
0x286: {  	[sflag:s21] =	ssyncadd.s32 $0xFFFFE000  }
0x287: {  	_ =	swait.ge [sflag:s22], $0x2000  }
0x288: {  	[sflag:s22] =	ssyncset.done $0x0  }
0x289: {  	[sflag:s22] =	ssyncadd.s32 $0xFFFFE000  }
0x28a: {  	_ =	swait.ge [sflag:s23], $0x2000  }
0x28b: {  	[sflag:s23] =	ssyncset.done $0x0  }
0x28c: {  	[sflag:s23] =	ssyncadd.s32 $0xFFFFE000  }
0x28d: {  	_ =	swait.ge [sflag:s24], $0x2000  }
0x28e: {  	[sflag:s24] =	ssyncset.done $0x0  }
0x28f: {  	s29 =	sadd.s32 $0x1, s29;
	[sflag:s24] =	ssyncadd.s32 $0xFFFFE000  }
0x290: {  	p0 =	sne.s32 s29, s7;
	_ =	swait.ge [sflag:s25], $0x2000  }
.Ltmp2:
0x291: {  	[sflag:s25] =	ssyncset.done $0x0;
	(pc) =	sbr.rel @p0 .LBB2_1-.Ltmp2, $4  }
0x292: {  	[sflag:s25] =	ssyncadd.s32 $0xFFFFE000  }
0x293: {  	_ =	swait.ge [sflag:s26], $0x2000  }
0x294: {  	[sflag:s26] =	ssyncset.done $0x0  }
0x295: {  	[sflag:s26] =	ssyncadd.s32 $0xFFFFE000  }
0x296: {  	_ =	sfence.sel $0x180000  }
0x297: {  	[bflag:$0x0] =	sbarrier.arrive $0xFFFF  }
0x298: {  	_ =	strace $0x90000047  }
0x299: {  	s0 =	stileid.u32;
	[bflag:$0x2] =	sbarrier.arrive $0xFFFF  }
0x29a: {  	p0 =	sne.s32 s0, $0x0;
	s0 =	rddreg [dreg:$0x3]  }
0x29b: {  	s0 =	sadd.s32 @!p0 $0x100000, s0  }
0x29c: {  	[sflag:s0] =	ssyncadd.tile.s32 @!p0 $0x1;
	_ =	shalt  }
.Lfunc_end2:
_tile_overlayer_lowered:
.L_overlay_start_2:
0x29d: {  	(tag) =	ssettag $0x2  }
0x29e: {  	s0 =	rddreg [dreg:$0x0];
	s2 =	stileid.u32  }
0x29f: {  	s1 =	rddreg [dreg:$0x1];
	p0 =	sne.s32 s2, $0x0  }
0x2a0: {  	s3 =	rddreg [dreg:$0x2];
	[bflag:$0x3] =	sbarrier.arrive $0xFFFF;
	s2 =	simm.s32 @!p0 $0x1C09  }
0x2a1: {  	[timem:s3], [sflag:s2] =	dma.local @!p0 [hbm:s0], s1  }
0x2a2: {  	s0 =	simm.s32 @!p0 $0x9  }
0x2a3: {  	_ =	swait.ge @!p0 [sflag:s0], s1  }
0x2a4: {  	s1 =	ssub.s32 @!p0 $0x0, s1;
	[sflag:s0] =	ssyncset.done @!p0 $0x0  }
0x2a5: {  	[sflag:s0] =	ssyncadd.s32 @!p0 s1  }
0x2a6: {  	[bflag:$0x3] =	sbarrier.arrive $0xFFFF  }
0x2a7: {  	_ =	shalt  }

</sc_bundles>
